<compile_context>
chip_gen: v7x
topology: tpu7x:2x2x1
jax: 0.10.2.dev20260603
libtpu: 0.0.44.dev20260713+nightly
codegen_flags: <defaults>
</compile_context>

<pallas_src>
import functools

import jax
import jax.numpy as jnp
from jax import lax
from jax.experimental import pallas as pl
from jax.experimental.pallas import tpu as pltpu
from jax.experimental.pallas import tpu_sc as plsc

N = 10000
D = 128
T = 6
L = 2
M = 100000
E = T * M
SMALL = 1e-8
F32 = jnp.float32

NC, NS = 2, 16
NW = NC * NS
CH = 128
NBUF = 3
C = NBUF * (-(-E // (NW * CH * NBUF)))
CA = C
E_PAD = NW * CA * CH
TRASH = N
SH = 10112
ZR = SH // NS
ZB = 8

BN = 1000
NB = N // BN


def _zero_shared(zrows, zbuf, shared, sid):
    for i in range(CH // ZB):
        pltpu.sync_copy(zrows, zbuf.at[pl.ds(ZB * i, ZB)])
    base = sid * ZR
    for k in range(4):
        pltpu.sync_copy(zbuf, shared.at[pl.ds(base + CH * k, CH)])
    pltpu.sync_copy(zbuf.at[pl.ds(0, ZR - 4 * CH)],
                    shared.at[pl.ds(base + 4 * CH, ZR - 4 * CH)])


def _sc_msgs_body(prop, idx, zrows, out,
                  idxb, r0, r1, r2, g0, g1, g2, s0, s1, s2, shared):
    cid = lax.axis_index("c")
    sid = lax.axis_index("s")
    w = sid * NC + cid
    rows = (r0, r1, r2)
    sg = (g0, g1, g2)
    ss = (s0, s1, s2)
    _zero_shared(zrows, r0, shared, sid)
    plsc.subcore_barrier()

    def step(j, carry):
        c = NBUF * j
        pltpu.sync_copy(idx.at[w, pl.ds(c, NBUF)], idxb)
        cps = [pltpu.async_copy(prop.at[idxb.at[b, 0]], rows[b], sg[b])
               for b in range(NBUF)]
        scs = []
        for b in range(NBUF):
            cps[b].wait()
            scs.append(pltpu.async_copy(rows[b], shared.at[idxb.at[b, 1]],
                                        ss[b], add=True))
        for d in scs:
            d.wait()
        return carry

    lax.fori_loop(0, C // NBUF, step, 0)
    plsc.subcore_barrier()

    @pl.when(sid < 10)
    def _():
        pltpu.sync_copy(shared.at[pl.ds(sid * 1000, 1000)],
                        out.at[cid, pl.ds(sid * 1000, 1000)])


@functools.cache
def _sc_kernels():
    mesh = plsc.VectorSubcoreMesh(core_axis_name="c", subcore_axis_name="s",
                                  num_cores=NC, num_subcores=NS)
    sc_msgs = pl.kernel(
        _sc_msgs_body,
        out_type=jax.ShapeDtypeStruct((NC, N, D), F32),
        mesh=mesh,
        scratch_types=(
            [pltpu.VMEM((NBUF, 2, CH), jnp.int32)]
            + [pltpu.VMEM((CH, D), F32)] * NBUF
            + [pltpu.SemaphoreType.DMA] * (2 * NBUF)
            + [pltpu.VMEM_SHARED((SH, D), F32)]
        ),
    )
    sc_binc = pl.kernel(
        _sc_binc_body,
        out_type=jax.ShapeDtypeStruct((NC, N, D), F32),
        mesh=mesh,
        scratch_types=[
            pltpu.VMEM((NBUF, 2, CH), jnp.int32),
            pltpu.VMEM((CH, D), F32),
            pltpu.VMEM_SHARED((SH, D), F32),
        ],
    )
    return sc_msgs, sc_binc



def _sc_binc_body(idx, zrows, ones_h, out, idxb, ones_v, shared):
    cid = lax.axis_index("c")
    sid = lax.axis_index("s")
    w = sid * NC + cid
    _zero_shared(zrows, ones_v, shared, sid)
    pltpu.sync_copy(ones_h, ones_v)
    plsc.subcore_barrier()

    def step(j, carry):
        c = NBUF * j
        pltpu.sync_copy(idx.at[w, pl.ds(c, NBUF)], idxb)
        for b in range(NBUF):
            pltpu.sync_copy(ones_v, shared.at[idxb.at[b, 1]], add=True)
        return carry

    lax.fori_loop(0, C // NBUF, step, 0)
    plsc.subcore_barrier()

    @pl.when(sid < 10)
    def _():
        pltpu.sync_copy(shared.at[pl.ds(sid * 1000, 1000)],
                        out.at[cid, pl.ds(sid * 1000, 1000)])



def _prop_body(h_ref, w_ref, b_ref, o_ref):
    o_ref[0] = (jnp.dot(h_ref[...], w_ref[0], preferred_element_type=F32)
                + b_ref[0])


def _tc_prop(h, wt, bt):
    return pl.pallas_call(
        _prop_body,
        grid=(NB, T),
        in_specs=[
            pl.BlockSpec((BN, D), lambda nb, t: (nb, 0)),
            pl.BlockSpec((1, D, D), lambda nb, t: (t, 0, 0)),
            pl.BlockSpec((1, 1, D), lambda nb, t: (t, 0, 0)),
        ],
        out_specs=pl.BlockSpec((1, BN, D), lambda nb, t: (t, nb, 0)),
        out_shape=jax.ShapeDtypeStruct((T, N, D), F32),
    )(h, wt, bt)



def _gru_body(p_ref, bc_ref, h_ref, wih_ref, whh_ref, bih_ref, bhh_ref, o_ref):
    cnt = bc_ref[0, :, 0] + bc_ref[1, :, 0]
    div = jnp.where(cnt == 0.0, 1.0, cnt)
    msgs = (p_ref[0] + p_ref[1]) / div[:, None] + SMALL
    h = h_ref[...]
    gi = jnp.dot(msgs, wih_ref[...], preferred_element_type=F32) + bih_ref[...]
    gh = jnp.dot(h, whh_ref[...], preferred_element_type=F32) + bhh_ref[...]
    r = jax.nn.sigmoid(gi[:, :D] + gh[:, :D])
    z = jax.nn.sigmoid(gi[:, D:2 * D] + gh[:, D:2 * D])
    n = jnp.tanh(gi[:, 2 * D:] + r * gh[:, 2 * D:])
    o_ref[...] = (1.0 - z) * n + z * h


def _tc_gru(part, bc, h, wih_t, whh_t, bih, bhh):
    return pl.pallas_call(
        _gru_body,
        grid=(NB,),
        in_specs=[
            pl.BlockSpec((NC, BN, D), lambda nb: (0, nb, 0)),
            pl.BlockSpec((NC, BN, D), lambda nb: (0, nb, 0)),
            pl.BlockSpec((BN, D), lambda nb: (nb, 0)),
            pl.BlockSpec((D, 3 * D), lambda nb: (0, 0)),
            pl.BlockSpec((D, 3 * D), lambda nb: (0, 0)),
            pl.BlockSpec((1, 3 * D), lambda nb: (0, 0)),
            pl.BlockSpec((1, 3 * D), lambda nb: (0, 0)),
        ],
        out_specs=pl.BlockSpec((BN, D), lambda nb: (nb, 0)),
        out_shape=jax.ShapeDtypeStruct((N, D), F32),
    )(part, bc, h, wih_t, whh_t, bih, bhh)



def kernel(edge_lists, node_states, W_msg, b_msg, W_ih, W_hh, b_ih, b_hh):
    h = node_states

    gidx = (edge_lists[:, :, 0]
            + (jnp.arange(T, dtype=jnp.int32) * N)[:, None]).reshape(-1)
    tgt = edge_lists[:, :, 1].reshape(-1)
    pad = NW * C * CH - E
    gidx = jnp.concatenate([gidx, jnp.zeros((pad,), jnp.int32)])
    tgt = jnp.concatenate([tgt, jnp.full((pad,), TRASH, jnp.int32)])
    idx_all = jnp.stack(
        [gidx.reshape(NW, C, CH), tgt.reshape(NW, C, CH)], axis=2)

    zrows = jnp.zeros((ZB, D), F32)
    ones_rows = jnp.ones((CH, D), F32)

    sc_msgs, sc_binc = _sc_kernels()
    bc = sc_binc(idx_all, zrows, ones_rows)

    for layer in range(L):
        wt = W_msg[layer].reshape(T, D, D).transpose(0, 2, 1)
        bt = b_msg[layer].reshape(T, 1, D)
        prop = _tc_prop(h, wt, bt)
        part = sc_msgs(prop.reshape(T * N, D), idx_all, zrows)
        h = _tc_gru(part, bc, h,
                    W_ih[layer].T, W_hh[layer].T,
                    b_ih[layer].reshape(1, 3 * D),
                    b_hh[layer].reshape(1, 3 * D))
    return h

# --- scband reference (transcript-rebuilt; emitter-appended) ---
"""Pipeline reference for scband-ggnnencoder-25194278158853 (READ-ONLY COPY).

The authoritative reference and input builder live on the scoring server;
editing this copy changes nothing except your own understanding.
"""

import jax, jax.numpy as jnp
import numpy as np

N = 10000
D = 128
T = 6  # edge_type_count * 2 (backward_edges)
M = 100000
L = 2  # gnn_layers, weight sharing factor 1
SMALL_NUMBER = 1e-08


def _gru_cell(x, h, w_ih, w_hh, b_ih, b_hh):
    gi = x @ w_ih.T + b_ih
    gh = h @ w_hh.T + b_hh
    i_r, i_z, i_n = jnp.split(gi, 3, axis=1)
    h_r, h_z, h_n = jnp.split(gh, 3, axis=1)
    r = jax.nn.sigmoid(i_r + h_r)
    z = jax.nn.sigmoid(i_z + h_z)
    n = jnp.tanh(i_n + r * h_n)
    return (1.0 - z) * n + z * h


def _message_layer(edge_lists, node_states, w_msg, b_msg):
    # transform: Linear(D -> D*T), then chunk along dim 1 into T pieces
    prop = node_states @ w_msg.T + b_msg  # [N, D*T]
    msgs = jnp.zeros_like(node_states)
    binc = jnp.zeros((node_states.shape[0],), dtype=jnp.float32)
    for i in range(T):
        src = edge_lists[i, :, 0]
        tgt = edge_lists[i, :, 1]
        p_i = jax.lax.dynamic_slice_in_dim(prop, i * D, D, axis=1)
        m = jnp.take(p_i, src, axis=0)          # index_select by edge sources
        msgs = msgs.at[tgt].add(m)               # index_add_ by edge targets
        binc = binc.at[tgt].add(1.0)             # bincount accumulation
    divisor = jnp.where(binc == 0, 1.0, binc)    # mean aggregation
    return msgs / divisor[:, None] + SMALL_NUMBER


def setup_inputs(seed: int = 0):
    key = jax.random.key(seed)
    ks = jax.random.split(key, 8)
    node_states = jax.random.normal(ks[0], (N, D), dtype=jnp.float32)
    edge_lists = jax.random.randint(ks[1], (T, M, 2), 0, N, dtype=jnp.int32)
    s = float(1.0 / np.sqrt(D))
    W_msg = jax.random.uniform(ks[2], (L, D * T, D), minval=-s, maxval=s, dtype=jnp.float32)
    b_msg = jnp.zeros((L, D * T), dtype=jnp.float32)
    W_ih = jax.random.uniform(ks[3], (L, 3 * D, D), minval=-s, maxval=s, dtype=jnp.float32)
    W_hh = jax.random.uniform(ks[4], (L, 3 * D, D), minval=-s, maxval=s, dtype=jnp.float32)
    b_ih = jnp.zeros((L, 3 * D), dtype=jnp.float32)
    b_hh = jnp.zeros((L, 3 * D), dtype=jnp.float32)
    return {"edge_lists": edge_lists, "node_states": node_states,
            "W_msg": W_msg, "b_msg": b_msg,
            "W_ih": W_ih, "W_hh": W_hh, "b_ih": b_ih, "b_hh": b_hh}


def reference(edge_lists, node_states, W_msg, b_msg, W_ih, W_hh, b_ih, b_hh):
    h = node_states
    for layer in range(L):
        messages = _message_layer(edge_lists, h, W_msg[layer], b_msg[layer])
        h = _gru_cell(messages, h, W_ih[layer], W_hh[layer], b_ih[layer], b_hh[layer])
    return h

if __name__ == "__main__":
    import jax
    _d = setup_inputs()
    print(jax.jit(kernel)(*tuple(_d.values())))

</pallas_src>

<mosaic_0001>
#map = affine_map<(d0, d1) -> (0, 0)>
#map1 = affine_map<(d0, d1) -> (0, 0, 0, 0)>
#map2 = affine_map<(d0, d1) -> (0, 0, 0)>
module attributes {stable_mosaic.version = 14 : i64} {
  func.func @_sc_msgs_body(%arg0: i32, %arg1: i32, %arg2: memref<60000x128xf32, #tpu.memory_space<hbm>>, %arg3: memref<32x147x2x128xi32, #tpu.memory_space<hbm>>, %arg4: memref<8x128xf32, #tpu.memory_space<hbm>>, %arg5: memref<2x10000x128xf32, #tpu.memory_space<hbm>>, %arg6: memref<3x2x128xi32, #tpu.memory_space<vmem>>, %arg7: memref<128x128xf32, #tpu.memory_space<vmem>>, %arg8: memref<128x128xf32, #tpu.memory_space<vmem>>, %arg9: memref<128x128xf32, #tpu.memory_space<vmem>>, %arg10: memref<!tpu.dma_semaphore, #tpu.memory_space<semaphore_mem>>, %arg11: memref<!tpu.dma_semaphore, #tpu.memory_space<semaphore_mem>>, %arg12: memref<!tpu.dma_semaphore, #tpu.memory_space<semaphore_mem>>, %arg13: memref<!tpu.dma_semaphore, #tpu.memory_space<semaphore_mem>>, %arg14: memref<!tpu.dma_semaphore, #tpu.memory_space<semaphore_mem>>, %arg15: memref<!tpu.dma_semaphore, #tpu.memory_space<semaphore_mem>>, %arg16: memref<10112x128xf32, #tpu.memory_space<vmem_shared>>) attributes {dimension_semantics = [#tpu.dimension_semantics<core_parallel>, #tpu.dimension_semantics<subcore_parallel>], iteration_bounds = array<i64: 2, 16>, scalar_prefetch = 0 : i64, scratch_operands = 11 : i64, tpu.core_type = #tpu.core_type<sc_vector_subcore>, window_params = [{transform_indices = #map}, {transform_indices = #map1}, {transform_indices = #map}, {transform_indices = #map2}]} {
    %mul3A = arith.constant 2 : i32
    %mul3A_0 = arith.muli %arg1, %mul3A : i32
    %add3A = arith.addi %mul3A_0, %arg0 : i32
    "tpu.region"() ({
      %run_scoped3A = tpu.sem_alloc : memref<!tpu.dma_semaphore, #tpu.memory_space<semaphore_mem>>
      %dma_start3A = arith.constant 0 : i32
      %dma_start3A_21 = arith.constant 0 : i32
      %dma_start3A_22 = tpu.memref_slice %arg7[%dma_start3A, %dma_start3A_21] : memref<128x128xf32, #tpu.memory_space<vmem>> -> memref<8x128xf32, #tpu.memory_space<vmem>>
      %dma_start3A_23 = arith.constant 0 : i32
      %dma_start3A_24 = arith.constant 0 : i32
      %dma_start3A_25 = tpu.memref_slice %arg7[%dma_start3A_23, %dma_start3A_24] : memref<128x128xf32, #tpu.memory_space<vmem>> -> memref<8x128xf32, #tpu.memory_space<vmem>>
      tpu.enqueue_dma source(%arg4 : memref<8x128xf32, #tpu.memory_space<hbm>>) target(%dma_start3A_25 : memref<8x128xf32, #tpu.memory_space<vmem>>) target_semaphore(%run_scoped3A : memref<!tpu.dma_semaphore, #tpu.memory_space<semaphore_mem>>)
      %dma_wait3A = arith.constant 0 : i32
      %dma_wait3A_26 = arith.constant 0 : i32
      %dma_wait3A_27 = tpu.memref_slice %arg7[%dma_wait3A, %dma_wait3A_26] : memref<128x128xf32, #tpu.memory_space<vmem>> -> memref<8x128xf32, #tpu.memory_space<vmem>>
      %dma_wait3A_28 = arith.constant 0 : i32
      %dma_wait3A_29 = arith.constant 0 : i32
      %dma_wait3A_30 = tpu.memref_slice %arg7[%dma_wait3A_28, %dma_wait3A_29] : memref<128x128xf32, #tpu.memory_space<vmem>> -> memref<8x128xf32, #tpu.memory_space<vmem>>
      tpu.wait_dma2 semaphore(%run_scoped3A : memref<!tpu.dma_semaphore, #tpu.memory_space<semaphore_mem>>) src(%arg4 : memref<8x128xf32, #tpu.memory_space<hbm>>) dst(%dma_wait3A_30 : memref<8x128xf32, #tpu.memory_space<vmem>>)
      tpu.yield
    }) : () -> ()
    "tpu.region"() ({
      %run_scoped3A = tpu.sem_alloc : memref<!tpu.dma_semaphore, #tpu.memory_space<semaphore_mem>>
      %dma_start3A = arith.constant 8 : i32
      %dma_start3A_21 = arith.constant 0 : i32
      %dma_start3A_22 = tpu.memref_slice %arg7[%dma_start3A, %dma_start3A_21] : memref<128x128xf32, #tpu.memory_space<vmem>> -> memref<8x128xf32, #tpu.memory_space<vmem>>
      %dma_start3A_23 = arith.constant 8 : i32
      %dma_start3A_24 = arith.constant 0 : i32
      %dma_start3A_25 = tpu.memref_slice %arg7[%dma_start3A_23, %dma_start3A_24] : memref<128x128xf32, #tpu.memory_space<vmem>> -> memref<8x128xf32, #tpu.memory_space<vmem>>
      tpu.enqueue_dma source(%arg4 : memref<8x128xf32, #tpu.memory_space<hbm>>) target(%dma_start3A_25 : memref<8x128xf32, #tpu.memory_space<vmem>>) target_semaphore(%run_scoped3A : memref<!tpu.dma_semaphore, #tpu.memory_space<semaphore_mem>>)
      %dma_wait3A = arith.constant 8 : i32
      %dma_wait3A_26 = arith.constant 0 : i32
      %dma_wait3A_27 = tpu.memref_slice %arg7[%dma_wait3A, %dma_wait3A_26] : memref<128x128xf32, #tpu.memory_space<vmem>> -> memref<8x128xf32, #tpu.memory_space<vmem>>
      %dma_wait3A_28 = arith.constant 8 : i32
      %dma_wait3A_29 = arith.constant 0 : i32
      %dma_wait3A_30 = tpu.memref_slice %arg7[%dma_wait3A_28, %dma_wait3A_29] : memref<128x128xf32, #tpu.memory_space<vmem>> -> memref<8x128xf32, #tpu.memory_space<vmem>>
      tpu.wait_dma2 semaphore(%run_scoped3A : memref<!tpu.dma_semaphore, #tpu.memory_space<semaphore_mem>>) src(%arg4 : memref<8x128xf32, #tpu.memory_space<hbm>>) dst(%dma_wait3A_30 : memref<8x128xf32, #tpu.memory_space<vmem>>)
      tpu.yield
    }) : () -> ()
    "tpu.region"() ({
      %run_scoped3A = tpu.sem_alloc : memref<!tpu.dma_semaphore, #tpu.memory_space<semaphore_mem>>
      %dma_start3A = arith.constant 16 : i32
      %dma_start3A_21 = arith.constant 0 : i32
      %dma_start3A_22 = tpu.memref_slice %arg7[%dma_start3A, %dma_start3A_21] : memref<128x128xf32, #tpu.memory_space<vmem>> -> memref<8x128xf32, #tpu.memory_space<vmem>>
      %dma_start3A_23 = arith.constant 16 : i32
      %dma_start3A_24 = arith.constant 0 : i32
      %dma_start3A_25 = tpu.memref_slice %arg7[%dma_start3A_23, %dma_start3A_24] : memref<128x128xf32, #tpu.memory_space<vmem>> -> memref<8x128xf32, #tpu.memory_space<vmem>>
      tpu.enqueue_dma source(%arg4 : memref<8x128xf32, #tpu.memory_space<hbm>>) target(%dma_start3A_25 : memref<8x128xf32, #tpu.memory_space<vmem>>) target_semaphore(%run_scoped3A : memref<!tpu.dma_semaphore, #tpu.memory_space<semaphore_mem>>)
      %dma_wait3A = arith.constant 16 : i32
      %dma_wait3A_26 = arith.constant 0 : i32
      %dma_wait3A_27 = tpu.memref_slice %arg7[%dma_wait3A, %dma_wait3A_26] : memref<128x128xf32, #tpu.memory_space<vmem>> -> memref<8x128xf32, #tpu.memory_space<vmem>>
      %dma_wait3A_28 = arith.constant 16 : i32
      %dma_wait3A_29 = arith.constant 0 : i32
      %dma_wait3A_30 = tpu.memref_slice %arg7[%dma_wait3A_28, %dma_wait3A_29] : memref<128x128xf32, #tpu.memory_space<vmem>> -> memref<8x128xf32, #tpu.memory_space<vmem>>
      tpu.wait_dma2 semaphore(%run_scoped3A : memref<!tpu.dma_semaphore, #tpu.memory_space<semaphore_mem>>) src(%arg4 : memref<8x128xf32, #tpu.memory_space<hbm>>) dst(%dma_wait3A_30 : memref<8x128xf32, #tpu.memory_space<vmem>>)
      tpu.yield
    }) : () -> ()
    "tpu.region"() ({
      %run_scoped3A = tpu.sem_alloc : memref<!tpu.dma_semaphore, #tpu.memory_space<semaphore_mem>>
      %dma_start3A = arith.constant 24 : i32
      %dma_start3A_21 = arith.constant 0 : i32
      %dma_start3A_22 = tpu.memref_slice %arg7[%dma_start3A, %dma_start3A_21] : memref<128x128xf32, #tpu.memory_space<vmem>> -> memref<8x128xf32, #tpu.memory_space<vmem>>
      %dma_start3A_23 = arith.constant 24 : i32
      %dma_start3A_24 = arith.constant 0 : i32
      %dma_start3A_25 = tpu.memref_slice %arg7[%dma_start3A_23, %dma_start3A_24] : memref<128x128xf32, #tpu.memory_space<vmem>> -> memref<8x128xf32, #tpu.memory_space<vmem>>
      tpu.enqueue_dma source(%arg4 : memref<8x128xf32, #tpu.memory_space<hbm>>) target(%dma_start3A_25 : memref<8x128xf32, #tpu.memory_space<vmem>>) target_semaphore(%run_scoped3A : memref<!tpu.dma_semaphore, #tpu.memory_space<semaphore_mem>>)
      %dma_wait3A = arith.constant 24 : i32
      %dma_wait3A_26 = arith.constant 0 : i32
      %dma_wait3A_27 = tpu.memref_slice %arg7[%dma_wait3A, %dma_wait3A_26] : memref<128x128xf32, #tpu.memory_space<vmem>> -> memref<8x128xf32, #tpu.memory_space<vmem>>
      %dma_wait3A_28 = arith.constant 24 : i32
      %dma_wait3A_29 = arith.constant 0 : i32
      %dma_wait3A_30 = tpu.memref_slice %arg7[%dma_wait3A_28, %dma_wait3A_29] : memref<128x128xf32, #tpu.memory_space<vmem>> -> memref<8x128xf32, #tpu.memory_space<vmem>>
      tpu.wait_dma2 semaphore(%run_scoped3A : memref<!tpu.dma_semaphore, #tpu.memory_space<semaphore_mem>>) src(%arg4 : memref<8x128xf32, #tpu.memory_space<hbm>>) dst(%dma_wait3A_30 : memref<8x128xf32, #tpu.memory_space<vmem>>)
      tpu.yield
    }) : () -> ()
    "tpu.region"() ({
      %run_scoped3A = tpu.sem_alloc : memref<!tpu.dma_semaphore, #tpu.memory_space<semaphore_mem>>
      %dma_start3A = arith.constant 32 : i32
      %dma_start3A_21 = arith.constant 0 : i32
      %dma_start3A_22 = tpu.memref_slice %arg7[%dma_start3A, %dma_start3A_21] : memref<128x128xf32, #tpu.memory_space<vmem>> -> memref<8x128xf32, #tpu.memory_space<vmem>>
      %dma_start3A_23 = arith.constant 32 : i32
      %dma_start3A_24 = arith.constant 0 : i32
      %dma_start3A_25 = tpu.memref_slice %arg7[%dma_start3A_23, %dma_start3A_24] : memref<128x128xf32, #tpu.memory_space<vmem>> -> memref<8x128xf32, #tpu.memory_space<vmem>>
      tpu.enqueue_dma source(%arg4 : memref<8x128xf32, #tpu.memory_space<hbm>>) target(%dma_start3A_25 : memref<8x128xf32, #tpu.memory_space<vmem>>) target_semaphore(%run_scoped3A : memref<!tpu.dma_semaphore, #tpu.memory_space<semaphore_mem>>)
      %dma_wait3A = arith.constant 32 : i32
      %dma_wait3A_26 = arith.constant 0 : i32
      %dma_wait3A_27 = tpu.memref_slice %arg7[%dma_wait3A, %dma_wait3A_26] : memref<128x128xf32, #tpu.memory_space<vmem>> -> memref<8x128xf32, #tpu.memory_space<vmem>>
      %dma_wait3A_28 = arith.constant 32 : i32
      %dma_wait3A_29 = arith.constant 0 : i32
      %dma_wait3A_30 = tpu.memref_slice %arg7[%dma_wait3A_28, %dma_wait3A_29] : memref<128x128xf32, #tpu.memory_space<vmem>> -> memref<8x128xf32, #tpu.memory_space<vmem>>
      tpu.wait_dma2 semaphore(%run_scoped3A : memref<!tpu.dma_semaphore, #tpu.memory_space<semaphore_mem>>) src(%arg4 : memref<8x128xf32, #tpu.memory_space<hbm>>) dst(%dma_wait3A_30 : memref<8x128xf32, #tpu.memory_space<vmem>>)
      tpu.yield
    }) : () -> ()
    "tpu.region"() ({
      %run_scoped3A = tpu.sem_alloc : memref<!tpu.dma_semaphore, #tpu.memory_space<semaphore_mem>>
      %dma_start3A = arith.constant 40 : i32
      %dma_start3A_21 = arith.constant 0 : i32
      %dma_start3A_22 = tpu.memref_slice %arg7[%dma_start3A, %dma_start3A_21] : memref<128x128xf32, #tpu.memory_space<vmem>> -> memref<8x128xf32, #tpu.memory_space<vmem>>
      %dma_start3A_23 = arith.constant 40 : i32
      %dma_start3A_24 = arith.constant 0 : i32
      %dma_start3A_25 = tpu.memref_slice %arg7[%dma_start3A_23, %dma_start3A_24] : memref<128x128xf32, #tpu.memory_space<vmem>> -> memref<8x128xf32, #tpu.memory_space<vmem>>
      tpu.enqueue_dma source(%arg4 : memref<8x128xf32, #tpu.memory_space<hbm>>) target(%dma_start3A_25 : memref<8x128xf32, #tpu.memory_space<vmem>>) target_semaphore(%run_scoped3A : memref<!tpu.dma_semaphore, #tpu.memory_space<semaphore_mem>>)
      %dma_wait3A = arith.constant 40 : i32
      %dma_wait3A_26 = arith.constant 0 : i32
      %dma_wait3A_27 = tpu.memref_slice %arg7[%dma_wait3A, %dma_wait3A_26] : memref<128x128xf32, #tpu.memory_space<vmem>> -> memref<8x128xf32, #tpu.memory_space<vmem>>
      %dma_wait3A_28 = arith.constant 40 : i32
      %dma_wait3A_29 = arith.constant 0 : i32
      %dma_wait3A_30 = tpu.memref_slice %arg7[%dma_wait3A_28, %dma_wait3A_29] : memref<128x128xf32, #tpu.memory_space<vmem>> -> memref<8x128xf32, #tpu.memory_space<vmem>>
      tpu.wait_dma2 semaphore(%run_scoped3A : memref<!tpu.dma_semaphore, #tpu.memory_space<semaphore_mem>>) src(%arg4 : memref<8x128xf32, #tpu.memory_space<hbm>>) dst(%dma_wait3A_30 : memref<8x128xf32, #tpu.memory_space<vmem>>)
      tpu.yield
    }) : () -> ()
    "tpu.region"() ({
      %run_scoped3A = tpu.sem_alloc : memref<!tpu.dma_semaphore, #tpu.memory_space<semaphore_mem>>
      %dma_start3A = arith.constant 48 : i32
      %dma_start3A_21 = arith.constant 0 : i32
      %dma_start3A_22 = tpu.memref_slice %arg7[%dma_start3A, %dma_start3A_21] : memref<128x128xf32, #tpu.memory_space<vmem>> -> memref<8x128xf32, #tpu.memory_space<vmem>>
      %dma_start3A_23 = arith.constant 48 : i32
      %dma_start3A_24 = arith.constant 0 : i32
      %dma_start3A_25 = tpu.memref_slice %arg7[%dma_start3A_23, %dma_start3A_24] : memref<128x128xf32, #tpu.memory_space<vmem>> -> memref<8x128xf32, #tpu.memory_space<vmem>>
      tpu.enqueue_dma source(%arg4 : memref<8x128xf32, #tpu.memory_space<hbm>>) target(%dma_start3A_25 : memref<8x128xf32, #tpu.memory_space<vmem>>) target_semaphore(%run_scoped3A : memref<!tpu.dma_semaphore, #tpu.memory_space<semaphore_mem>>)
      %dma_wait3A = arith.constant 48 : i32
      %dma_wait3A_26 = arith.constant 0 : i32
      %dma_wait3A_27 = tpu.memref_slice %arg7[%dma_wait3A, %dma_wait3A_26] : memref<128x128xf32, #tpu.memory_space<vmem>> -> memref<8x128xf32, #tpu.memory_space<vmem>>
      %dma_wait3A_28 = arith.constant 48 : i32
      %dma_wait3A_29 = arith.constant 0 : i32
      %dma_wait3A_30 = tpu.memref_slice %arg7[%dma_wait3A_28, %dma_wait3A_29] : memref<128x128xf32, #tpu.memory_space<vmem>> -> memref<8x128xf32, #tpu.memory_space<vmem>>
      tpu.wait_dma2 semaphore(%run_scoped3A : memref<!tpu.dma_semaphore, #tpu.memory_space<semaphore_mem>>) src(%arg4 : memref<8x128xf32, #tpu.memory_space<hbm>>) dst(%dma_wait3A_30 : memref<8x128xf32, #tpu.memory_space<vmem>>)
      tpu.yield
    }) : () -> ()
    "tpu.region"() ({
      %run_scoped3A = tpu.sem_alloc : memref<!tpu.dma_semaphore, #tpu.memory_space<semaphore_mem>>
      %dma_start3A = arith.constant 56 : i32
      %dma_start3A_21 = arith.constant 0 : i32
      %dma_start3A_22 = tpu.memref_slice %arg7[%dma_start3A, %dma_start3A_21] : memref<128x128xf32, #tpu.memory_space<vmem>> -> memref<8x128xf32, #tpu.memory_space<vmem>>
      %dma_start3A_23 = arith.constant 56 : i32
      %dma_start3A_24 = arith.constant 0 : i32
      %dma_start3A_25 = tpu.memref_slice %arg7[%dma_start3A_23, %dma_start3A_24] : memref<128x128xf32, #tpu.memory_space<vmem>> -> memref<8x128xf32, #tpu.memory_space<vmem>>
      tpu.enqueue_dma source(%arg4 : memref<8x128xf32, #tpu.memory_space<hbm>>) target(%dma_start3A_25 : memref<8x128xf32, #tpu.memory_space<vmem>>) target_semaphore(%run_scoped3A : memref<!tpu.dma_semaphore, #tpu.memory_space<semaphore_mem>>)
      %dma_wait3A = arith.constant 56 : i32
      %dma_wait3A_26 = arith.constant 0 : i32
      %dma_wait3A_27 = tpu.memref_slice %arg7[%dma_wait3A, %dma_wait3A_26] : memref<128x128xf32, #tpu.memory_space<vmem>> -> memref<8x128xf32, #tpu.memory_space<vmem>>
      %dma_wait3A_28 = arith.constant 56 : i32
      %dma_wait3A_29 = arith.constant 0 : i32
      %dma_wait3A_30 = tpu.memref_slice %arg7[%dma_wait3A_28, %dma_wait3A_29] : memref<128x128xf32, #tpu.memory_space<vmem>> -> memref<8x128xf32, #tpu.memory_space<vmem>>
      tpu.wait_dma2 semaphore(%run_scoped3A : memref<!tpu.dma_semaphore, #tpu.memory_space<semaphore_mem>>) src(%arg4 : memref<8x128xf32, #tpu.memory_space<hbm>>) dst(%dma_wait3A_30 : memref<8x128xf32, #tpu.memory_space<vmem>>)
      tpu.yield
    }) : () -> ()
    "tpu.region"() ({
      %run_scoped3A = tpu.sem_alloc : memref<!tpu.dma_semaphore, #tpu.memory_space<semaphore_mem>>
      %dma_start3A = arith.constant 64 : i32
      %dma_start3A_21 = arith.constant 0 : i32
      %dma_start3A_22 = tpu.memref_slice %arg7[%dma_start3A, %dma_start3A_21] : memref<128x128xf32, #tpu.memory_space<vmem>> -> memref<8x128xf32, #tpu.memory_space<vmem>>
      %dma_start3A_23 = arith.constant 64 : i32
      %dma_start3A_24 = arith.constant 0 : i32
      %dma_start3A_25 = tpu.memref_slice %arg7[%dma_start3A_23, %dma_start3A_24] : memref<128x128xf32, #tpu.memory_space<vmem>> -> memref<8x128xf32, #tpu.memory_space<vmem>>
      tpu.enqueue_dma source(%arg4 : memref<8x128xf32, #tpu.memory_space<hbm>>) target(%dma_start3A_25 : memref<8x128xf32, #tpu.memory_space<vmem>>) target_semaphore(%run_scoped3A : memref<!tpu.dma_semaphore, #tpu.memory_space<semaphore_mem>>)
      %dma_wait3A = arith.constant 64 : i32
      %dma_wait3A_26 = arith.constant 0 : i32
      %dma_wait3A_27 = tpu.memref_slice %arg7[%dma_wait3A, %dma_wait3A_26] : memref<128x128xf32, #tpu.memory_space<vmem>> -> memref<8x128xf32, #tpu.memory_space<vmem>>
      %dma_wait3A_28 = arith.constant 64 : i32
      %dma_wait3A_29 = arith.constant 0 : i32
      %dma_wait3A_30 = tpu.memref_slice %arg7[%dma_wait3A_28, %dma_wait3A_29] : memref<128x128xf32, #tpu.memory_space<vmem>> -> memref<8x128xf32, #tpu.memory_space<vmem>>
      tpu.wait_dma2 semaphore(%run_scoped3A : memref<!tpu.dma_semaphore, #tpu.memory_space<semaphore_mem>>) src(%arg4 : memref<8x128xf32, #tpu.memory_space<hbm>>) dst(%dma_wait3A_30 : memref<8x128xf32, #tpu.memory_space<vmem>>)
      tpu.yield
    }) : () -> ()
    "tpu.region"() ({
      %run_scoped3A = tpu.sem_alloc : memref<!tpu.dma_semaphore, #tpu.memory_space<semaphore_mem>>
      %dma_start3A = arith.constant 72 : i32
      %dma_start3A_21 = arith.constant 0 : i32
      %dma_start3A_22 = tpu.memref_slice %arg7[%dma_start3A, %dma_start3A_21] : memref<128x128xf32, #tpu.memory_space<vmem>> -> memref<8x128xf32, #tpu.memory_space<vmem>>
      %dma_start3A_23 = arith.constant 72 : i32
      %dma_start3A_24 = arith.constant 0 : i32
      %dma_start3A_25 = tpu.memref_slice %arg7[%dma_start3A_23, %dma_start3A_24] : memref<128x128xf32, #tpu.memory_space<vmem>> -> memref<8x128xf32, #tpu.memory_space<vmem>>
      tpu.enqueue_dma source(%arg4 : memref<8x128xf32, #tpu.memory_space<hbm>>) target(%dma_start3A_25 : memref<8x128xf32, #tpu.memory_space<vmem>>) target_semaphore(%run_scoped3A : memref<!tpu.dma_semaphore, #tpu.memory_space<semaphore_mem>>)
      %dma_wait3A = arith.constant 72 : i32
      %dma_wait3A_26 = arith.constant 0 : i32
      %dma_wait3A_27 = tpu.memref_slice %arg7[%dma_wait3A, %dma_wait3A_26] : memref<128x128xf32, #tpu.memory_space<vmem>> -> memref<8x128xf32, #tpu.memory_space<vmem>>
      %dma_wait3A_28 = arith.constant 72 : i32
      %dma_wait3A_29 = arith.constant 0 : i32
      %dma_wait3A_30 = tpu.memref_slice %arg7[%dma_wait3A_28, %dma_wait3A_29] : memref<128x128xf32, #tpu.memory_space<vmem>> -> memref<8x128xf32, #tpu.memory_space<vmem>>
      tpu.wait_dma2 semaphore(%run_scoped3A : memref<!tpu.dma_semaphore, #tpu.memory_space<semaphore_mem>>) src(%arg4 : memref<8x128xf32, #tpu.memory_space<hbm>>) dst(%dma_wait3A_30 : memref<8x128xf32, #tpu.memory_space<vmem>>)
      tpu.yield
    }) : () -> ()
    "tpu.region"() ({
      %run_scoped3A = tpu.sem_alloc : memref<!tpu.dma_semaphore, #tpu.memory_space<semaphore_mem>>
      %dma_start3A = arith.constant 80 : i32
      %dma_start3A_21 = arith.constant 0 : i32
      %dma_start3A_22 = tpu.memref_slice %arg7[%dma_start3A, %dma_start3A_21] : memref<128x128xf32, #tpu.memory_space<vmem>> -> memref<8x128xf32, #tpu.memory_space<vmem>>
      %dma_start3A_23 = arith.constant 80 : i32
      %dma_start3A_24 = arith.constant 0 : i32
      %dma_start3A_25 = tpu.memref_slice %arg7[%dma_start3A_23, %dma_start3A_24] : memref<128x128xf32, #tpu.memory_space<vmem>> -> memref<8x128xf32, #tpu.memory_space<vmem>>
      tpu.enqueue_dma source(%arg4 : memref<8x128xf32, #tpu.memory_space<hbm>>) target(%dma_start3A_25 : memref<8x128xf32, #tpu.memory_space<vmem>>) target_semaphore(%run_scoped3A : memref<!tpu.dma_semaphore, #tpu.memory_space<semaphore_mem>>)
      %dma_wait3A = arith.constant 80 : i32
      %dma_wait3A_26 = arith.constant 0 : i32
      %dma_wait3A_27 = tpu.memref_slice %arg7[%dma_wait3A, %dma_wait3A_26] : memref<128x128xf32, #tpu.memory_space<vmem>> -> memref<8x128xf32, #tpu.memory_space<vmem>>
      %dma_wait3A_28 = arith.constant 80 : i32
      %dma_wait3A_29 = arith.constant 0 : i32
      %dma_wait3A_30 = tpu.memref_slice %arg7[%dma_wait3A_28, %dma_wait3A_29] : memref<128x128xf32, #tpu.memory_space<vmem>> -> memref<8x128xf32, #tpu.memory_space<vmem>>
      tpu.wait_dma2 semaphore(%run_scoped3A : memref<!tpu.dma_semaphore, #tpu.memory_space<semaphore_mem>>) src(%arg4 : memref<8x128xf32, #tpu.memory_space<hbm>>) dst(%dma_wait3A_30 : memref<8x128xf32, #tpu.memory_space<vmem>>)
      tpu.yield
    }) : () -> ()
    "tpu.region"() ({
      %run_scoped3A = tpu.sem_alloc : memref<!tpu.dma_semaphore, #tpu.memory_space<semaphore_mem>>
      %dma_start3A = arith.constant 88 : i32
      %dma_start3A_21 = arith.constant 0 : i32
      %dma_start3A_22 = tpu.memref_slice %arg7[%dma_start3A, %dma_start3A_21] : memref<128x128xf32, #tpu.memory_space<vmem>> -> memref<8x128xf32, #tpu.memory_space<vmem>>
      %dma_start3A_23 = arith.constant 88 : i32
      %dma_start3A_24 = arith.constant 0 : i32
      %dma_start3A_25 = tpu.memref_slice %arg7[%dma_start3A_23, %dma_start3A_24] : memref<128x128xf32, #tpu.memory_space<vmem>> -> memref<8x128xf32, #tpu.memory_space<vmem>>
      tpu.enqueue_dma source(%arg4 : memref<8x128xf32, #tpu.memory_space<hbm>>) target(%dma_start3A_25 : memref<8x128xf32, #tpu.memory_space<vmem>>) target_semaphore(%run_scoped3A : memref<!tpu.dma_semaphore, #tpu.memory_space<semaphore_mem>>)
      %dma_wait3A = arith.constant 88 : i32
      %dma_wait3A_26 = arith.constant 0 : i32
      %dma_wait3A_27 = tpu.memref_slice %arg7[%dma_wait3A, %dma_wait3A_26] : memref<128x128xf32, #tpu.memory_space<vmem>> -> memref<8x128xf32, #tpu.memory_space<vmem>>
      %dma_wait3A_28 = arith.constant 88 : i32
      %dma_wait3A_29 = arith.constant 0 : i32
      %dma_wait3A_30 = tpu.memref_slice %arg7[%dma_wait3A_28, %dma_wait3A_29] : memref<128x128xf32, #tpu.memory_space<vmem>> -> memref<8x128xf32, #tpu.memory_space<vmem>>
      tpu.wait_dma2 semaphore(%run_scoped3A : memref<!tpu.dma_semaphore, #tpu.memory_space<semaphore_mem>>) src(%arg4 : memref<8x128xf32, #tpu.memory_space<hbm>>) dst(%dma_wait3A_30 : memref<8x128xf32, #tpu.memory_space<vmem>>)
      tpu.yield
    }) : () -> ()
    "tpu.region"() ({
      %run_scoped3A = tpu.sem_alloc : memref<!tpu.dma_semaphore, #tpu.memory_space<semaphore_mem>>
      %dma_start3A = arith.constant 96 : i32
      %dma_start3A_21 = arith.constant 0 : i32
      %dma_start3A_22 = tpu.memref_slice %arg7[%dma_start3A, %dma_start3A_21] : memref<128x128xf32, #tpu.memory_space<vmem>> -> memref<8x128xf32, #tpu.memory_space<vmem>>
      %dma_start3A_23 = arith.constant 96 : i32
      %dma_start3A_24 = arith.constant 0 : i32
      %dma_start3A_25 = tpu.memref_slice %arg7[%dma_start3A_23, %dma_start3A_24] : memref<128x128xf32, #tpu.memory_space<vmem>> -> memref<8x128xf32, #tpu.memory_space<vmem>>
      tpu.enqueue_dma source(%arg4 : memref<8x128xf32, #tpu.memory_space<hbm>>) target(%dma_start3A_25 : memref<8x128xf32, #tpu.memory_space<vmem>>) target_semaphore(%run_scoped3A : memref<!tpu.dma_semaphore, #tpu.memory_space<semaphore_mem>>)
      %dma_wait3A = arith.constant 96 : i32
      %dma_wait3A_26 = arith.constant 0 : i32
      %dma_wait3A_27 = tpu.memref_slice %arg7[%dma_wait3A, %dma_wait3A_26] : memref<128x128xf32, #tpu.memory_space<vmem>> -> memref<8x128xf32, #tpu.memory_space<vmem>>
      %dma_wait3A_28 = arith.constant 96 : i32
      %dma_wait3A_29 = arith.constant 0 : i32
      %dma_wait3A_30 = tpu.memref_slice %arg7[%dma_wait3A_28, %dma_wait3A_29] : memref<128x128xf32, #tpu.memory_space<vmem>> -> memref<8x128xf32, #tpu.memory_space<vmem>>
      tpu.wait_dma2 semaphore(%run_scoped3A : memref<!tpu.dma_semaphore, #tpu.memory_space<semaphore_mem>>) src(%arg4 : memref<8x128xf32, #tpu.memory_space<hbm>>) dst(%dma_wait3A_30 : memref<8x128xf32, #tpu.memory_space<vmem>>)
      tpu.yield
    }) : () -> ()
    "tpu.region"() ({
      %run_scoped3A = tpu.sem_alloc : memref<!tpu.dma_semaphore, #tpu.memory_space<semaphore_mem>>
      %dma_start3A = arith.constant 104 : i32
      %dma_start3A_21 = arith.constant 0 : i32
      %dma_start3A_22 = tpu.memref_slice %arg7[%dma_start3A, %dma_start3A_21] : memref<128x128xf32, #tpu.memory_space<vmem>> -> memref<8x128xf32, #tpu.memory_space<vmem>>
      %dma_start3A_23 = arith.constant 104 : i32
      %dma_start3A_24 = arith.constant 0 : i32
      %dma_start3A_25 = tpu.memref_slice %arg7[%dma_start3A_23, %dma_start3A_24] : memref<128x128xf32, #tpu.memory_space<vmem>> -> memref<8x128xf32, #tpu.memory_space<vmem>>
      tpu.enqueue_dma source(%arg4 : memref<8x128xf32, #tpu.memory_space<hbm>>) target(%dma_start3A_25 : memref<8x128xf32, #tpu.memory_space<vmem>>) target_semaphore(%run_scoped3A : memref<!tpu.dma_semaphore, #tpu.memory_space<semaphore_mem>>)
      %dma_wait3A = arith.constant 104 : i32
      %dma_wait3A_26 = arith.constant 0 : i32
      %dma_wait3A_27 = tpu.memref_slice %arg7[%dma_wait3A, %dma_wait3A_26] : memref<128x128xf32, #tpu.memory_space<vmem>> -> memref<8x128xf32, #tpu.memory_space<vmem>>
      %dma_wait3A_28 = arith.constant 104 : i32
      %dma_wait3A_29 = arith.constant 0 : i32
      %dma_wait3A_30 = tpu.memref_slice %arg7[%dma_wait3A_28, %dma_wait3A_29] : memref<128x128xf32, #tpu.memory_space<vmem>> -> memref<8x128xf32, #tpu.memory_space<vmem>>
      tpu.wait_dma2 semaphore(%run_scoped3A : memref<!tpu.dma_semaphore, #tpu.memory_space<semaphore_mem>>) src(%arg4 : memref<8x128xf32, #tpu.memory_space<hbm>>) dst(%dma_wait3A_30 : memref<8x128xf32, #tpu.memory_space<vmem>>)
      tpu.yield
    }) : () -> ()
    "tpu.region"() ({
      %run_scoped3A = tpu.sem_alloc : memref<!tpu.dma_semaphore, #tpu.memory_space<semaphore_mem>>
      %dma_start3A = arith.constant 112 : i32
      %dma_start3A_21 = arith.constant 0 : i32
      %dma_start3A_22 = tpu.memref_slice %arg7[%dma_start3A, %dma_start3A_21] : memref<128x128xf32, #tpu.memory_space<vmem>> -> memref<8x128xf32, #tpu.memory_space<vmem>>
      %dma_start3A_23 = arith.constant 112 : i32
      %dma_start3A_24 = arith.constant 0 : i32
      %dma_start3A_25 = tpu.memref_slice %arg7[%dma_start3A_23, %dma_start3A_24] : memref<128x128xf32, #tpu.memory_space<vmem>> -> memref<8x128xf32, #tpu.memory_space<vmem>>
      tpu.enqueue_dma source(%arg4 : memref<8x128xf32, #tpu.memory_space<hbm>>) target(%dma_start3A_25 : memref<8x128xf32, #tpu.memory_space<vmem>>) target_semaphore(%run_scoped3A : memref<!tpu.dma_semaphore, #tpu.memory_space<semaphore_mem>>)
      %dma_wait3A = arith.constant 112 : i32
      %dma_wait3A_26 = arith.constant 0 : i32
      %dma_wait3A_27 = tpu.memref_slice %arg7[%dma_wait3A, %dma_wait3A_26] : memref<128x128xf32, #tpu.memory_space<vmem>> -> memref<8x128xf32, #tpu.memory_space<vmem>>
      %dma_wait3A_28 = arith.constant 112 : i32
      %dma_wait3A_29 = arith.constant 0 : i32
      %dma_wait3A_30 = tpu.memref_slice %arg7[%dma_wait3A_28, %dma_wait3A_29] : memref<128x128xf32, #tpu.memory_space<vmem>> -> memref<8x128xf32, #tpu.memory_space<vmem>>
      tpu.wait_dma2 semaphore(%run_scoped3A : memref<!tpu.dma_semaphore, #tpu.memory_space<semaphore_mem>>) src(%arg4 : memref<8x128xf32, #tpu.memory_space<hbm>>) dst(%dma_wait3A_30 : memref<8x128xf32, #tpu.memory_space<vmem>>)
      tpu.yield
    }) : () -> ()
    "tpu.region"() ({
      %run_scoped3A = tpu.sem_alloc : memref<!tpu.dma_semaphore, #tpu.memory_space<semaphore_mem>>
      %dma_start3A = arith.constant 120 : i32
      %dma_start3A_21 = arith.constant 0 : i32
      %dma_start3A_22 = tpu.memref_slice %arg7[%dma_start3A, %dma_start3A_21] : memref<128x128xf32, #tpu.memory_space<vmem>> -> memref<8x128xf32, #tpu.memory_space<vmem>>
      %dma_start3A_23 = arith.constant 120 : i32
      %dma_start3A_24 = arith.constant 0 : i32
      %dma_start3A_25 = tpu.memref_slice %arg7[%dma_start3A_23, %dma_start3A_24] : memref<128x128xf32, #tpu.memory_space<vmem>> -> memref<8x128xf32, #tpu.memory_space<vmem>>
      tpu.enqueue_dma source(%arg4 : memref<8x128xf32, #tpu.memory_space<hbm>>) target(%dma_start3A_25 : memref<8x128xf32, #tpu.memory_space<vmem>>) target_semaphore(%run_scoped3A : memref<!tpu.dma_semaphore, #tpu.memory_space<semaphore_mem>>)
      %dma_wait3A = arith.constant 120 : i32
      %dma_wait3A_26 = arith.constant 0 : i32
      %dma_wait3A_27 = tpu.memref_slice %arg7[%dma_wait3A, %dma_wait3A_26] : memref<128x128xf32, #tpu.memory_space<vmem>> -> memref<8x128xf32, #tpu.memory_space<vmem>>
      %dma_wait3A_28 = arith.constant 120 : i32
      %dma_wait3A_29 = arith.constant 0 : i32
      %dma_wait3A_30 = tpu.memref_slice %arg7[%dma_wait3A_28, %dma_wait3A_29] : memref<128x128xf32, #tpu.memory_space<vmem>> -> memref<8x128xf32, #tpu.memory_space<vmem>>
      tpu.wait_dma2 semaphore(%run_scoped3A : memref<!tpu.dma_semaphore, #tpu.memory_space<semaphore_mem>>) src(%arg4 : memref<8x128xf32, #tpu.memory_space<hbm>>) dst(%dma_wait3A_30 : memref<8x128xf32, #tpu.memory_space<vmem>>)
      tpu.yield
    }) : () -> ()
    %mul3A_1 = arith.constant 632 : i32
    %mul3A_2 = arith.muli %arg1, %mul3A_1 : i32
    %add3A_3 = arith.constant 0 : i32
    %add3A_4 = arith.addi %mul3A_2, %add3A_3 : i32
    "tpu.region"() ({
      %run_scoped3A = tpu.sem_alloc : memref<!tpu.dma_semaphore, #tpu.memory_space<semaphore_mem>>
      %dma_start3A = arith.constant 0 : i32
      %dma_start3A_21 = tpu.memref_slice %arg16[%add3A_4, %dma_start3A] : memref<10112x128xf32, #tpu.memory_space<vmem_shared>> -> memref<128x128xf32, #tpu.memory_space<vmem_shared>>
      %dma_start3A_22 = arith.constant 0 : i32
      %dma_start3A_23 = tpu.memref_slice %arg16[%add3A_4, %dma_start3A_22] : memref<10112x128xf32, #tpu.memory_space<vmem_shared>> -> memref<128x128xf32, #tpu.memory_space<vmem_shared>>
      tpu.enqueue_dma source(%arg7 : memref<128x128xf32, #tpu.memory_space<vmem>>) target(%dma_start3A_23 : memref<128x128xf32, #tpu.memory_space<vmem_shared>>) target_semaphore(%run_scoped3A : memref<!tpu.dma_semaphore, #tpu.memory_space<semaphore_mem>>)
      %dma_wait3A = arith.constant 0 : i32
      %dma_wait3A_24 = tpu.memref_slice %arg16[%add3A_4, %dma_wait3A] : memref<10112x128xf32, #tpu.memory_space<vmem_shared>> -> memref<128x128xf32, #tpu.memory_space<vmem_shared>>
      %dma_wait3A_25 = arith.constant 0 : i32
      %dma_wait3A_26 = tpu.memref_slice %arg16[%add3A_4, %dma_wait3A_25] : memref<10112x128xf32, #tpu.memory_space<vmem_shared>> -> memref<128x128xf32, #tpu.memory_space<vmem_shared>>
      tpu.wait_dma2 semaphore(%run_scoped3A : memref<!tpu.dma_semaphore, #tpu.memory_space<semaphore_mem>>) src(%arg7 : memref<128x128xf32, #tpu.memory_space<vmem>>) dst(%dma_wait3A_26 : memref<128x128xf32, #tpu.memory_space<vmem_shared>>)
      tpu.yield
    }) : () -> ()
    %add3A_5 = arith.constant 128 : i32
    %add3A_6 = arith.addi %mul3A_2, %add3A_5 : i32
    "tpu.region"() ({
      %run_scoped3A = tpu.sem_alloc : memref<!tpu.dma_semaphore, #tpu.memory_space<semaphore_mem>>
      %dma_start3A = arith.constant 0 : i32
      %dma_start3A_21 = tpu.memref_slice %arg16[%add3A_6, %dma_start3A] : memref<10112x128xf32, #tpu.memory_space<vmem_shared>> -> memref<128x128xf32, #tpu.memory_space<vmem_shared>>
      %dma_start3A_22 = arith.constant 0 : i32
      %dma_start3A_23 = tpu.memref_slice %arg16[%add3A_6, %dma_start3A_22] : memref<10112x128xf32, #tpu.memory_space<vmem_shared>> -> memref<128x128xf32, #tpu.memory_space<vmem_shared>>
      tpu.enqueue_dma source(%arg7 : memref<128x128xf32, #tpu.memory_space<vmem>>) target(%dma_start3A_23 : memref<128x128xf32, #tpu.memory_space<vmem_shared>>) target_semaphore(%run_scoped3A : memref<!tpu.dma_semaphore, #tpu.memory_space<semaphore_mem>>)
      %dma_wait3A = arith.constant 0 : i32
      %dma_wait3A_24 = tpu.memref_slice %arg16[%add3A_6, %dma_wait3A] : memref<10112x128xf32, #tpu.memory_space<vmem_shared>> -> memref<128x128xf32, #tpu.memory_space<vmem_shared>>
      %dma_wait3A_25 = arith.constant 0 : i32
      %dma_wait3A_26 = tpu.memref_slice %arg16[%add3A_6, %dma_wait3A_25] : memref<10112x128xf32, #tpu.memory_space<vmem_shared>> -> memref<128x128xf32, #tpu.memory_space<vmem_shared>>
      tpu.wait_dma2 semaphore(%run_scoped3A : memref<!tpu.dma_semaphore, #tpu.memory_space<semaphore_mem>>) src(%arg7 : memref<128x128xf32, #tpu.memory_space<vmem>>) dst(%dma_wait3A_26 : memref<128x128xf32, #tpu.memory_space<vmem_shared>>)
      tpu.yield
    }) : () -> ()
    %add3A_7 = arith.constant 256 : i32
    %add3A_8 = arith.addi %mul3A_2, %add3A_7 : i32
    "tpu.region"() ({
      %run_scoped3A = tpu.sem_alloc : memref<!tpu.dma_semaphore, #tpu.memory_space<semaphore_mem>>
      %dma_start3A = arith.constant 0 : i32
      %dma_start3A_21 = tpu.memref_slice %arg16[%add3A_8, %dma_start3A] : memref<10112x128xf32, #tpu.memory_space<vmem_shared>> -> memref<128x128xf32, #tpu.memory_space<vmem_shared>>
      %dma_start3A_22 = arith.constant 0 : i32
      %dma_start3A_23 = tpu.memref_slice %arg16[%add3A_8, %dma_start3A_22] : memref<10112x128xf32, #tpu.memory_space<vmem_shared>> -> memref<128x128xf32, #tpu.memory_space<vmem_shared>>
      tpu.enqueue_dma source(%arg7 : memref<128x128xf32, #tpu.memory_space<vmem>>) target(%dma_start3A_23 : memref<128x128xf32, #tpu.memory_space<vmem_shared>>) target_semaphore(%run_scoped3A : memref<!tpu.dma_semaphore, #tpu.memory_space<semaphore_mem>>)
      %dma_wait3A = arith.constant 0 : i32
      %dma_wait3A_24 = tpu.memref_slice %arg16[%add3A_8, %dma_wait3A] : memref<10112x128xf32, #tpu.memory_space<vmem_shared>> -> memref<128x128xf32, #tpu.memory_space<vmem_shared>>
      %dma_wait3A_25 = arith.constant 0 : i32
      %dma_wait3A_26 = tpu.memref_slice %arg16[%add3A_8, %dma_wait3A_25] : memref<10112x128xf32, #tpu.memory_space<vmem_shared>> -> memref<128x128xf32, #tpu.memory_space<vmem_shared>>
      tpu.wait_dma2 semaphore(%run_scoped3A : memref<!tpu.dma_semaphore, #tpu.memory_space<semaphore_mem>>) src(%arg7 : memref<128x128xf32, #tpu.memory_space<vmem>>) dst(%dma_wait3A_26 : memref<128x128xf32, #tpu.memory_space<vmem_shared>>)
      tpu.yield
    }) : () -> ()
    %add3A_9 = arith.constant 384 : i32
    %add3A_10 = arith.addi %mul3A_2, %add3A_9 : i32
    "tpu.region"() ({
      %run_scoped3A = tpu.sem_alloc : memref<!tpu.dma_semaphore, #tpu.memory_space<semaphore_mem>>
      %dma_start3A = arith.constant 0 : i32
      %dma_start3A_21 = tpu.memref_slice %arg16[%add3A_10, %dma_start3A] : memref<10112x128xf32, #tpu.memory_space<vmem_shared>> -> memref<128x128xf32, #tpu.memory_space<vmem_shared>>
      %dma_start3A_22 = arith.constant 0 : i32
      %dma_start3A_23 = tpu.memref_slice %arg16[%add3A_10, %dma_start3A_22] : memref<10112x128xf32, #tpu.memory_space<vmem_shared>> -> memref<128x128xf32, #tpu.memory_space<vmem_shared>>
      tpu.enqueue_dma source(%arg7 : memref<128x128xf32, #tpu.memory_space<vmem>>) target(%dma_start3A_23 : memref<128x128xf32, #tpu.memory_space<vmem_shared>>) target_semaphore(%run_scoped3A : memref<!tpu.dma_semaphore, #tpu.memory_space<semaphore_mem>>)
      %dma_wait3A = arith.constant 0 : i32
      %dma_wait3A_24 = tpu.memref_slice %arg16[%add3A_10, %dma_wait3A] : memref<10112x128xf32, #tpu.memory_space<vmem_shared>> -> memref<128x128xf32, #tpu.memory_space<vmem_shared>>
      %dma_wait3A_25 = arith.constant 0 : i32
      %dma_wait3A_26 = tpu.memref_slice %arg16[%add3A_10, %dma_wait3A_25] : memref<10112x128xf32, #tpu.memory_space<vmem_shared>> -> memref<128x128xf32, #tpu.memory_space<vmem_shared>>
      tpu.wait_dma2 semaphore(%run_scoped3A : memref<!tpu.dma_semaphore, #tpu.memory_space<semaphore_mem>>) src(%arg7 : memref<128x128xf32, #tpu.memory_space<vmem>>) dst(%dma_wait3A_26 : memref<128x128xf32, #tpu.memory_space<vmem_shared>>)
      tpu.yield
    }) : () -> ()
    %add3A_11 = arith.constant 512 : i32
    %add3A_12 = arith.addi %mul3A_2, %add3A_11 : i32
    "tpu.region"() ({
      %run_scoped3A = tpu.sem_alloc : memref<!tpu.dma_semaphore, #tpu.memory_space<semaphore_mem>>
      %dma_start3A = arith.constant 0 : i32
      %dma_start3A_21 = arith.constant 0 : i32
      %dma_start3A_22 = tpu.memref_slice %arg7[%dma_start3A, %dma_start3A_21] : memref<128x128xf32, #tpu.memory_space<vmem>> -> memref<120x128xf32, #tpu.memory_space<vmem>>
      %dma_start3A_23 = arith.constant 0 : i32
      %dma_start3A_24 = tpu.memref_slice %arg16[%add3A_12, %dma_start3A_23] : memref<10112x128xf32, #tpu.memory_space<vmem_shared>> -> memref<120x128xf32, #tpu.memory_space<vmem_shared>>
      %dma_start3A_25 = arith.constant 0 : i32
      %dma_start3A_26 = tpu.memref_slice %arg16[%add3A_12, %dma_start3A_25] : memref<10112x128xf32, #tpu.memory_space<vmem_shared>> -> memref<120x128xf32, #tpu.memory_space<vmem_shared>>
      %dma_start3A_27 = arith.constant 0 : i32
      %dma_start3A_28 = arith.constant 0 : i32
      %dma_start3A_29 = tpu.memref_slice %arg7[%dma_start3A_27, %dma_start3A_28] : memref<128x128xf32, #tpu.memory_space<vmem>> -> memref<120x128xf32, #tpu.memory_space<vmem>>
      tpu.enqueue_dma source(%dma_start3A_29 : memref<120x128xf32, #tpu.memory_space<vmem>>) target(%dma_start3A_26 : memref<120x128xf32, #tpu.memory_space<vmem_shared>>) target_semaphore(%run_scoped3A : memref<!tpu.dma_semaphore, #tpu.memory_space<semaphore_mem>>)
      %dma_wait3A = arith.constant 0 : i32
      %dma_wait3A_30 = arith.constant 0 : i32
      %dma_wait3A_31 = tpu.memref_slice %arg7[%dma_wait3A, %dma_wait3A_30] : memref<128x128xf32, #tpu.memory_space<vmem>> -> memref<120x128xf32, #tpu.memory_space<vmem>>
      %dma_wait3A_32 = arith.constant 0 : i32
      %dma_wait3A_33 = tpu.memref_slice %arg16[%add3A_12, %dma_wait3A_32] : memref<10112x128xf32, #tpu.memory_space<vmem_shared>> -> memref<120x128xf32, #tpu.memory_space<vmem_shared>>
      %dma_wait3A_34 = arith.constant 0 : i32
      %dma_wait3A_35 = tpu.memref_slice %arg16[%add3A_12, %dma_wait3A_34] : memref<10112x128xf32, #tpu.memory_space<vmem_shared>> -> memref<120x128xf32, #tpu.memory_space<vmem_shared>>
      %dma_wait3A_36 = arith.constant 0 : i32
      %dma_wait3A_37 = arith.constant 0 : i32
      %dma_wait3A_38 = tpu.memref_slice %arg7[%dma_wait3A_36, %dma_wait3A_37] : memref<128x128xf32, #tpu.memory_space<vmem>> -> memref<120x128xf32, #tpu.memory_space<vmem>>
      tpu.wait_dma2 semaphore(%run_scoped3A : memref<!tpu.dma_semaphore, #tpu.memory_space<semaphore_mem>>) src(%dma_wait3A_38 : memref<120x128xf32, #tpu.memory_space<vmem>>) dst(%dma_wait3A_35 : memref<120x128xf32, #tpu.memory_space<vmem_shared>>)
      tpu.yield
    }) : () -> ()
    %barrier3A = arith.constant 0 : index
    tpu.barrier barrier_id(%barrier3A)
    %scan3A = arith.constant 0 : i32
    %scan3A_13 = arith.constant 0 : i32
    %scan3A_14 = arith.constant 49 : i32
    %scan3A_15 = arith.addi %scan3A_13, %scan3A_14 : i32
    %scan3A_16 = arith.constant 1 : i32
    scf.for %scan3A_21 = %scan3A_13 to %scan3A_15 step %scan3A_16  : i32 {
      %mul3A_22 = arith.constant 3 : i32
      %mul3A_23 = arith.muli %mul3A_22, %scan3A_21 : i32
      "tpu.region"() ({
        %run_scoped3A = tpu.sem_alloc : memref<!tpu.dma_semaphore, #tpu.memory_space<semaphore_mem>>
        %dma_start3A_118 = arith.constant 0 : i32
        %dma_start3A_119 = arith.constant 0 : i32
        %dma_start3A_120 = tpu.memref_slice %arg3[%add3A, %mul3A_23, %dma_start3A_118, %dma_start3A_119] : memref<32x147x2x128xi32, #tpu.memory_space<hbm>> -> memref<1x3x2x128xi32, #tpu.memory_space<hbm>>
        %dma_start3A_121 = tpu.memref_squeeze %dma_start3A_120 : memref<1x3x2x128xi32, #tpu.memory_space<hbm>> -> memref<3x2x128xi32, #tpu.memory_space<hbm>>
        %dma_start3A_122 = arith.constant 0 : i32
        %dma_start3A_123 = arith.constant 0 : i32
        %dma_start3A_124 = tpu.memref_slice %arg3[%add3A, %mul3A_23, %dma_start3A_122, %dma_start3A_123] : memref<32x147x2x128xi32, #tpu.memory_space<hbm>> -> memref<1x3x2x128xi32, #tpu.memory_space<hbm>>
        %dma_start3A_125 = tpu.memref_squeeze %dma_start3A_124 : memref<1x3x2x128xi32, #tpu.memory_space<hbm>> -> memref<3x2x128xi32, #tpu.memory_space<hbm>>
        tpu.enqueue_dma source(%dma_start3A_125 : memref<3x2x128xi32, #tpu.memory_space<hbm>>) target(%arg6 : memref<3x2x128xi32, #tpu.memory_space<vmem>>) target_semaphore(%run_scoped3A : memref<!tpu.dma_semaphore, #tpu.memory_space<semaphore_mem>>)
        %dma_wait3A_126 = arith.constant 0 : i32
        %dma_wait3A_127 = arith.constant 0 : i32
        %dma_wait3A_128 = tpu.memref_slice %arg3[%add3A, %mul3A_23, %dma_wait3A_126, %dma_wait3A_127] : memref<32x147x2x128xi32, #tpu.memory_space<hbm>> -> memref<1x3x2x128xi32, #tpu.memory_space<hbm>>
        %dma_wait3A_129 = tpu.memref_squeeze %dma_wait3A_128 : memref<1x3x2x128xi32, #tpu.memory_space<hbm>> -> memref<3x2x128xi32, #tpu.memory_space<hbm>>
        %dma_wait3A_130 = arith.constant 0 : i32
        %dma_wait3A_131 = arith.constant 0 : i32
        %dma_wait3A_132 = tpu.memref_slice %arg3[%add3A, %mul3A_23, %dma_wait3A_130, %dma_wait3A_131] : memref<32x147x2x128xi32, #tpu.memory_space<hbm>> -> memref<1x3x2x128xi32, #tpu.memory_space<hbm>>
        %dma_wait3A_133 = tpu.memref_squeeze %dma_wait3A_132 : memref<1x3x2x128xi32, #tpu.memory_space<hbm>> -> memref<3x2x128xi32, #tpu.memory_space<hbm>>
        tpu.wait_dma2 semaphore(%run_scoped3A : memref<!tpu.dma_semaphore, #tpu.memory_space<semaphore_mem>>) src(%dma_wait3A_133 : memref<3x2x128xi32, #tpu.memory_space<hbm>>) dst(%arg6 : memref<3x2x128xi32, #tpu.memory_space<vmem>>)
        tpu.yield
      }) : () -> ()
      %dma_start3A = arith.constant 0 : i32
      %dma_start3A_24 = arith.constant 0 : i32
      %dma_start3A_25 = arith.constant 0 : i32
      %dma_start3A_26 = tpu.memref_slice %arg6[%dma_start3A, %dma_start3A_24, %dma_start3A_25] : memref<3x2x128xi32, #tpu.memory_space<vmem>> -> memref<1x1x128xi32, #tpu.memory_space<vmem>>
      %dma_start3A_27 = tpu.memref_squeeze %dma_start3A_26 : memref<1x1x128xi32, #tpu.memory_space<vmem>> -> memref<128xi32, #tpu.memory_space<vmem>>
      %dma_start3A_28 = arith.constant 0 : i32
      %dma_start3A_29 = arith.constant 0 : i32
      %dma_start3A_30 = tpu.memref_slice %arg2[%dma_start3A_28, %dma_start3A_29] : memref<60000x128xf32, #tpu.memory_space<hbm>> -> memref<60000x128xf32, #tpu.memory_space<hbm>>
      tpu.enqueue_indirect_dma source(%dma_start3A_30 : memref<60000x128xf32, #tpu.memory_space<hbm>>) target(%arg7 : memref<128x128xf32, #tpu.memory_space<vmem>>) offsets(%dma_start3A_27 : memref<128xi32, #tpu.memory_space<vmem>>) semaphore(%arg10 : memref<!tpu.dma_semaphore, #tpu.memory_space<semaphore_mem>>)
      %dma_start3A_31 = arith.constant 1 : i32
      %dma_start3A_32 = arith.constant 0 : i32
      %dma_start3A_33 = arith.constant 0 : i32
      %dma_start3A_34 = tpu.memref_slice %arg6[%dma_start3A_31, %dma_start3A_32, %dma_start3A_33] : memref<3x2x128xi32, #tpu.memory_space<vmem>> -> memref<1x1x128xi32, #tpu.memory_space<vmem>>
      %dma_start3A_35 = tpu.memref_squeeze %dma_start3A_34 : memref<1x1x128xi32, #tpu.memory_space<vmem>> -> memref<128xi32, #tpu.memory_space<vmem>>
      %dma_start3A_36 = arith.constant 0 : i32
      %dma_start3A_37 = arith.constant 0 : i32
      %dma_start3A_38 = tpu.memref_slice %arg2[%dma_start3A_36, %dma_start3A_37] : memref<60000x128xf32, #tpu.memory_space<hbm>> -> memref<60000x128xf32, #tpu.memory_space<hbm>>
      tpu.enqueue_indirect_dma source(%dma_start3A_38 : memref<60000x128xf32, #tpu.memory_space<hbm>>) target(%arg8 : memref<128x128xf32, #tpu.memory_space<vmem>>) offsets(%dma_start3A_35 : memref<128xi32, #tpu.memory_space<vmem>>) semaphore(%arg11 : memref<!tpu.dma_semaphore, #tpu.memory_space<semaphore_mem>>)
      %dma_start3A_39 = arith.constant 2 : i32
      %dma_start3A_40 = arith.constant 0 : i32
      %dma_start3A_41 = arith.constant 0 : i32
      %dma_start3A_42 = tpu.memref_slice %arg6[%dma_start3A_39, %dma_start3A_40, %dma_start3A_41] : memref<3x2x128xi32, #tpu.memory_space<vmem>> -> memref<1x1x128xi32, #tpu.memory_space<vmem>>
      %dma_start3A_43 = tpu.memref_squeeze %dma_start3A_42 : memref<1x1x128xi32, #tpu.memory_space<vmem>> -> memref<128xi32, #tpu.memory_space<vmem>>
      %dma_start3A_44 = arith.constant 0 : i32
      %dma_start3A_45 = arith.constant 0 : i32
      %dma_start3A_46 = tpu.memref_slice %arg2[%dma_start3A_44, %dma_start3A_45] : memref<60000x128xf32, #tpu.memory_space<hbm>> -> memref<60000x128xf32, #tpu.memory_space<hbm>>
      tpu.enqueue_indirect_dma source(%dma_start3A_46 : memref<60000x128xf32, #tpu.memory_space<hbm>>) target(%arg9 : memref<128x128xf32, #tpu.memory_space<vmem>>) offsets(%dma_start3A_43 : memref<128xi32, #tpu.memory_space<vmem>>) semaphore(%arg12 : memref<!tpu.dma_semaphore, #tpu.memory_space<semaphore_mem>>)
      %dma_wait3A = arith.constant 0 : i32
      %dma_wait3A_47 = arith.constant 0 : i32
      %dma_wait3A_48 = arith.constant 0 : i32
      %dma_wait3A_49 = tpu.memref_slice %arg6[%dma_wait3A, %dma_wait3A_47, %dma_wait3A_48] : memref<3x2x128xi32, #tpu.memory_space<vmem>> -> memref<1x1x128xi32, #tpu.memory_space<vmem>>
      %dma_wait3A_50 = tpu.memref_squeeze %dma_wait3A_49 : memref<1x1x128xi32, #tpu.memory_space<vmem>> -> memref<128xi32, #tpu.memory_space<vmem>>
      %dma_wait3A_51 = arith.constant 0 : i32
      %dma_wait3A_52 = arith.constant 0 : i32
      %dma_wait3A_53 = tpu.memref_slice %arg2[%dma_wait3A_51, %dma_wait3A_52] : memref<60000x128xf32, #tpu.memory_space<hbm>> -> memref<60000x128xf32, #tpu.memory_space<hbm>>
      tpu.wait_indirect_dma semaphore(%arg10 : memref<!tpu.dma_semaphore, #tpu.memory_space<semaphore_mem>>) src(%dma_wait3A_53 : memref<60000x128xf32, #tpu.memory_space<hbm>>) dst(%arg7 : memref<128x128xf32, #tpu.memory_space<vmem>>)
      %dma_start3A_54 = arith.constant 0 : i32
      %dma_start3A_55 = arith.constant 1 : i32
      %dma_start3A_56 = arith.constant 0 : i32
      %dma_start3A_57 = tpu.memref_slice %arg6[%dma_start3A_54, %dma_start3A_55, %dma_start3A_56] : memref<3x2x128xi32, #tpu.memory_space<vmem>> -> memref<1x1x128xi32, #tpu.memory_space<vmem>>
      %dma_start3A_58 = tpu.memref_squeeze %dma_start3A_57 : memref<1x1x128xi32, #tpu.memory_space<vmem>> -> memref<128xi32, #tpu.memory_space<vmem>>
      %dma_start3A_59 = arith.constant 0 : i32
      %dma_start3A_60 = arith.constant 0 : i32
      %dma_start3A_61 = tpu.memref_slice %arg16[%dma_start3A_59, %dma_start3A_60] : memref<10112x128xf32, #tpu.memory_space<vmem_shared>> -> memref<10112x128xf32, #tpu.memory_space<vmem_shared>>
      tpu.enqueue_indirect_dma source(%arg7 : memref<128x128xf32, #tpu.memory_space<vmem>>) target(%dma_start3A_61 : memref<10112x128xf32, #tpu.memory_space<vmem_shared>>) offsets(%dma_start3A_58 : memref<128xi32, #tpu.memory_space<vmem>>) semaphore(%arg13 : memref<!tpu.dma_semaphore, #tpu.memory_space<semaphore_mem>>) {add = true}
      %dma_wait3A_62 = arith.constant 1 : i32
      %dma_wait3A_63 = arith.constant 0 : i32
      %dma_wait3A_64 = arith.constant 0 : i32
      %dma_wait3A_65 = tpu.memref_slice %arg6[%dma_wait3A_62, %dma_wait3A_63, %dma_wait3A_64] : memref<3x2x128xi32, #tpu.memory_space<vmem>> -> memref<1x1x128xi32, #tpu.memory_space<vmem>>
      %dma_wait3A_66 = tpu.memref_squeeze %dma_wait3A_65 : memref<1x1x128xi32, #tpu.memory_space<vmem>> -> memref<128xi32, #tpu.memory_space<vmem>>
      %dma_wait3A_67 = arith.constant 0 : i32
      %dma_wait3A_68 = arith.constant 0 : i32
      %dma_wait3A_69 = tpu.memref_slice %arg2[%dma_wait3A_67, %dma_wait3A_68] : memref<60000x128xf32, #tpu.memory_space<hbm>> -> memref<60000x128xf32, #tpu.memory_space<hbm>>
      tpu.wait_indirect_dma semaphore(%arg11 : memref<!tpu.dma_semaphore, #tpu.memory_space<semaphore_mem>>) src(%dma_wait3A_69 : memref<60000x128xf32, #tpu.memory_space<hbm>>) dst(%arg8 : memref<128x128xf32, #tpu.memory_space<vmem>>)
      %dma_start3A_70 = arith.constant 1 : i32
      %dma_start3A_71 = arith.constant 1 : i32
      %dma_start3A_72 = arith.constant 0 : i32
      %dma_start3A_73 = tpu.memref_slice %arg6[%dma_start3A_70, %dma_start3A_71, %dma_start3A_72] : memref<3x2x128xi32, #tpu.memory_space<vmem>> -> memref<1x1x128xi32, #tpu.memory_space<vmem>>
      %dma_start3A_74 = tpu.memref_squeeze %dma_start3A_73 : memref<1x1x128xi32, #tpu.memory_space<vmem>> -> memref<128xi32, #tpu.memory_space<vmem>>
      %dma_start3A_75 = arith.constant 0 : i32
      %dma_start3A_76 = arith.constant 0 : i32
      %dma_start3A_77 = tpu.memref_slice %arg16[%dma_start3A_75, %dma_start3A_76] : memref<10112x128xf32, #tpu.memory_space<vmem_shared>> -> memref<10112x128xf32, #tpu.memory_space<vmem_shared>>
      tpu.enqueue_indirect_dma source(%arg8 : memref<128x128xf32, #tpu.memory_space<vmem>>) target(%dma_start3A_77 : memref<10112x128xf32, #tpu.memory_space<vmem_shared>>) offsets(%dma_start3A_74 : memref<128xi32, #tpu.memory_space<vmem>>) semaphore(%arg14 : memref<!tpu.dma_semaphore, #tpu.memory_space<semaphore_mem>>) {add = true}
      %dma_wait3A_78 = arith.constant 2 : i32
      %dma_wait3A_79 = arith.constant 0 : i32
      %dma_wait3A_80 = arith.constant 0 : i32
      %dma_wait3A_81 = tpu.memref_slice %arg6[%dma_wait3A_78, %dma_wait3A_79, %dma_wait3A_80] : memref<3x2x128xi32, #tpu.memory_space<vmem>> -> memref<1x1x128xi32, #tpu.memory_space<vmem>>
      %dma_wait3A_82 = tpu.memref_squeeze %dma_wait3A_81 : memref<1x1x128xi32, #tpu.memory_space<vmem>> -> memref<128xi32, #tpu.memory_space<vmem>>
      %dma_wait3A_83 = arith.constant 0 : i32
      %dma_wait3A_84 = arith.constant 0 : i32
      %dma_wait3A_85 = tpu.memref_slice %arg2[%dma_wait3A_83, %dma_wait3A_84] : memref<60000x128xf32, #tpu.memory_space<hbm>> -> memref<60000x128xf32, #tpu.memory_space<hbm>>
      tpu.wait_indirect_dma semaphore(%arg12 : memref<!tpu.dma_semaphore, #tpu.memory_space<semaphore_mem>>) src(%dma_wait3A_85 : memref<60000x128xf32, #tpu.memory_space<hbm>>) dst(%arg9 : memref<128x128xf32, #tpu.memory_space<vmem>>)
      %dma_start3A_86 = arith.constant 2 : i32
      %dma_start3A_87 = arith.constant 1 : i32
      %dma_start3A_88 = arith.constant 0 : i32
      %dma_start3A_89 = tpu.memref_slice %arg6[%dma_start3A_86, %dma_start3A_87, %dma_start3A_88] : memref<3x2x128xi32, #tpu.memory_space<vmem>> -> memref<1x1x128xi32, #tpu.memory_space<vmem>>
      %dma_start3A_90 = tpu.memref_squeeze %dma_start3A_89 : memref<1x1x128xi32, #tpu.memory_space<vmem>> -> memref<128xi32, #tpu.memory_space<vmem>>
      %dma_start3A_91 = arith.constant 0 : i32
      %dma_start3A_92 = arith.constant 0 : i32
      %dma_start3A_93 = tpu.memref_slice %arg16[%dma_start3A_91, %dma_start3A_92] : memref<10112x128xf32, #tpu.memory_space<vmem_shared>> -> memref<10112x128xf32, #tpu.memory_space<vmem_shared>>
      tpu.enqueue_indirect_dma source(%arg9 : memref<128x128xf32, #tpu.memory_space<vmem>>) target(%dma_start3A_93 : memref<10112x128xf32, #tpu.memory_space<vmem_shared>>) offsets(%dma_start3A_90 : memref<128xi32, #tpu.memory_space<vmem>>) semaphore(%arg15 : memref<!tpu.dma_semaphore, #tpu.memory_space<semaphore_mem>>) {add = true}
      %dma_wait3A_94 = arith.constant 0 : i32
      %dma_wait3A_95 = arith.constant 1 : i32
      %dma_wait3A_96 = arith.constant 0 : i32
      %dma_wait3A_97 = tpu.memref_slice %arg6[%dma_wait3A_94, %dma_wait3A_95, %dma_wait3A_96] : memref<3x2x128xi32, #tpu.memory_space<vmem>> -> memref<1x1x128xi32, #tpu.memory_space<vmem>>
      %dma_wait3A_98 = tpu.memref_squeeze %dma_wait3A_97 : memref<1x1x128xi32, #tpu.memory_space<vmem>> -> memref<128xi32, #tpu.memory_space<vmem>>
      %dma_wait3A_99 = arith.constant 0 : i32
      %dma_wait3A_100 = arith.constant 0 : i32
      %dma_wait3A_101 = tpu.memref_slice %arg16[%dma_wait3A_99, %dma_wait3A_100] : memref<10112x128xf32, #tpu.memory_space<vmem_shared>> -> memref<10112x128xf32, #tpu.memory_space<vmem_shared>>
      tpu.wait_indirect_dma semaphore(%arg13 : memref<!tpu.dma_semaphore, #tpu.memory_space<semaphore_mem>>) src(%arg7 : memref<128x128xf32, #tpu.memory_space<vmem>>) dst(%dma_wait3A_101 : memref<10112x128xf32, #tpu.memory_space<vmem_shared>>)
      %dma_wait3A_102 = arith.constant 1 : i32
      %dma_wait3A_103 = arith.constant 1 : i32
      %dma_wait3A_104 = arith.constant 0 : i32
      %dma_wait3A_105 = tpu.memref_slice %arg6[%dma_wait3A_102, %dma_wait3A_103, %dma_wait3A_104] : memref<3x2x128xi32, #tpu.memory_space<vmem>> -> memref<1x1x128xi32, #tpu.memory_space<vmem>>
      %dma_wait3A_106 = tpu.memref_squeeze %dma_wait3A_105 : memref<1x1x128xi32, #tpu.memory_space<vmem>> -> memref<128xi32, #tpu.memory_space<vmem>>
      %dma_wait3A_107 = arith.constant 0 : i32
      %dma_wait3A_108 = arith.constant 0 : i32
      %dma_wait3A_109 = tpu.memref_slice %arg16[%dma_wait3A_107, %dma_wait3A_108] : memref<10112x128xf32, #tpu.memory_space<vmem_shared>> -> memref<10112x128xf32, #tpu.memory_space<vmem_shared>>
      tpu.wait_indirect_dma semaphore(%arg14 : memref<!tpu.dma_semaphore, #tpu.memory_space<semaphore_mem>>) src(%arg8 : memref<128x128xf32, #tpu.memory_space<vmem>>) dst(%dma_wait3A_109 : memref<10112x128xf32, #tpu.memory_space<vmem_shared>>)
      %dma_wait3A_110 = arith.constant 2 : i32
      %dma_wait3A_111 = arith.constant 1 : i32
      %dma_wait3A_112 = arith.constant 0 : i32
      %dma_wait3A_113 = tpu.memref_slice %arg6[%dma_wait3A_110, %dma_wait3A_111, %dma_wait3A_112] : memref<3x2x128xi32, #tpu.memory_space<vmem>> -> memref<1x1x128xi32, #tpu.memory_space<vmem>>
      %dma_wait3A_114 = tpu.memref_squeeze %dma_wait3A_113 : memref<1x1x128xi32, #tpu.memory_space<vmem>> -> memref<128xi32, #tpu.memory_space<vmem>>
      %dma_wait3A_115 = arith.constant 0 : i32
      %dma_wait3A_116 = arith.constant 0 : i32
      %dma_wait3A_117 = tpu.memref_slice %arg16[%dma_wait3A_115, %dma_wait3A_116] : memref<10112x128xf32, #tpu.memory_space<vmem_shared>> -> memref<10112x128xf32, #tpu.memory_space<vmem_shared>>
      tpu.wait_indirect_dma semaphore(%arg15 : memref<!tpu.dma_semaphore, #tpu.memory_space<semaphore_mem>>) src(%arg9 : memref<128x128xf32, #tpu.memory_space<vmem>>) dst(%dma_wait3A_117 : memref<10112x128xf32, #tpu.memory_space<vmem_shared>>)
    }
    %scan3A_17 = arith.constant 49 : i32
    %barrier3A_18 = arith.constant 0 : index
    tpu.barrier barrier_id(%barrier3A_18)
    %lt3A = arith.constant 10 : i32
    %lt3A_19 = arith.cmpi slt, %arg1, %lt3A : i32
    %convert_element_type3A = arith.extui %lt3A_19 : i1 to i32
    %cond3A = arith.constant 0 : i32
    %cond3A_20 = arith.cmpi ne, %convert_element_type3A, %cond3A : i32
    scf.if %cond3A_20 {
      %mul3A_21 = arith.constant 1000 : i32
      %mul3A_22 = arith.muli %arg1, %mul3A_21 : i32
      %mul3A_23 = arith.constant 1000 : i32
      %mul3A_24 = arith.muli %arg1, %mul3A_23 : i32
      "tpu.region"() ({
        %run_scoped3A = tpu.sem_alloc : memref<!tpu.dma_semaphore, #tpu.memory_space<semaphore_mem>>
        %dma_start3A = arith.constant 0 : i32
        %dma_start3A_25 = tpu.memref_slice %arg5[%arg0, %mul3A_24, %dma_start3A] : memref<2x10000x128xf32, #tpu.memory_space<hbm>> -> memref<1x1000x128xf32, #tpu.memory_space<hbm>>
        %dma_start3A_26 = tpu.memref_squeeze %dma_start3A_25 : memref<1x1000x128xf32, #tpu.memory_space<hbm>> -> memref<1000x128xf32, #tpu.memory_space<hbm>>
        %dma_start3A_27 = arith.constant 0 : i32
        %dma_start3A_28 = tpu.memref_slice %arg16[%mul3A_22, %dma_start3A_27] : memref<10112x128xf32, #tpu.memory_space<vmem_shared>> -> memref<1000x128xf32, #tpu.memory_space<vmem_shared>>
        tpu.enqueue_dma source(%dma_start3A_28 : memref<1000x128xf32, #tpu.memory_space<vmem_shared>>) target(%dma_start3A_26 : memref<1000x128xf32, #tpu.memory_space<hbm>>) target_semaphore(%run_scoped3A : memref<!tpu.dma_semaphore, #tpu.memory_space<semaphore_mem>>)
        %dma_wait3A = arith.constant 0 : i32
        %dma_wait3A_29 = tpu.memref_slice %arg5[%arg0, %mul3A_24, %dma_wait3A] : memref<2x10000x128xf32, #tpu.memory_space<hbm>> -> memref<1x1000x128xf32, #tpu.memory_space<hbm>>
        %dma_wait3A_30 = tpu.memref_squeeze %dma_wait3A_29 : memref<1x1000x128xf32, #tpu.memory_space<hbm>> -> memref<1000x128xf32, #tpu.memory_space<hbm>>
        %dma_wait3A_31 = arith.constant 0 : i32
        %dma_wait3A_32 = tpu.memref_slice %arg16[%mul3A_22, %dma_wait3A_31] : memref<10112x128xf32, #tpu.memory_space<vmem_shared>> -> memref<1000x128xf32, #tpu.memory_space<vmem_shared>>
        tpu.wait_dma2 semaphore(%run_scoped3A : memref<!tpu.dma_semaphore, #tpu.memory_space<semaphore_mem>>) src(%dma_wait3A_32 : memref<1000x128xf32, #tpu.memory_space<vmem_shared>>) dst(%dma_wait3A_30 : memref<1000x128xf32, #tpu.memory_space<hbm>>)
        tpu.yield
      }) : () -> ()
    } else {
    }
    return
  }
}

#map = affine_map<(d0, d1) -> (0, 0, 0, 0)>
#map1 = affine_map<(d0, d1) -> (0, 0)>
#map2 = affine_map<(d0, d1) -> (0, 0, 0)>
module attributes {stable_mosaic.version = 14 : i64} {
  func.func @_sc_binc_body(%arg0: i32, %arg1: i32, %arg2: memref<32x147x2x128xi32, #tpu.memory_space<hbm>>, %arg3: memref<8x128xf32, #tpu.memory_space<hbm>>, %arg4: memref<128x128xf32, #tpu.memory_space<hbm>>, %arg5: memref<2x10000x128xf32, #tpu.memory_space<hbm>>, %arg6: memref<3x2x128xi32, #tpu.memory_space<vmem>>, %arg7: memref<128x128xf32, #tpu.memory_space<vmem>>, %arg8: memref<10112x128xf32, #tpu.memory_space<vmem_shared>>) attributes {dimension_semantics = [#tpu.dimension_semantics<core_parallel>, #tpu.dimension_semantics<subcore_parallel>], iteration_bounds = array<i64: 2, 16>, scalar_prefetch = 0 : i64, scratch_operands = 3 : i64, tpu.core_type = #tpu.core_type<sc_vector_subcore>, window_params = [{transform_indices = #map}, {transform_indices = #map1}, {transform_indices = #map1}, {transform_indices = #map2}]} {
    %mul3A = arith.constant 2 : i32
    %mul3A_0 = arith.muli %arg1, %mul3A : i32
    %add3A = arith.addi %mul3A_0, %arg0 : i32
    "tpu.region"() ({
      %run_scoped3A = tpu.sem_alloc : memref<!tpu.dma_semaphore, #tpu.memory_space<semaphore_mem>>
      %dma_start3A = arith.constant 0 : i32
      %dma_start3A_21 = arith.constant 0 : i32
      %dma_start3A_22 = tpu.memref_slice %arg7[%dma_start3A, %dma_start3A_21] : memref<128x128xf32, #tpu.memory_space<vmem>> -> memref<8x128xf32, #tpu.memory_space<vmem>>
      %dma_start3A_23 = arith.constant 0 : i32
      %dma_start3A_24 = arith.constant 0 : i32
      %dma_start3A_25 = tpu.memref_slice %arg7[%dma_start3A_23, %dma_start3A_24] : memref<128x128xf32, #tpu.memory_space<vmem>> -> memref<8x128xf32, #tpu.memory_space<vmem>>
      tpu.enqueue_dma source(%arg3 : memref<8x128xf32, #tpu.memory_space<hbm>>) target(%dma_start3A_25 : memref<8x128xf32, #tpu.memory_space<vmem>>) target_semaphore(%run_scoped3A : memref<!tpu.dma_semaphore, #tpu.memory_space<semaphore_mem>>)
      %dma_wait3A = arith.constant 0 : i32
      %dma_wait3A_26 = arith.constant 0 : i32
      %dma_wait3A_27 = tpu.memref_slice %arg7[%dma_wait3A, %dma_wait3A_26] : memref<128x128xf32, #tpu.memory_space<vmem>> -> memref<8x128xf32, #tpu.memory_space<vmem>>
      %dma_wait3A_28 = arith.constant 0 : i32
      %dma_wait3A_29 = arith.constant 0 : i32
      %dma_wait3A_30 = tpu.memref_slice %arg7[%dma_wait3A_28, %dma_wait3A_29] : memref<128x128xf32, #tpu.memory_space<vmem>> -> memref<8x128xf32, #tpu.memory_space<vmem>>
      tpu.wait_dma2 semaphore(%run_scoped3A : memref<!tpu.dma_semaphore, #tpu.memory_space<semaphore_mem>>) src(%arg3 : memref<8x128xf32, #tpu.memory_space<hbm>>) dst(%dma_wait3A_30 : memref<8x128xf32, #tpu.memory_space<vmem>>)
      tpu.yield
    }) : () -> ()
    "tpu.region"() ({
      %run_scoped3A = tpu.sem_alloc : memref<!tpu.dma_semaphore, #tpu.memory_space<semaphore_mem>>
      %dma_start3A = arith.constant 8 : i32
      %dma_start3A_21 = arith.constant 0 : i32
      %dma_start3A_22 = tpu.memref_slice %arg7[%dma_start3A, %dma_start3A_21] : memref<128x128xf32, #tpu.memory_space<vmem>> -> memref<8x128xf32, #tpu.memory_space<vmem>>
      %dma_start3A_23 = arith.constant 8 : i32
      %dma_start3A_24 = arith.constant 0 : i32
      %dma_start3A_25 = tpu.memref_slice %arg7[%dma_start3A_23, %dma_start3A_24] : memref<128x128xf32, #tpu.memory_space<vmem>> -> memref<8x128xf32, #tpu.memory_space<vmem>>
      tpu.enqueue_dma source(%arg3 : memref<8x128xf32, #tpu.memory_space<hbm>>) target(%dma_start3A_25 : memref<8x128xf32, #tpu.memory_space<vmem>>) target_semaphore(%run_scoped3A : memref<!tpu.dma_semaphore, #tpu.memory_space<semaphore_mem>>)
      %dma_wait3A = arith.constant 8 : i32
      %dma_wait3A_26 = arith.constant 0 : i32
      %dma_wait3A_27 = tpu.memref_slice %arg7[%dma_wait3A, %dma_wait3A_26] : memref<128x128xf32, #tpu.memory_space<vmem>> -> memref<8x128xf32, #tpu.memory_space<vmem>>
      %dma_wait3A_28 = arith.constant 8 : i32
      %dma_wait3A_29 = arith.constant 0 : i32
      %dma_wait3A_30 = tpu.memref_slice %arg7[%dma_wait3A_28, %dma_wait3A_29] : memref<128x128xf32, #tpu.memory_space<vmem>> -> memref<8x128xf32, #tpu.memory_space<vmem>>
      tpu.wait_dma2 semaphore(%run_scoped3A : memref<!tpu.dma_semaphore, #tpu.memory_space<semaphore_mem>>) src(%arg3 : memref<8x128xf32, #tpu.memory_space<hbm>>) dst(%dma_wait3A_30 : memref<8x128xf32, #tpu.memory_space<vmem>>)
      tpu.yield
    }) : () -> ()
    "tpu.region"() ({
      %run_scoped3A = tpu.sem_alloc : memref<!tpu.dma_semaphore, #tpu.memory_space<semaphore_mem>>
      %dma_start3A = arith.constant 16 : i32
      %dma_start3A_21 = arith.constant 0 : i32
      %dma_start3A_22 = tpu.memref_slice %arg7[%dma_start3A, %dma_start3A_21] : memref<128x128xf32, #tpu.memory_space<vmem>> -> memref<8x128xf32, #tpu.memory_space<vmem>>
      %dma_start3A_23 = arith.constant 16 : i32
      %dma_start3A_24 = arith.constant 0 : i32
      %dma_start3A_25 = tpu.memref_slice %arg7[%dma_start3A_23, %dma_start3A_24] : memref<128x128xf32, #tpu.memory_space<vmem>> -> memref<8x128xf32, #tpu.memory_space<vmem>>
      tpu.enqueue_dma source(%arg3 : memref<8x128xf32, #tpu.memory_space<hbm>>) target(%dma_start3A_25 : memref<8x128xf32, #tpu.memory_space<vmem>>) target_semaphore(%run_scoped3A : memref<!tpu.dma_semaphore, #tpu.memory_space<semaphore_mem>>)
      %dma_wait3A = arith.constant 16 : i32
      %dma_wait3A_26 = arith.constant 0 : i32
      %dma_wait3A_27 = tpu.memref_slice %arg7[%dma_wait3A, %dma_wait3A_26] : memref<128x128xf32, #tpu.memory_space<vmem>> -> memref<8x128xf32, #tpu.memory_space<vmem>>
      %dma_wait3A_28 = arith.constant 16 : i32
      %dma_wait3A_29 = arith.constant 0 : i32
      %dma_wait3A_30 = tpu.memref_slice %arg7[%dma_wait3A_28, %dma_wait3A_29] : memref<128x128xf32, #tpu.memory_space<vmem>> -> memref<8x128xf32, #tpu.memory_space<vmem>>
      tpu.wait_dma2 semaphore(%run_scoped3A : memref<!tpu.dma_semaphore, #tpu.memory_space<semaphore_mem>>) src(%arg3 : memref<8x128xf32, #tpu.memory_space<hbm>>) dst(%dma_wait3A_30 : memref<8x128xf32, #tpu.memory_space<vmem>>)
      tpu.yield
    }) : () -> ()
    "tpu.region"() ({
      %run_scoped3A = tpu.sem_alloc : memref<!tpu.dma_semaphore, #tpu.memory_space<semaphore_mem>>
      %dma_start3A = arith.constant 24 : i32
      %dma_start3A_21 = arith.constant 0 : i32
      %dma_start3A_22 = tpu.memref_slice %arg7[%dma_start3A, %dma_start3A_21] : memref<128x128xf32, #tpu.memory_space<vmem>> -> memref<8x128xf32, #tpu.memory_space<vmem>>
      %dma_start3A_23 = arith.constant 24 : i32
      %dma_start3A_24 = arith.constant 0 : i32
      %dma_start3A_25 = tpu.memref_slice %arg7[%dma_start3A_23, %dma_start3A_24] : memref<128x128xf32, #tpu.memory_space<vmem>> -> memref<8x128xf32, #tpu.memory_space<vmem>>
      tpu.enqueue_dma source(%arg3 : memref<8x128xf32, #tpu.memory_space<hbm>>) target(%dma_start3A_25 : memref<8x128xf32, #tpu.memory_space<vmem>>) target_semaphore(%run_scoped3A : memref<!tpu.dma_semaphore, #tpu.memory_space<semaphore_mem>>)
      %dma_wait3A = arith.constant 24 : i32
      %dma_wait3A_26 = arith.constant 0 : i32
      %dma_wait3A_27 = tpu.memref_slice %arg7[%dma_wait3A, %dma_wait3A_26] : memref<128x128xf32, #tpu.memory_space<vmem>> -> memref<8x128xf32, #tpu.memory_space<vmem>>
      %dma_wait3A_28 = arith.constant 24 : i32
      %dma_wait3A_29 = arith.constant 0 : i32
      %dma_wait3A_30 = tpu.memref_slice %arg7[%dma_wait3A_28, %dma_wait3A_29] : memref<128x128xf32, #tpu.memory_space<vmem>> -> memref<8x128xf32, #tpu.memory_space<vmem>>
      tpu.wait_dma2 semaphore(%run_scoped3A : memref<!tpu.dma_semaphore, #tpu.memory_space<semaphore_mem>>) src(%arg3 : memref<8x128xf32, #tpu.memory_space<hbm>>) dst(%dma_wait3A_30 : memref<8x128xf32, #tpu.memory_space<vmem>>)
      tpu.yield
    }) : () -> ()
    "tpu.region"() ({
      %run_scoped3A = tpu.sem_alloc : memref<!tpu.dma_semaphore, #tpu.memory_space<semaphore_mem>>
      %dma_start3A = arith.constant 32 : i32
      %dma_start3A_21 = arith.constant 0 : i32
      %dma_start3A_22 = tpu.memref_slice %arg7[%dma_start3A, %dma_start3A_21] : memref<128x128xf32, #tpu.memory_space<vmem>> -> memref<8x128xf32, #tpu.memory_space<vmem>>
      %dma_start3A_23 = arith.constant 32 : i32
      %dma_start3A_24 = arith.constant 0 : i32
      %dma_start3A_25 = tpu.memref_slice %arg7[%dma_start3A_23, %dma_start3A_24] : memref<128x128xf32, #tpu.memory_space<vmem>> -> memref<8x128xf32, #tpu.memory_space<vmem>>
      tpu.enqueue_dma source(%arg3 : memref<8x128xf32, #tpu.memory_space<hbm>>) target(%dma_start3A_25 : memref<8x128xf32, #tpu.memory_space<vmem>>) target_semaphore(%run_scoped3A : memref<!tpu.dma_semaphore, #tpu.memory_space<semaphore_mem>>)
      %dma_wait3A = arith.constant 32 : i32
      %dma_wait3A_26 = arith.constant 0 : i32
      %dma_wait3A_27 = tpu.memref_slice %arg7[%dma_wait3A, %dma_wait3A_26] : memref<128x128xf32, #tpu.memory_space<vmem>> -> memref<8x128xf32, #tpu.memory_space<vmem>>
      %dma_wait3A_28 = arith.constant 32 : i32
      %dma_wait3A_29 = arith.constant 0 : i32
      %dma_wait3A_30 = tpu.memref_slice %arg7[%dma_wait3A_28, %dma_wait3A_29] : memref<128x128xf32, #tpu.memory_space<vmem>> -> memref<8x128xf32, #tpu.memory_space<vmem>>
      tpu.wait_dma2 semaphore(%run_scoped3A : memref<!tpu.dma_semaphore, #tpu.memory_space<semaphore_mem>>) src(%arg3 : memref<8x128xf32, #tpu.memory_space<hbm>>) dst(%dma_wait3A_30 : memref<8x128xf32, #tpu.memory_space<vmem>>)
      tpu.yield
    }) : () -> ()
    "tpu.region"() ({
      %run_scoped3A = tpu.sem_alloc : memref<!tpu.dma_semaphore, #tpu.memory_space<semaphore_mem>>
      %dma_start3A = arith.constant 40 : i32
      %dma_start3A_21 = arith.constant 0 : i32
      %dma_start3A_22 = tpu.memref_slice %arg7[%dma_start3A, %dma_start3A_21] : memref<128x128xf32, #tpu.memory_space<vmem>> -> memref<8x128xf32, #tpu.memory_space<vmem>>
      %dma_start3A_23 = arith.constant 40 : i32
      %dma_start3A_24 = arith.constant 0 : i32
      %dma_start3A_25 = tpu.memref_slice %arg7[%dma_start3A_23, %dma_start3A_24] : memref<128x128xf32, #tpu.memory_space<vmem>> -> memref<8x128xf32, #tpu.memory_space<vmem>>
      tpu.enqueue_dma source(%arg3 : memref<8x128xf32, #tpu.memory_space<hbm>>) target(%dma_start3A_25 : memref<8x128xf32, #tpu.memory_space<vmem>>) target_semaphore(%run_scoped3A : memref<!tpu.dma_semaphore, #tpu.memory_space<semaphore_mem>>)
      %dma_wait3A = arith.constant 40 : i32
      %dma_wait3A_26 = arith.constant 0 : i32
      %dma_wait3A_27 = tpu.memref_slice %arg7[%dma_wait3A, %dma_wait3A_26] : memref<128x128xf32, #tpu.memory_space<vmem>> -> memref<8x128xf32, #tpu.memory_space<vmem>>
      %dma_wait3A_28 = arith.constant 40 : i32
      %dma_wait3A_29 = arith.constant 0 : i32
      %dma_wait3A_30 = tpu.memref_slice %arg7[%dma_wait3A_28, %dma_wait3A_29] : memref<128x128xf32, #tpu.memory_space<vmem>> -> memref<8x128xf32, #tpu.memory_space<vmem>>
      tpu.wait_dma2 semaphore(%run_scoped3A : memref<!tpu.dma_semaphore, #tpu.memory_space<semaphore_mem>>) src(%arg3 : memref<8x128xf32, #tpu.memory_space<hbm>>) dst(%dma_wait3A_30 : memref<8x128xf32, #tpu.memory_space<vmem>>)
      tpu.yield
    }) : () -> ()
    "tpu.region"() ({
      %run_scoped3A = tpu.sem_alloc : memref<!tpu.dma_semaphore, #tpu.memory_space<semaphore_mem>>
      %dma_start3A = arith.constant 48 : i32
      %dma_start3A_21 = arith.constant 0 : i32
      %dma_start3A_22 = tpu.memref_slice %arg7[%dma_start3A, %dma_start3A_21] : memref<128x128xf32, #tpu.memory_space<vmem>> -> memref<8x128xf32, #tpu.memory_space<vmem>>
      %dma_start3A_23 = arith.constant 48 : i32
      %dma_start3A_24 = arith.constant 0 : i32
      %dma_start3A_25 = tpu.memref_slice %arg7[%dma_start3A_23, %dma_start3A_24] : memref<128x128xf32, #tpu.memory_space<vmem>> -> memref<8x128xf32, #tpu.memory_space<vmem>>
      tpu.enqueue_dma source(%arg3 : memref<8x128xf32, #tpu.memory_space<hbm>>) target(%dma_start3A_25 : memref<8x128xf32, #tpu.memory_space<vmem>>) target_semaphore(%run_scoped3A : memref<!tpu.dma_semaphore, #tpu.memory_space<semaphore_mem>>)
      %dma_wait3A = arith.constant 48 : i32
      %dma_wait3A_26 = arith.constant 0 : i32
      %dma_wait3A_27 = tpu.memref_slice %arg7[%dma_wait3A, %dma_wait3A_26] : memref<128x128xf32, #tpu.memory_space<vmem>> -> memref<8x128xf32, #tpu.memory_space<vmem>>
      %dma_wait3A_28 = arith.constant 48 : i32
      %dma_wait3A_29 = arith.constant 0 : i32
      %dma_wait3A_30 = tpu.memref_slice %arg7[%dma_wait3A_28, %dma_wait3A_29] : memref<128x128xf32, #tpu.memory_space<vmem>> -> memref<8x128xf32, #tpu.memory_space<vmem>>
      tpu.wait_dma2 semaphore(%run_scoped3A : memref<!tpu.dma_semaphore, #tpu.memory_space<semaphore_mem>>) src(%arg3 : memref<8x128xf32, #tpu.memory_space<hbm>>) dst(%dma_wait3A_30 : memref<8x128xf32, #tpu.memory_space<vmem>>)
      tpu.yield
    }) : () -> ()
    "tpu.region"() ({
      %run_scoped3A = tpu.sem_alloc : memref<!tpu.dma_semaphore, #tpu.memory_space<semaphore_mem>>
      %dma_start3A = arith.constant 56 : i32
      %dma_start3A_21 = arith.constant 0 : i32
      %dma_start3A_22 = tpu.memref_slice %arg7[%dma_start3A, %dma_start3A_21] : memref<128x128xf32, #tpu.memory_space<vmem>> -> memref<8x128xf32, #tpu.memory_space<vmem>>
      %dma_start3A_23 = arith.constant 56 : i32
      %dma_start3A_24 = arith.constant 0 : i32
      %dma_start3A_25 = tpu.memref_slice %arg7[%dma_start3A_23, %dma_start3A_24] : memref<128x128xf32, #tpu.memory_space<vmem>> -> memref<8x128xf32, #tpu.memory_space<vmem>>
      tpu.enqueue_dma source(%arg3 : memref<8x128xf32, #tpu.memory_space<hbm>>) target(%dma_start3A_25 : memref<8x128xf32, #tpu.memory_space<vmem>>) target_semaphore(%run_scoped3A : memref<!tpu.dma_semaphore, #tpu.memory_space<semaphore_mem>>)
      %dma_wait3A = arith.constant 56 : i32
      %dma_wait3A_26 = arith.constant 0 : i32
      %dma_wait3A_27 = tpu.memref_slice %arg7[%dma_wait3A, %dma_wait3A_26] : memref<128x128xf32, #tpu.memory_space<vmem>> -> memref<8x128xf32, #tpu.memory_space<vmem>>
      %dma_wait3A_28 = arith.constant 56 : i32
      %dma_wait3A_29 = arith.constant 0 : i32
      %dma_wait3A_30 = tpu.memref_slice %arg7[%dma_wait3A_28, %dma_wait3A_29] : memref<128x128xf32, #tpu.memory_space<vmem>> -> memref<8x128xf32, #tpu.memory_space<vmem>>
      tpu.wait_dma2 semaphore(%run_scoped3A : memref<!tpu.dma_semaphore, #tpu.memory_space<semaphore_mem>>) src(%arg3 : memref<8x128xf32, #tpu.memory_space<hbm>>) dst(%dma_wait3A_30 : memref<8x128xf32, #tpu.memory_space<vmem>>)
      tpu.yield
    }) : () -> ()
    "tpu.region"() ({
      %run_scoped3A = tpu.sem_alloc : memref<!tpu.dma_semaphore, #tpu.memory_space<semaphore_mem>>
      %dma_start3A = arith.constant 64 : i32
      %dma_start3A_21 = arith.constant 0 : i32
      %dma_start3A_22 = tpu.memref_slice %arg7[%dma_start3A, %dma_start3A_21] : memref<128x128xf32, #tpu.memory_space<vmem>> -> memref<8x128xf32, #tpu.memory_space<vmem>>
      %dma_start3A_23 = arith.constant 64 : i32
      %dma_start3A_24 = arith.constant 0 : i32
      %dma_start3A_25 = tpu.memref_slice %arg7[%dma_start3A_23, %dma_start3A_24] : memref<128x128xf32, #tpu.memory_space<vmem>> -> memref<8x128xf32, #tpu.memory_space<vmem>>
      tpu.enqueue_dma source(%arg3 : memref<8x128xf32, #tpu.memory_space<hbm>>) target(%dma_start3A_25 : memref<8x128xf32, #tpu.memory_space<vmem>>) target_semaphore(%run_scoped3A : memref<!tpu.dma_semaphore, #tpu.memory_space<semaphore_mem>>)
      %dma_wait3A = arith.constant 64 : i32
      %dma_wait3A_26 = arith.constant 0 : i32
      %dma_wait3A_27 = tpu.memref_slice %arg7[%dma_wait3A, %dma_wait3A_26] : memref<128x128xf32, #tpu.memory_space<vmem>> -> memref<8x128xf32, #tpu.memory_space<vmem>>
      %dma_wait3A_28 = arith.constant 64 : i32
      %dma_wait3A_29 = arith.constant 0 : i32
      %dma_wait3A_30 = tpu.memref_slice %arg7[%dma_wait3A_28, %dma_wait3A_29] : memref<128x128xf32, #tpu.memory_space<vmem>> -> memref<8x128xf32, #tpu.memory_space<vmem>>
      tpu.wait_dma2 semaphore(%run_scoped3A : memref<!tpu.dma_semaphore, #tpu.memory_space<semaphore_mem>>) src(%arg3 : memref<8x128xf32, #tpu.memory_space<hbm>>) dst(%dma_wait3A_30 : memref<8x128xf32, #tpu.memory_space<vmem>>)
      tpu.yield
    }) : () -> ()
    "tpu.region"() ({
      %run_scoped3A = tpu.sem_alloc : memref<!tpu.dma_semaphore, #tpu.memory_space<semaphore_mem>>
      %dma_start3A = arith.constant 72 : i32
      %dma_start3A_21 = arith.constant 0 : i32
      %dma_start3A_22 = tpu.memref_slice %arg7[%dma_start3A, %dma_start3A_21] : memref<128x128xf32, #tpu.memory_space<vmem>> -> memref<8x128xf32, #tpu.memory_space<vmem>>
      %dma_start3A_23 = arith.constant 72 : i32
      %dma_start3A_24 = arith.constant 0 : i32
      %dma_start3A_25 = tpu.memref_slice %arg7[%dma_start3A_23, %dma_start3A_24] : memref<128x128xf32, #tpu.memory_space<vmem>> -> memref<8x128xf32, #tpu.memory_space<vmem>>
      tpu.enqueue_dma source(%arg3 : memref<8x128xf32, #tpu.memory_space<hbm>>) target(%dma_start3A_25 : memref<8x128xf32, #tpu.memory_space<vmem>>) target_semaphore(%run_scoped3A : memref<!tpu.dma_semaphore, #tpu.memory_space<semaphore_mem>>)
      %dma_wait3A = arith.constant 72 : i32
      %dma_wait3A_26 = arith.constant 0 : i32
      %dma_wait3A_27 = tpu.memref_slice %arg7[%dma_wait3A, %dma_wait3A_26] : memref<128x128xf32, #tpu.memory_space<vmem>> -> memref<8x128xf32, #tpu.memory_space<vmem>>
      %dma_wait3A_28 = arith.constant 72 : i32
      %dma_wait3A_29 = arith.constant 0 : i32
      %dma_wait3A_30 = tpu.memref_slice %arg7[%dma_wait3A_28, %dma_wait3A_29] : memref<128x128xf32, #tpu.memory_space<vmem>> -> memref<8x128xf32, #tpu.memory_space<vmem>>
      tpu.wait_dma2 semaphore(%run_scoped3A : memref<!tpu.dma_semaphore, #tpu.memory_space<semaphore_mem>>) src(%arg3 : memref<8x128xf32, #tpu.memory_space<hbm>>) dst(%dma_wait3A_30 : memref<8x128xf32, #tpu.memory_space<vmem>>)
      tpu.yield
    }) : () -> ()
    "tpu.region"() ({
      %run_scoped3A = tpu.sem_alloc : memref<!tpu.dma_semaphore, #tpu.memory_space<semaphore_mem>>
      %dma_start3A = arith.constant 80 : i32
      %dma_start3A_21 = arith.constant 0 : i32
      %dma_start3A_22 = tpu.memref_slice %arg7[%dma_start3A, %dma_start3A_21] : memref<128x128xf32, #tpu.memory_space<vmem>> -> memref<8x128xf32, #tpu.memory_space<vmem>>
      %dma_start3A_23 = arith.constant 80 : i32
      %dma_start3A_24 = arith.constant 0 : i32
      %dma_start3A_25 = tpu.memref_slice %arg7[%dma_start3A_23, %dma_start3A_24] : memref<128x128xf32, #tpu.memory_space<vmem>> -> memref<8x128xf32, #tpu.memory_space<vmem>>
      tpu.enqueue_dma source(%arg3 : memref<8x128xf32, #tpu.memory_space<hbm>>) target(%dma_start3A_25 : memref<8x128xf32, #tpu.memory_space<vmem>>) target_semaphore(%run_scoped3A : memref<!tpu.dma_semaphore, #tpu.memory_space<semaphore_mem>>)
      %dma_wait3A = arith.constant 80 : i32
      %dma_wait3A_26 = arith.constant 0 : i32
      %dma_wait3A_27 = tpu.memref_slice %arg7[%dma_wait3A, %dma_wait3A_26] : memref<128x128xf32, #tpu.memory_space<vmem>> -> memref<8x128xf32, #tpu.memory_space<vmem>>
      %dma_wait3A_28 = arith.constant 80 : i32
      %dma_wait3A_29 = arith.constant 0 : i32
      %dma_wait3A_30 = tpu.memref_slice %arg7[%dma_wait3A_28, %dma_wait3A_29] : memref<128x128xf32, #tpu.memory_space<vmem>> -> memref<8x128xf32, #tpu.memory_space<vmem>>
      tpu.wait_dma2 semaphore(%run_scoped3A : memref<!tpu.dma_semaphore, #tpu.memory_space<semaphore_mem>>) src(%arg3 : memref<8x128xf32, #tpu.memory_space<hbm>>) dst(%dma_wait3A_30 : memref<8x128xf32, #tpu.memory_space<vmem>>)
      tpu.yield
    }) : () -> ()
    "tpu.region"() ({
      %run_scoped3A = tpu.sem_alloc : memref<!tpu.dma_semaphore, #tpu.memory_space<semaphore_mem>>
      %dma_start3A = arith.constant 88 : i32
      %dma_start3A_21 = arith.constant 0 : i32
      %dma_start3A_22 = tpu.memref_slice %arg7[%dma_start3A, %dma_start3A_21] : memref<128x128xf32, #tpu.memory_space<vmem>> -> memref<8x128xf32, #tpu.memory_space<vmem>>
      %dma_start3A_23 = arith.constant 88 : i32
      %dma_start3A_24 = arith.constant 0 : i32
      %dma_start3A_25 = tpu.memref_slice %arg7[%dma_start3A_23, %dma_start3A_24] : memref<128x128xf32, #tpu.memory_space<vmem>> -> memref<8x128xf32, #tpu.memory_space<vmem>>
      tpu.enqueue_dma source(%arg3 : memref<8x128xf32, #tpu.memory_space<hbm>>) target(%dma_start3A_25 : memref<8x128xf32, #tpu.memory_space<vmem>>) target_semaphore(%run_scoped3A : memref<!tpu.dma_semaphore, #tpu.memory_space<semaphore_mem>>)
      %dma_wait3A = arith.constant 88 : i32
      %dma_wait3A_26 = arith.constant 0 : i32
      %dma_wait3A_27 = tpu.memref_slice %arg7[%dma_wait3A, %dma_wait3A_26] : memref<128x128xf32, #tpu.memory_space<vmem>> -> memref<8x128xf32, #tpu.memory_space<vmem>>
      %dma_wait3A_28 = arith.constant 88 : i32
      %dma_wait3A_29 = arith.constant 0 : i32
      %dma_wait3A_30 = tpu.memref_slice %arg7[%dma_wait3A_28, %dma_wait3A_29] : memref<128x128xf32, #tpu.memory_space<vmem>> -> memref<8x128xf32, #tpu.memory_space<vmem>>
      tpu.wait_dma2 semaphore(%run_scoped3A : memref<!tpu.dma_semaphore, #tpu.memory_space<semaphore_mem>>) src(%arg3 : memref<8x128xf32, #tpu.memory_space<hbm>>) dst(%dma_wait3A_30 : memref<8x128xf32, #tpu.memory_space<vmem>>)
      tpu.yield
    }) : () -> ()
    "tpu.region"() ({
      %run_scoped3A = tpu.sem_alloc : memref<!tpu.dma_semaphore, #tpu.memory_space<semaphore_mem>>
      %dma_start3A = arith.constant 96 : i32
      %dma_start3A_21 = arith.constant 0 : i32
      %dma_start3A_22 = tpu.memref_slice %arg7[%dma_start3A, %dma_start3A_21] : memref<128x128xf32, #tpu.memory_space<vmem>> -> memref<8x128xf32, #tpu.memory_space<vmem>>
      %dma_start3A_23 = arith.constant 96 : i32
      %dma_start3A_24 = arith.constant 0 : i32
      %dma_start3A_25 = tpu.memref_slice %arg7[%dma_start3A_23, %dma_start3A_24] : memref<128x128xf32, #tpu.memory_space<vmem>> -> memref<8x128xf32, #tpu.memory_space<vmem>>
      tpu.enqueue_dma source(%arg3 : memref<8x128xf32, #tpu.memory_space<hbm>>) target(%dma_start3A_25 : memref<8x128xf32, #tpu.memory_space<vmem>>) target_semaphore(%run_scoped3A : memref<!tpu.dma_semaphore, #tpu.memory_space<semaphore_mem>>)
      %dma_wait3A = arith.constant 96 : i32
      %dma_wait3A_26 = arith.constant 0 : i32
      %dma_wait3A_27 = tpu.memref_slice %arg7[%dma_wait3A, %dma_wait3A_26] : memref<128x128xf32, #tpu.memory_space<vmem>> -> memref<8x128xf32, #tpu.memory_space<vmem>>
      %dma_wait3A_28 = arith.constant 96 : i32
      %dma_wait3A_29 = arith.constant 0 : i32
      %dma_wait3A_30 = tpu.memref_slice %arg7[%dma_wait3A_28, %dma_wait3A_29] : memref<128x128xf32, #tpu.memory_space<vmem>> -> memref<8x128xf32, #tpu.memory_space<vmem>>
      tpu.wait_dma2 semaphore(%run_scoped3A : memref<!tpu.dma_semaphore, #tpu.memory_space<semaphore_mem>>) src(%arg3 : memref<8x128xf32, #tpu.memory_space<hbm>>) dst(%dma_wait3A_30 : memref<8x128xf32, #tpu.memory_space<vmem>>)
      tpu.yield
    }) : () -> ()
    "tpu.region"() ({
      %run_scoped3A = tpu.sem_alloc : memref<!tpu.dma_semaphore, #tpu.memory_space<semaphore_mem>>
      %dma_start3A = arith.constant 104 : i32
      %dma_start3A_21 = arith.constant 0 : i32
      %dma_start3A_22 = tpu.memref_slice %arg7[%dma_start3A, %dma_start3A_21] : memref<128x128xf32, #tpu.memory_space<vmem>> -> memref<8x128xf32, #tpu.memory_space<vmem>>
      %dma_start3A_23 = arith.constant 104 : i32
      %dma_start3A_24 = arith.constant 0 : i32
      %dma_start3A_25 = tpu.memref_slice %arg7[%dma_start3A_23, %dma_start3A_24] : memref<128x128xf32, #tpu.memory_space<vmem>> -> memref<8x128xf32, #tpu.memory_space<vmem>>
      tpu.enqueue_dma source(%arg3 : memref<8x128xf32, #tpu.memory_space<hbm>>) target(%dma_start3A_25 : memref<8x128xf32, #tpu.memory_space<vmem>>) target_semaphore(%run_scoped3A : memref<!tpu.dma_semaphore, #tpu.memory_space<semaphore_mem>>)
      %dma_wait3A = arith.constant 104 : i32
      %dma_wait3A_26 = arith.constant 0 : i32
      %dma_wait3A_27 = tpu.memref_slice %arg7[%dma_wait3A, %dma_wait3A_26] : memref<128x128xf32, #tpu.memory_space<vmem>> -> memref<8x128xf32, #tpu.memory_space<vmem>>
      %dma_wait3A_28 = arith.constant 104 : i32
      %dma_wait3A_29 = arith.constant 0 : i32
      %dma_wait3A_30 = tpu.memref_slice %arg7[%dma_wait3A_28, %dma_wait3A_29] : memref<128x128xf32, #tpu.memory_space<vmem>> -> memref<8x128xf32, #tpu.memory_space<vmem>>
      tpu.wait_dma2 semaphore(%run_scoped3A : memref<!tpu.dma_semaphore, #tpu.memory_space<semaphore_mem>>) src(%arg3 : memref<8x128xf32, #tpu.memory_space<hbm>>) dst(%dma_wait3A_30 : memref<8x128xf32, #tpu.memory_space<vmem>>)
      tpu.yield
    }) : () -> ()
    "tpu.region"() ({
      %run_scoped3A = tpu.sem_alloc : memref<!tpu.dma_semaphore, #tpu.memory_space<semaphore_mem>>
      %dma_start3A = arith.constant 112 : i32
      %dma_start3A_21 = arith.constant 0 : i32
      %dma_start3A_22 = tpu.memref_slice %arg7[%dma_start3A, %dma_start3A_21] : memref<128x128xf32, #tpu.memory_space<vmem>> -> memref<8x128xf32, #tpu.memory_space<vmem>>
      %dma_start3A_23 = arith.constant 112 : i32
      %dma_start3A_24 = arith.constant 0 : i32
      %dma_start3A_25 = tpu.memref_slice %arg7[%dma_start3A_23, %dma_start3A_24] : memref<128x128xf32, #tpu.memory_space<vmem>> -> memref<8x128xf32, #tpu.memory_space<vmem>>
      tpu.enqueue_dma source(%arg3 : memref<8x128xf32, #tpu.memory_space<hbm>>) target(%dma_start3A_25 : memref<8x128xf32, #tpu.memory_space<vmem>>) target_semaphore(%run_scoped3A : memref<!tpu.dma_semaphore, #tpu.memory_space<semaphore_mem>>)
      %dma_wait3A = arith.constant 112 : i32
      %dma_wait3A_26 = arith.constant 0 : i32
      %dma_wait3A_27 = tpu.memref_slice %arg7[%dma_wait3A, %dma_wait3A_26] : memref<128x128xf32, #tpu.memory_space<vmem>> -> memref<8x128xf32, #tpu.memory_space<vmem>>
      %dma_wait3A_28 = arith.constant 112 : i32
      %dma_wait3A_29 = arith.constant 0 : i32
      %dma_wait3A_30 = tpu.memref_slice %arg7[%dma_wait3A_28, %dma_wait3A_29] : memref<128x128xf32, #tpu.memory_space<vmem>> -> memref<8x128xf32, #tpu.memory_space<vmem>>
      tpu.wait_dma2 semaphore(%run_scoped3A : memref<!tpu.dma_semaphore, #tpu.memory_space<semaphore_mem>>) src(%arg3 : memref<8x128xf32, #tpu.memory_space<hbm>>) dst(%dma_wait3A_30 : memref<8x128xf32, #tpu.memory_space<vmem>>)
      tpu.yield
    }) : () -> ()
    "tpu.region"() ({
      %run_scoped3A = tpu.sem_alloc : memref<!tpu.dma_semaphore, #tpu.memory_space<semaphore_mem>>
      %dma_start3A = arith.constant 120 : i32
      %dma_start3A_21 = arith.constant 0 : i32
      %dma_start3A_22 = tpu.memref_slice %arg7[%dma_start3A, %dma_start3A_21] : memref<128x128xf32, #tpu.memory_space<vmem>> -> memref<8x128xf32, #tpu.memory_space<vmem>>
      %dma_start3A_23 = arith.constant 120 : i32
      %dma_start3A_24 = arith.constant 0 : i32
      %dma_start3A_25 = tpu.memref_slice %arg7[%dma_start3A_23, %dma_start3A_24] : memref<128x128xf32, #tpu.memory_space<vmem>> -> memref<8x128xf32, #tpu.memory_space<vmem>>
      tpu.enqueue_dma source(%arg3 : memref<8x128xf32, #tpu.memory_space<hbm>>) target(%dma_start3A_25 : memref<8x128xf32, #tpu.memory_space<vmem>>) target_semaphore(%run_scoped3A : memref<!tpu.dma_semaphore, #tpu.memory_space<semaphore_mem>>)
      %dma_wait3A = arith.constant 120 : i32
      %dma_wait3A_26 = arith.constant 0 : i32
      %dma_wait3A_27 = tpu.memref_slice %arg7[%dma_wait3A, %dma_wait3A_26] : memref<128x128xf32, #tpu.memory_space<vmem>> -> memref<8x128xf32, #tpu.memory_space<vmem>>
      %dma_wait3A_28 = arith.constant 120 : i32
      %dma_wait3A_29 = arith.constant 0 : i32
      %dma_wait3A_30 = tpu.memref_slice %arg7[%dma_wait3A_28, %dma_wait3A_29] : memref<128x128xf32, #tpu.memory_space<vmem>> -> memref<8x128xf32, #tpu.memory_space<vmem>>
      tpu.wait_dma2 semaphore(%run_scoped3A : memref<!tpu.dma_semaphore, #tpu.memory_space<semaphore_mem>>) src(%arg3 : memref<8x128xf32, #tpu.memory_space<hbm>>) dst(%dma_wait3A_30 : memref<8x128xf32, #tpu.memory_space<vmem>>)
      tpu.yield
    }) : () -> ()
    %mul3A_1 = arith.constant 632 : i32
    %mul3A_2 = arith.muli %arg1, %mul3A_1 : i32
    %add3A_3 = arith.constant 0 : i32
    %add3A_4 = arith.addi %mul3A_2, %add3A_3 : i32
    "tpu.region"() ({
      %run_scoped3A = tpu.sem_alloc : memref<!tpu.dma_semaphore, #tpu.memory_space<semaphore_mem>>
      %dma_start3A = arith.constant 0 : i32
      %dma_start3A_21 = tpu.memref_slice %arg8[%add3A_4, %dma_start3A] : memref<10112x128xf32, #tpu.memory_space<vmem_shared>> -> memref<128x128xf32, #tpu.memory_space<vmem_shared>>
      %dma_start3A_22 = arith.constant 0 : i32
      %dma_start3A_23 = tpu.memref_slice %arg8[%add3A_4, %dma_start3A_22] : memref<10112x128xf32, #tpu.memory_space<vmem_shared>> -> memref<128x128xf32, #tpu.memory_space<vmem_shared>>
      tpu.enqueue_dma source(%arg7 : memref<128x128xf32, #tpu.memory_space<vmem>>) target(%dma_start3A_23 : memref<128x128xf32, #tpu.memory_space<vmem_shared>>) target_semaphore(%run_scoped3A : memref<!tpu.dma_semaphore, #tpu.memory_space<semaphore_mem>>)
      %dma_wait3A = arith.constant 0 : i32
      %dma_wait3A_24 = tpu.memref_slice %arg8[%add3A_4, %dma_wait3A] : memref<10112x128xf32, #tpu.memory_space<vmem_shared>> -> memref<128x128xf32, #tpu.memory_space<vmem_shared>>
      %dma_wait3A_25 = arith.constant 0 : i32
      %dma_wait3A_26 = tpu.memref_slice %arg8[%add3A_4, %dma_wait3A_25] : memref<10112x128xf32, #tpu.memory_space<vmem_shared>> -> memref<128x128xf32, #tpu.memory_space<vmem_shared>>
      tpu.wait_dma2 semaphore(%run_scoped3A : memref<!tpu.dma_semaphore, #tpu.memory_space<semaphore_mem>>) src(%arg7 : memref<128x128xf32, #tpu.memory_space<vmem>>) dst(%dma_wait3A_26 : memref<128x128xf32, #tpu.memory_space<vmem_shared>>)
      tpu.yield
    }) : () -> ()
    %add3A_5 = arith.constant 128 : i32
    %add3A_6 = arith.addi %mul3A_2, %add3A_5 : i32
    "tpu.region"() ({
      %run_scoped3A = tpu.sem_alloc : memref<!tpu.dma_semaphore, #tpu.memory_space<semaphore_mem>>
      %dma_start3A = arith.constant 0 : i32
      %dma_start3A_21 = tpu.memref_slice %arg8[%add3A_6, %dma_start3A] : memref<10112x128xf32, #tpu.memory_space<vmem_shared>> -> memref<128x128xf32, #tpu.memory_space<vmem_shared>>
      %dma_start3A_22 = arith.constant 0 : i32
      %dma_start3A_23 = tpu.memref_slice %arg8[%add3A_6, %dma_start3A_22] : memref<10112x128xf32, #tpu.memory_space<vmem_shared>> -> memref<128x128xf32, #tpu.memory_space<vmem_shared>>
      tpu.enqueue_dma source(%arg7 : memref<128x128xf32, #tpu.memory_space<vmem>>) target(%dma_start3A_23 : memref<128x128xf32, #tpu.memory_space<vmem_shared>>) target_semaphore(%run_scoped3A : memref<!tpu.dma_semaphore, #tpu.memory_space<semaphore_mem>>)
      %dma_wait3A = arith.constant 0 : i32
      %dma_wait3A_24 = tpu.memref_slice %arg8[%add3A_6, %dma_wait3A] : memref<10112x128xf32, #tpu.memory_space<vmem_shared>> -> memref<128x128xf32, #tpu.memory_space<vmem_shared>>
      %dma_wait3A_25 = arith.constant 0 : i32
      %dma_wait3A_26 = tpu.memref_slice %arg8[%add3A_6, %dma_wait3A_25] : memref<10112x128xf32, #tpu.memory_space<vmem_shared>> -> memref<128x128xf32, #tpu.memory_space<vmem_shared>>
      tpu.wait_dma2 semaphore(%run_scoped3A : memref<!tpu.dma_semaphore, #tpu.memory_space<semaphore_mem>>) src(%arg7 : memref<128x128xf32, #tpu.memory_space<vmem>>) dst(%dma_wait3A_26 : memref<128x128xf32, #tpu.memory_space<vmem_shared>>)
      tpu.yield
    }) : () -> ()
    %add3A_7 = arith.constant 256 : i32
    %add3A_8 = arith.addi %mul3A_2, %add3A_7 : i32
    "tpu.region"() ({
      %run_scoped3A = tpu.sem_alloc : memref<!tpu.dma_semaphore, #tpu.memory_space<semaphore_mem>>
      %dma_start3A = arith.constant 0 : i32
      %dma_start3A_21 = tpu.memref_slice %arg8[%add3A_8, %dma_start3A] : memref<10112x128xf32, #tpu.memory_space<vmem_shared>> -> memref<128x128xf32, #tpu.memory_space<vmem_shared>>
      %dma_start3A_22 = arith.constant 0 : i32
      %dma_start3A_23 = tpu.memref_slice %arg8[%add3A_8, %dma_start3A_22] : memref<10112x128xf32, #tpu.memory_space<vmem_shared>> -> memref<128x128xf32, #tpu.memory_space<vmem_shared>>
      tpu.enqueue_dma source(%arg7 : memref<128x128xf32, #tpu.memory_space<vmem>>) target(%dma_start3A_23 : memref<128x128xf32, #tpu.memory_space<vmem_shared>>) target_semaphore(%run_scoped3A : memref<!tpu.dma_semaphore, #tpu.memory_space<semaphore_mem>>)
      %dma_wait3A = arith.constant 0 : i32
      %dma_wait3A_24 = tpu.memref_slice %arg8[%add3A_8, %dma_wait3A] : memref<10112x128xf32, #tpu.memory_space<vmem_shared>> -> memref<128x128xf32, #tpu.memory_space<vmem_shared>>
      %dma_wait3A_25 = arith.constant 0 : i32
      %dma_wait3A_26 = tpu.memref_slice %arg8[%add3A_8, %dma_wait3A_25] : memref<10112x128xf32, #tpu.memory_space<vmem_shared>> -> memref<128x128xf32, #tpu.memory_space<vmem_shared>>
      tpu.wait_dma2 semaphore(%run_scoped3A : memref<!tpu.dma_semaphore, #tpu.memory_space<semaphore_mem>>) src(%arg7 : memref<128x128xf32, #tpu.memory_space<vmem>>) dst(%dma_wait3A_26 : memref<128x128xf32, #tpu.memory_space<vmem_shared>>)
      tpu.yield
    }) : () -> ()
    %add3A_9 = arith.constant 384 : i32
    %add3A_10 = arith.addi %mul3A_2, %add3A_9 : i32
    "tpu.region"() ({
      %run_scoped3A = tpu.sem_alloc : memref<!tpu.dma_semaphore, #tpu.memory_space<semaphore_mem>>
      %dma_start3A = arith.constant 0 : i32
      %dma_start3A_21 = tpu.memref_slice %arg8[%add3A_10, %dma_start3A] : memref<10112x128xf32, #tpu.memory_space<vmem_shared>> -> memref<128x128xf32, #tpu.memory_space<vmem_shared>>
      %dma_start3A_22 = arith.constant 0 : i32
      %dma_start3A_23 = tpu.memref_slice %arg8[%add3A_10, %dma_start3A_22] : memref<10112x128xf32, #tpu.memory_space<vmem_shared>> -> memref<128x128xf32, #tpu.memory_space<vmem_shared>>
      tpu.enqueue_dma source(%arg7 : memref<128x128xf32, #tpu.memory_space<vmem>>) target(%dma_start3A_23 : memref<128x128xf32, #tpu.memory_space<vmem_shared>>) target_semaphore(%run_scoped3A : memref<!tpu.dma_semaphore, #tpu.memory_space<semaphore_mem>>)
      %dma_wait3A = arith.constant 0 : i32
      %dma_wait3A_24 = tpu.memref_slice %arg8[%add3A_10, %dma_wait3A] : memref<10112x128xf32, #tpu.memory_space<vmem_shared>> -> memref<128x128xf32, #tpu.memory_space<vmem_shared>>
      %dma_wait3A_25 = arith.constant 0 : i32
      %dma_wait3A_26 = tpu.memref_slice %arg8[%add3A_10, %dma_wait3A_25] : memref<10112x128xf32, #tpu.memory_space<vmem_shared>> -> memref<128x128xf32, #tpu.memory_space<vmem_shared>>
      tpu.wait_dma2 semaphore(%run_scoped3A : memref<!tpu.dma_semaphore, #tpu.memory_space<semaphore_mem>>) src(%arg7 : memref<128x128xf32, #tpu.memory_space<vmem>>) dst(%dma_wait3A_26 : memref<128x128xf32, #tpu.memory_space<vmem_shared>>)
      tpu.yield
    }) : () -> ()
    %add3A_11 = arith.constant 512 : i32
    %add3A_12 = arith.addi %mul3A_2, %add3A_11 : i32
    "tpu.region"() ({
      %run_scoped3A = tpu.sem_alloc : memref<!tpu.dma_semaphore, #tpu.memory_space<semaphore_mem>>
      %dma_start3A = arith.constant 0 : i32
      %dma_start3A_21 = arith.constant 0 : i32
      %dma_start3A_22 = tpu.memref_slice %arg7[%dma_start3A, %dma_start3A_21] : memref<128x128xf32, #tpu.memory_space<vmem>> -> memref<120x128xf32, #tpu.memory_space<vmem>>
      %dma_start3A_23 = arith.constant 0 : i32
      %dma_start3A_24 = tpu.memref_slice %arg8[%add3A_12, %dma_start3A_23] : memref<10112x128xf32, #tpu.memory_space<vmem_shared>> -> memref<120x128xf32, #tpu.memory_space<vmem_shared>>
      %dma_start3A_25 = arith.constant 0 : i32
      %dma_start3A_26 = tpu.memref_slice %arg8[%add3A_12, %dma_start3A_25] : memref<10112x128xf32, #tpu.memory_space<vmem_shared>> -> memref<120x128xf32, #tpu.memory_space<vmem_shared>>
      %dma_start3A_27 = arith.constant 0 : i32
      %dma_start3A_28 = arith.constant 0 : i32
      %dma_start3A_29 = tpu.memref_slice %arg7[%dma_start3A_27, %dma_start3A_28] : memref<128x128xf32, #tpu.memory_space<vmem>> -> memref<120x128xf32, #tpu.memory_space<vmem>>
      tpu.enqueue_dma source(%dma_start3A_29 : memref<120x128xf32, #tpu.memory_space<vmem>>) target(%dma_start3A_26 : memref<120x128xf32, #tpu.memory_space<vmem_shared>>) target_semaphore(%run_scoped3A : memref<!tpu.dma_semaphore, #tpu.memory_space<semaphore_mem>>)
      %dma_wait3A = arith.constant 0 : i32
      %dma_wait3A_30 = arith.constant 0 : i32
      %dma_wait3A_31 = tpu.memref_slice %arg7[%dma_wait3A, %dma_wait3A_30] : memref<128x128xf32, #tpu.memory_space<vmem>> -> memref<120x128xf32, #tpu.memory_space<vmem>>
      %dma_wait3A_32 = arith.constant 0 : i32
      %dma_wait3A_33 = tpu.memref_slice %arg8[%add3A_12, %dma_wait3A_32] : memref<10112x128xf32, #tpu.memory_space<vmem_shared>> -> memref<120x128xf32, #tpu.memory_space<vmem_shared>>
      %dma_wait3A_34 = arith.constant 0 : i32
      %dma_wait3A_35 = tpu.memref_slice %arg8[%add3A_12, %dma_wait3A_34] : memref<10112x128xf32, #tpu.memory_space<vmem_shared>> -> memref<120x128xf32, #tpu.memory_space<vmem_shared>>
      %dma_wait3A_36 = arith.constant 0 : i32
      %dma_wait3A_37 = arith.constant 0 : i32
      %dma_wait3A_38 = tpu.memref_slice %arg7[%dma_wait3A_36, %dma_wait3A_37] : memref<128x128xf32, #tpu.memory_space<vmem>> -> memref<120x128xf32, #tpu.memory_space<vmem>>
      tpu.wait_dma2 semaphore(%run_scoped3A : memref<!tpu.dma_semaphore, #tpu.memory_space<semaphore_mem>>) src(%dma_wait3A_38 : memref<120x128xf32, #tpu.memory_space<vmem>>) dst(%dma_wait3A_35 : memref<120x128xf32, #tpu.memory_space<vmem_shared>>)
      tpu.yield
    }) : () -> ()
    "tpu.region"() ({
      %run_scoped3A = tpu.sem_alloc : memref<!tpu.dma_semaphore, #tpu.memory_space<semaphore_mem>>
      tpu.enqueue_dma source(%arg4 : memref<128x128xf32, #tpu.memory_space<hbm>>) target(%arg7 : memref<128x128xf32, #tpu.memory_space<vmem>>) target_semaphore(%run_scoped3A : memref<!tpu.dma_semaphore, #tpu.memory_space<semaphore_mem>>)
      tpu.wait_dma2 semaphore(%run_scoped3A : memref<!tpu.dma_semaphore, #tpu.memory_space<semaphore_mem>>) src(%arg4 : memref<128x128xf32, #tpu.memory_space<hbm>>) dst(%arg7 : memref<128x128xf32, #tpu.memory_space<vmem>>)
      tpu.yield
    }) : () -> ()
    %barrier3A = arith.constant 0 : index
    tpu.barrier barrier_id(%barrier3A)
    %scan3A = arith.constant 0 : i32
    %scan3A_13 = arith.constant 0 : i32
    %scan3A_14 = arith.constant 49 : i32
    %scan3A_15 = arith.addi %scan3A_13, %scan3A_14 : i32
    %scan3A_16 = arith.constant 1 : i32
    scf.for %scan3A_21 = %scan3A_13 to %scan3A_15 step %scan3A_16  : i32 {
      %mul3A_22 = arith.constant 3 : i32
      %mul3A_23 = arith.muli %mul3A_22, %scan3A_21 : i32
      "tpu.region"() ({
        %run_scoped3A_29 = tpu.sem_alloc : memref<!tpu.dma_semaphore, #tpu.memory_space<semaphore_mem>>
        %dma_start3A = arith.constant 0 : i32
        %dma_start3A_30 = arith.constant 0 : i32
        %dma_start3A_31 = tpu.memref_slice %arg2[%add3A, %mul3A_23, %dma_start3A, %dma_start3A_30] : memref<32x147x2x128xi32, #tpu.memory_space<hbm>> -> memref<1x3x2x128xi32, #tpu.memory_space<hbm>>
        %dma_start3A_32 = tpu.memref_squeeze %dma_start3A_31 : memref<1x3x2x128xi32, #tpu.memory_space<hbm>> -> memref<3x2x128xi32, #tpu.memory_space<hbm>>
        %dma_start3A_33 = arith.constant 0 : i32
        %dma_start3A_34 = arith.constant 0 : i32
        %dma_start3A_35 = tpu.memref_slice %arg2[%add3A, %mul3A_23, %dma_start3A_33, %dma_start3A_34] : memref<32x147x2x128xi32, #tpu.memory_space<hbm>> -> memref<1x3x2x128xi32, #tpu.memory_space<hbm>>
        %dma_start3A_36 = tpu.memref_squeeze %dma_start3A_35 : memref<1x3x2x128xi32, #tpu.memory_space<hbm>> -> memref<3x2x128xi32, #tpu.memory_space<hbm>>
        tpu.enqueue_dma source(%dma_start3A_36 : memref<3x2x128xi32, #tpu.memory_space<hbm>>) target(%arg6 : memref<3x2x128xi32, #tpu.memory_space<vmem>>) target_semaphore(%run_scoped3A_29 : memref<!tpu.dma_semaphore, #tpu.memory_space<semaphore_mem>>)
        %dma_wait3A = arith.constant 0 : i32
        %dma_wait3A_37 = arith.constant 0 : i32
        %dma_wait3A_38 = tpu.memref_slice %arg2[%add3A, %mul3A_23, %dma_wait3A, %dma_wait3A_37] : memref<32x147x2x128xi32, #tpu.memory_space<hbm>> -> memref<1x3x2x128xi32, #tpu.memory_space<hbm>>
        %dma_wait3A_39 = tpu.memref_squeeze %dma_wait3A_38 : memref<1x3x2x128xi32, #tpu.memory_space<hbm>> -> memref<3x2x128xi32, #tpu.memory_space<hbm>>
        %dma_wait3A_40 = arith.constant 0 : i32
        %dma_wait3A_41 = arith.constant 0 : i32
        %dma_wait3A_42 = tpu.memref_slice %arg2[%add3A, %mul3A_23, %dma_wait3A_40, %dma_wait3A_41] : memref<32x147x2x128xi32, #tpu.memory_space<hbm>> -> memref<1x3x2x128xi32, #tpu.memory_space<hbm>>
        %dma_wait3A_43 = tpu.memref_squeeze %dma_wait3A_42 : memref<1x3x2x128xi32, #tpu.memory_space<hbm>> -> memref<3x2x128xi32, #tpu.memory_space<hbm>>
        tpu.wait_dma2 semaphore(%run_scoped3A_29 : memref<!tpu.dma_semaphore, #tpu.memory_space<semaphore_mem>>) src(%dma_wait3A_43 : memref<3x2x128xi32, #tpu.memory_space<hbm>>) dst(%arg6 : memref<3x2x128xi32, #tpu.memory_space<vmem>>)
        tpu.yield
      }) : () -> ()
      %run_scoped3A = arith.constant 0 : i32
      %run_scoped3A_24 = arith.constant 1 : i32
      "tpu.region"() ({
        %run_scoped3A_29 = tpu.sem_alloc : memref<!tpu.dma_semaphore, #tpu.memory_space<semaphore_mem>>
        %dma_start3A = arith.constant 0 : i32
        %dma_start3A_30 = tpu.memref_slice %arg6[%run_scoped3A, %run_scoped3A_24, %dma_start3A] : memref<3x2x128xi32, #tpu.memory_space<vmem>> -> memref<1x1x128xi32, #tpu.memory_space<vmem>>
        %dma_start3A_31 = tpu.memref_squeeze %dma_start3A_30 : memref<1x1x128xi32, #tpu.memory_space<vmem>> -> memref<128xi32, #tpu.memory_space<vmem>>
        %dma_start3A_32 = arith.constant 0 : i32
        %dma_start3A_33 = arith.constant 0 : i32
        %dma_start3A_34 = tpu.memref_slice %arg8[%dma_start3A_32, %dma_start3A_33] : memref<10112x128xf32, #tpu.memory_space<vmem_shared>> -> memref<10112x128xf32, #tpu.memory_space<vmem_shared>>
        tpu.enqueue_indirect_dma source(%arg7 : memref<128x128xf32, #tpu.memory_space<vmem>>) target(%dma_start3A_34 : memref<10112x128xf32, #tpu.memory_space<vmem_shared>>) offsets(%dma_start3A_31 : memref<128xi32, #tpu.memory_space<vmem>>) semaphore(%run_scoped3A_29 : memref<!tpu.dma_semaphore, #tpu.memory_space<semaphore_mem>>) {add = true}
        %dma_wait3A = arith.constant 0 : i32
        %dma_wait3A_35 = tpu.memref_slice %arg6[%run_scoped3A, %run_scoped3A_24, %dma_wait3A] : memref<3x2x128xi32, #tpu.memory_space<vmem>> -> memref<1x1x128xi32, #tpu.memory_space<vmem>>
        %dma_wait3A_36 = tpu.memref_squeeze %dma_wait3A_35 : memref<1x1x128xi32, #tpu.memory_space<vmem>> -> memref<128xi32, #tpu.memory_space<vmem>>
        %dma_wait3A_37 = arith.constant 0 : i32
        %dma_wait3A_38 = arith.constant 0 : i32
        %dma_wait3A_39 = tpu.memref_slice %arg8[%dma_wait3A_37, %dma_wait3A_38] : memref<10112x128xf32, #tpu.memory_space<vmem_shared>> -> memref<10112x128xf32, #tpu.memory_space<vmem_shared>>
        tpu.wait_indirect_dma semaphore(%run_scoped3A_29 : memref<!tpu.dma_semaphore, #tpu.memory_space<semaphore_mem>>) src(%arg7 : memref<128x128xf32, #tpu.memory_space<vmem>>) dst(%dma_wait3A_39 : memref<10112x128xf32, #tpu.memory_space<vmem_shared>>)
        tpu.yield
      }) : () -> ()
      %run_scoped3A_25 = arith.constant 1 : i32
      %run_scoped3A_26 = arith.constant 1 : i32
      "tpu.region"() ({
        %run_scoped3A_29 = tpu.sem_alloc : memref<!tpu.dma_semaphore, #tpu.memory_space<semaphore_mem>>
        %dma_start3A = arith.constant 0 : i32
        %dma_start3A_30 = tpu.memref_slice %arg6[%run_scoped3A_25, %run_scoped3A_26, %dma_start3A] : memref<3x2x128xi32, #tpu.memory_space<vmem>> -> memref<1x1x128xi32, #tpu.memory_space<vmem>>
        %dma_start3A_31 = tpu.memref_squeeze %dma_start3A_30 : memref<1x1x128xi32, #tpu.memory_space<vmem>> -> memref<128xi32, #tpu.memory_space<vmem>>
        %dma_start3A_32 = arith.constant 0 : i32
        %dma_start3A_33 = arith.constant 0 : i32
        %dma_start3A_34 = tpu.memref_slice %arg8[%dma_start3A_32, %dma_start3A_33] : memref<10112x128xf32, #tpu.memory_space<vmem_shared>> -> memref<10112x128xf32, #tpu.memory_space<vmem_shared>>
        tpu.enqueue_indirect_dma source(%arg7 : memref<128x128xf32, #tpu.memory_space<vmem>>) target(%dma_start3A_34 : memref<10112x128xf32, #tpu.memory_space<vmem_shared>>) offsets(%dma_start3A_31 : memref<128xi32, #tpu.memory_space<vmem>>) semaphore(%run_scoped3A_29 : memref<!tpu.dma_semaphore, #tpu.memory_space<semaphore_mem>>) {add = true}
        %dma_wait3A = arith.constant 0 : i32
        %dma_wait3A_35 = tpu.memref_slice %arg6[%run_scoped3A_25, %run_scoped3A_26, %dma_wait3A] : memref<3x2x128xi32, #tpu.memory_space<vmem>> -> memref<1x1x128xi32, #tpu.memory_space<vmem>>
        %dma_wait3A_36 = tpu.memref_squeeze %dma_wait3A_35 : memref<1x1x128xi32, #tpu.memory_space<vmem>> -> memref<128xi32, #tpu.memory_space<vmem>>
        %dma_wait3A_37 = arith.constant 0 : i32
        %dma_wait3A_38 = arith.constant 0 : i32
        %dma_wait3A_39 = tpu.memref_slice %arg8[%dma_wait3A_37, %dma_wait3A_38] : memref<10112x128xf32, #tpu.memory_space<vmem_shared>> -> memref<10112x128xf32, #tpu.memory_space<vmem_shared>>
        tpu.wait_indirect_dma semaphore(%run_scoped3A_29 : memref<!tpu.dma_semaphore, #tpu.memory_space<semaphore_mem>>) src(%arg7 : memref<128x128xf32, #tpu.memory_space<vmem>>) dst(%dma_wait3A_39 : memref<10112x128xf32, #tpu.memory_space<vmem_shared>>)
        tpu.yield
      }) : () -> ()
      %run_scoped3A_27 = arith.constant 2 : i32
      %run_scoped3A_28 = arith.constant 1 : i32
      "tpu.region"() ({
        %run_scoped3A_29 = tpu.sem_alloc : memref<!tpu.dma_semaphore, #tpu.memory_space<semaphore_mem>>
        %dma_start3A = arith.constant 0 : i32
        %dma_start3A_30 = tpu.memref_slice %arg6[%run_scoped3A_27, %run_scoped3A_28, %dma_start3A] : memref<3x2x128xi32, #tpu.memory_space<vmem>> -> memref<1x1x128xi32, #tpu.memory_space<vmem>>
        %dma_start3A_31 = tpu.memref_squeeze %dma_start3A_30 : memref<1x1x128xi32, #tpu.memory_space<vmem>> -> memref<128xi32, #tpu.memory_space<vmem>>
        %dma_start3A_32 = arith.constant 0 : i32
        %dma_start3A_33 = arith.constant 0 : i32
        %dma_start3A_34 = tpu.memref_slice %arg8[%dma_start3A_32, %dma_start3A_33] : memref<10112x128xf32, #tpu.memory_space<vmem_shared>> -> memref<10112x128xf32, #tpu.memory_space<vmem_shared>>
        tpu.enqueue_indirect_dma source(%arg7 : memref<128x128xf32, #tpu.memory_space<vmem>>) target(%dma_start3A_34 : memref<10112x128xf32, #tpu.memory_space<vmem_shared>>) offsets(%dma_start3A_31 : memref<128xi32, #tpu.memory_space<vmem>>) semaphore(%run_scoped3A_29 : memref<!tpu.dma_semaphore, #tpu.memory_space<semaphore_mem>>) {add = true}
        %dma_wait3A = arith.constant 0 : i32
        %dma_wait3A_35 = tpu.memref_slice %arg6[%run_scoped3A_27, %run_scoped3A_28, %dma_wait3A] : memref<3x2x128xi32, #tpu.memory_space<vmem>> -> memref<1x1x128xi32, #tpu.memory_space<vmem>>
        %dma_wait3A_36 = tpu.memref_squeeze %dma_wait3A_35 : memref<1x1x128xi32, #tpu.memory_space<vmem>> -> memref<128xi32, #tpu.memory_space<vmem>>
        %dma_wait3A_37 = arith.constant 0 : i32
        %dma_wait3A_38 = arith.constant 0 : i32
        %dma_wait3A_39 = tpu.memref_slice %arg8[%dma_wait3A_37, %dma_wait3A_38] : memref<10112x128xf32, #tpu.memory_space<vmem_shared>> -> memref<10112x128xf32, #tpu.memory_space<vmem_shared>>
        tpu.wait_indirect_dma semaphore(%run_scoped3A_29 : memref<!tpu.dma_semaphore, #tpu.memory_space<semaphore_mem>>) src(%arg7 : memref<128x128xf32, #tpu.memory_space<vmem>>) dst(%dma_wait3A_39 : memref<10112x128xf32, #tpu.memory_space<vmem_shared>>)
        tpu.yield
      }) : () -> ()
    }
    %scan3A_17 = arith.constant 49 : i32
    %barrier3A_18 = arith.constant 0 : index
    tpu.barrier barrier_id(%barrier3A_18)
    %lt3A = arith.constant 10 : i32
    %lt3A_19 = arith.cmpi slt, %arg1, %lt3A : i32
    %convert_element_type3A = arith.extui %lt3A_19 : i1 to i32
    %cond3A = arith.constant 0 : i32
    %cond3A_20 = arith.cmpi ne, %convert_element_type3A, %cond3A : i32
    scf.if %cond3A_20 {
      %mul3A_21 = arith.constant 1000 : i32
      %mul3A_22 = arith.muli %arg1, %mul3A_21 : i32
      %mul3A_23 = arith.constant 1000 : i32
      %mul3A_24 = arith.muli %arg1, %mul3A_23 : i32
      "tpu.region"() ({
        %run_scoped3A = tpu.sem_alloc : memref<!tpu.dma_semaphore, #tpu.memory_space<semaphore_mem>>
        %dma_start3A = arith.constant 0 : i32
        %dma_start3A_25 = tpu.memref_slice %arg5[%arg0, %mul3A_24, %dma_start3A] : memref<2x10000x128xf32, #tpu.memory_space<hbm>> -> memref<1x1000x128xf32, #tpu.memory_space<hbm>>
        %dma_start3A_26 = tpu.memref_squeeze %dma_start3A_25 : memref<1x1000x128xf32, #tpu.memory_space<hbm>> -> memref<1000x128xf32, #tpu.memory_space<hbm>>
        %dma_start3A_27 = arith.constant 0 : i32
        %dma_start3A_28 = tpu.memref_slice %arg8[%mul3A_22, %dma_start3A_27] : memref<10112x128xf32, #tpu.memory_space<vmem_shared>> -> memref<1000x128xf32, #tpu.memory_space<vmem_shared>>
        tpu.enqueue_dma source(%dma_start3A_28 : memref<1000x128xf32, #tpu.memory_space<vmem_shared>>) target(%dma_start3A_26 : memref<1000x128xf32, #tpu.memory_space<hbm>>) target_semaphore(%run_scoped3A : memref<!tpu.dma_semaphore, #tpu.memory_space<semaphore_mem>>)
        %dma_wait3A = arith.constant 0 : i32
        %dma_wait3A_29 = tpu.memref_slice %arg5[%arg0, %mul3A_24, %dma_wait3A] : memref<2x10000x128xf32, #tpu.memory_space<hbm>> -> memref<1x1000x128xf32, #tpu.memory_space<hbm>>
        %dma_wait3A_30 = tpu.memref_squeeze %dma_wait3A_29 : memref<1x1000x128xf32, #tpu.memory_space<hbm>> -> memref<1000x128xf32, #tpu.memory_space<hbm>>
        %dma_wait3A_31 = arith.constant 0 : i32
        %dma_wait3A_32 = tpu.memref_slice %arg8[%mul3A_22, %dma_wait3A_31] : memref<10112x128xf32, #tpu.memory_space<vmem_shared>> -> memref<1000x128xf32, #tpu.memory_space<vmem_shared>>
        tpu.wait_dma2 semaphore(%run_scoped3A : memref<!tpu.dma_semaphore, #tpu.memory_space<semaphore_mem>>) src(%dma_wait3A_32 : memref<1000x128xf32, #tpu.memory_space<vmem_shared>>) dst(%dma_wait3A_30 : memref<1000x128xf32, #tpu.memory_space<hbm>>)
        tpu.yield
      }) : () -> ()
    } else {
    }
    return
  }
}

#map = affine_map<(d0, d1) -> (0, 0)>
#map1 = affine_map<(d0, d1) -> (0, 0, 0, 0)>
#map2 = affine_map<(d0, d1) -> (0, 0, 0)>
module attributes {stable_mosaic.version = 14 : i64} {
  func.func @_sc_msgs_body(%arg0: i32, %arg1: i32, %arg2: memref<60000x128xf32, #tpu.memory_space<hbm>>, %arg3: memref<32x147x2x128xi32, #tpu.memory_space<hbm>>, %arg4: memref<8x128xf32, #tpu.memory_space<hbm>>, %arg5: memref<2x10000x128xf32, #tpu.memory_space<hbm>>, %arg6: memref<3x2x128xi32, #tpu.memory_space<vmem>>, %arg7: memref<128x128xf32, #tpu.memory_space<vmem>>, %arg8: memref<128x128xf32, #tpu.memory_space<vmem>>, %arg9: memref<128x128xf32, #tpu.memory_space<vmem>>, %arg10: memref<!tpu.dma_semaphore, #tpu.memory_space<semaphore_mem>>, %arg11: memref<!tpu.dma_semaphore, #tpu.memory_space<semaphore_mem>>, %arg12: memref<!tpu.dma_semaphore, #tpu.memory_space<semaphore_mem>>, %arg13: memref<!tpu.dma_semaphore, #tpu.memory_space<semaphore_mem>>, %arg14: memref<!tpu.dma_semaphore, #tpu.memory_space<semaphore_mem>>, %arg15: memref<!tpu.dma_semaphore, #tpu.memory_space<semaphore_mem>>, %arg16: memref<10112x128xf32, #tpu.memory_space<vmem_shared>>) attributes {dimension_semantics = [#tpu.dimension_semantics<core_parallel>, #tpu.dimension_semantics<subcore_parallel>], iteration_bounds = array<i64: 2, 16>, scalar_prefetch = 0 : i64, scratch_operands = 11 : i64, tpu.core_type = #tpu.core_type<sc_vector_subcore>, window_params = [{transform_indices = #map}, {transform_indices = #map1}, {transform_indices = #map}, {transform_indices = #map2}]} {
    %mul3A = arith.constant 2 : i32
    %mul3A_0 = arith.muli %arg1, %mul3A : i32
    %add3A = arith.addi %mul3A_0, %arg0 : i32
    "tpu.region"() ({
      %run_scoped3A = tpu.sem_alloc : memref<!tpu.dma_semaphore, #tpu.memory_space<semaphore_mem>>
      %dma_start3A = arith.constant 0 : i32
      %dma_start3A_21 = arith.constant 0 : i32
      %dma_start3A_22 = tpu.memref_slice %arg7[%dma_start3A, %dma_start3A_21] : memref<128x128xf32, #tpu.memory_space<vmem>> -> memref<8x128xf32, #tpu.memory_space<vmem>>
      %dma_start3A_23 = arith.constant 0 : i32
      %dma_start3A_24 = arith.constant 0 : i32
      %dma_start3A_25 = tpu.memref_slice %arg7[%dma_start3A_23, %dma_start3A_24] : memref<128x128xf32, #tpu.memory_space<vmem>> -> memref<8x128xf32, #tpu.memory_space<vmem>>
      tpu.enqueue_dma source(%arg4 : memref<8x128xf32, #tpu.memory_space<hbm>>) target(%dma_start3A_25 : memref<8x128xf32, #tpu.memory_space<vmem>>) target_semaphore(%run_scoped3A : memref<!tpu.dma_semaphore, #tpu.memory_space<semaphore_mem>>)
      %dma_wait3A = arith.constant 0 : i32
      %dma_wait3A_26 = arith.constant 0 : i32
      %dma_wait3A_27 = tpu.memref_slice %arg7[%dma_wait3A, %dma_wait3A_26] : memref<128x128xf32, #tpu.memory_space<vmem>> -> memref<8x128xf32, #tpu.memory_space<vmem>>
      %dma_wait3A_28 = arith.constant 0 : i32
      %dma_wait3A_29 = arith.constant 0 : i32
      %dma_wait3A_30 = tpu.memref_slice %arg7[%dma_wait3A_28, %dma_wait3A_29] : memref<128x128xf32, #tpu.memory_space<vmem>> -> memref<8x128xf32, #tpu.memory_space<vmem>>
      tpu.wait_dma2 semaphore(%run_scoped3A : memref<!tpu.dma_semaphore, #tpu.memory_space<semaphore_mem>>) src(%arg4 : memref<8x128xf32, #tpu.memory_space<hbm>>) dst(%dma_wait3A_30 : memref<8x128xf32, #tpu.memory_space<vmem>>)
      tpu.yield
    }) : () -> ()
    "tpu.region"() ({
      %run_scoped3A = tpu.sem_alloc : memref<!tpu.dma_semaphore, #tpu.memory_space<semaphore_mem>>
      %dma_start3A = arith.constant 8 : i32
      %dma_start3A_21 = arith.constant 0 : i32
      %dma_start3A_22 = tpu.memref_slice %arg7[%dma_start3A, %dma_start3A_21] : memref<128x128xf32, #tpu.memory_space<vmem>> -> memref<8x128xf32, #tpu.memory_space<vmem>>
      %dma_start3A_23 = arith.constant 8 : i32
      %dma_start3A_24 = arith.constant 0 : i32
      %dma_start3A_25 = tpu.memref_slice %arg7[%dma_start3A_23, %dma_start3A_24] : memref<128x128xf32, #tpu.memory_space<vmem>> -> memref<8x128xf32, #tpu.memory_space<vmem>>
      tpu.enqueue_dma source(%arg4 : memref<8x128xf32, #tpu.memory_space<hbm>>) target(%dma_start3A_25 : memref<8x128xf32, #tpu.memory_space<vmem>>) target_semaphore(%run_scoped3A : memref<!tpu.dma_semaphore, #tpu.memory_space<semaphore_mem>>)
      %dma_wait3A = arith.constant 8 : i32
      %dma_wait3A_26 = arith.constant 0 : i32
      %dma_wait3A_27 = tpu.memref_slice %arg7[%dma_wait3A, %dma_wait3A_26] : memref<128x128xf32, #tpu.memory_space<vmem>> -> memref<8x128xf32, #tpu.memory_space<vmem>>
      %dma_wait3A_28 = arith.constant 8 : i32
      %dma_wait3A_29 = arith.constant 0 : i32
      %dma_wait3A_30 = tpu.memref_slice %arg7[%dma_wait3A_28, %dma_wait3A_29] : memref<128x128xf32, #tpu.memory_space<vmem>> -> memref<8x128xf32, #tpu.memory_space<vmem>>
      tpu.wait_dma2 semaphore(%run_scoped3A : memref<!tpu.dma_semaphore, #tpu.memory_space<semaphore_mem>>) src(%arg4 : memref<8x128xf32, #tpu.memory_space<hbm>>) dst(%dma_wait3A_30 : memref<8x128xf32, #tpu.memory_space<vmem>>)
      tpu.yield
    }) : () -> ()
    "tpu.region"() ({
      %run_scoped3A = tpu.sem_alloc : memref<!tpu.dma_semaphore, #tpu.memory_space<semaphore_mem>>
      %dma_start3A = arith.constant 16 : i32
      %dma_start3A_21 = arith.constant 0 : i32
      %dma_start3A_22 = tpu.memref_slice %arg7[%dma_start3A, %dma_start3A_21] : memref<128x128xf32, #tpu.memory_space<vmem>> -> memref<8x128xf32, #tpu.memory_space<vmem>>
      %dma_start3A_23 = arith.constant 16 : i32
      %dma_start3A_24 = arith.constant 0 : i32
      %dma_start3A_25 = tpu.memref_slice %arg7[%dma_start3A_23, %dma_start3A_24] : memref<128x128xf32, #tpu.memory_space<vmem>> -> memref<8x128xf32, #tpu.memory_space<vmem>>
      tpu.enqueue_dma source(%arg4 : memref<8x128xf32, #tpu.memory_space<hbm>>) target(%dma_start3A_25 : memref<8x128xf32, #tpu.memory_space<vmem>>) target_semaphore(%run_scoped3A : memref<!tpu.dma_semaphore, #tpu.memory_space<semaphore_mem>>)
      %dma_wait3A = arith.constant 16 : i32
      %dma_wait3A_26 = arith.constant 0 : i32
      %dma_wait3A_27 = tpu.memref_slice %arg7[%dma_wait3A, %dma_wait3A_26] : memref<128x128xf32, #tpu.memory_space<vmem>> -> memref<8x128xf32, #tpu.memory_space<vmem>>
      %dma_wait3A_28 = arith.constant 16 : i32
      %dma_wait3A_29 = arith.constant 0 : i32
      %dma_wait3A_30 = tpu.memref_slice %arg7[%dma_wait3A_28, %dma_wait3A_29] : memref<128x128xf32, #tpu.memory_space<vmem>> -> memref<8x128xf32, #tpu.memory_space<vmem>>
      tpu.wait_dma2 semaphore(%run_scoped3A : memref<!tpu.dma_semaphore, #tpu.memory_space<semaphore_mem>>) src(%arg4 : memref<8x128xf32, #tpu.memory_space<hbm>>) dst(%dma_wait3A_30 : memref<8x128xf32, #tpu.memory_space<vmem>>)
      tpu.yield
    }) : () -> ()
    "tpu.region"() ({
      %run_scoped3A = tpu.sem_alloc : memref<!tpu.dma_semaphore, #tpu.memory_space<semaphore_mem>>
      %dma_start3A = arith.constant 24 : i32
      %dma_start3A_21 = arith.constant 0 : i32
      %dma_start3A_22 = tpu.memref_slice %arg7[%dma_start3A, %dma_start3A_21] : memref<128x128xf32, #tpu.memory_space<vmem>> -> memref<8x128xf32, #tpu.memory_space<vmem>>
      %dma_start3A_23 = arith.constant 24 : i32
      %dma_start3A_24 = arith.constant 0 : i32
      %dma_start3A_25 = tpu.memref_slice %arg7[%dma_start3A_23, %dma_start3A_24] : memref<128x128xf32, #tpu.memory_space<vmem>> -> memref<8x128xf32, #tpu.memory_space<vmem>>
      tpu.enqueue_dma source(%arg4 : memref<8x128xf32, #tpu.memory_space<hbm>>) target(%dma_start3A_25 : memref<8x128xf32, #tpu.memory_space<vmem>>) target_semaphore(%run_scoped3A : memref<!tpu.dma_semaphore, #tpu.memory_space<semaphore_mem>>)
      %dma_wait3A = arith.constant 24 : i32
      %dma_wait3A_26 = arith.constant 0 : i32
      %dma_wait3A_27 = tpu.memref_slice %arg7[%dma_wait3A, %dma_wait3A_26] : memref<128x128xf32, #tpu.memory_space<vmem>> -> memref<8x128xf32, #tpu.memory_space<vmem>>
      %dma_wait3A_28 = arith.constant 24 : i32
      %dma_wait3A_29 = arith.constant 0 : i32
      %dma_wait3A_30 = tpu.memref_slice %arg7[%dma_wait3A_28, %dma_wait3A_29] : memref<128x128xf32, #tpu.memory_space<vmem>> -> memref<8x128xf32, #tpu.memory_space<vmem>>
      tpu.wait_dma2 semaphore(%run_scoped3A : memref<!tpu.dma_semaphore, #tpu.memory_space<semaphore_mem>>) src(%arg4 : memref<8x128xf32, #tpu.memory_space<hbm>>) dst(%dma_wait3A_30 : memref<8x128xf32, #tpu.memory_space<vmem>>)
      tpu.yield
    }) : () -> ()
    "tpu.region"() ({
      %run_scoped3A = tpu.sem_alloc : memref<!tpu.dma_semaphore, #tpu.memory_space<semaphore_mem>>
      %dma_start3A = arith.constant 32 : i32
      %dma_start3A_21 = arith.constant 0 : i32
      %dma_start3A_22 = tpu.memref_slice %arg7[%dma_start3A, %dma_start3A_21] : memref<128x128xf32, #tpu.memory_space<vmem>> -> memref<8x128xf32, #tpu.memory_space<vmem>>
      %dma_start3A_23 = arith.constant 32 : i32
      %dma_start3A_24 = arith.constant 0 : i32
      %dma_start3A_25 = tpu.memref_slice %arg7[%dma_start3A_23, %dma_start3A_24] : memref<128x128xf32, #tpu.memory_space<vmem>> -> memref<8x128xf32, #tpu.memory_space<vmem>>
      tpu.enqueue_dma source(%arg4 : memref<8x128xf32, #tpu.memory_space<hbm>>) target(%dma_start3A_25 : memref<8x128xf32, #tpu.memory_space<vmem>>) target_semaphore(%run_scoped3A : memref<!tpu.dma_semaphore, #tpu.memory_space<semaphore_mem>>)
      %dma_wait3A = arith.constant 32 : i32
      %dma_wait3A_26 = arith.constant 0 : i32
      %dma_wait3A_27 = tpu.memref_slice %arg7[%dma_wait3A, %dma_wait3A_26] : memref<128x128xf32, #tpu.memory_space<vmem>> -> memref<8x128xf32, #tpu.memory_space<vmem>>
      %dma_wait3A_28 = arith.constant 32 : i32
      %dma_wait3A_29 = arith.constant 0 : i32
      %dma_wait3A_30 = tpu.memref_slice %arg7[%dma_wait3A_28, %dma_wait3A_29] : memref<128x128xf32, #tpu.memory_space<vmem>> -> memref<8x128xf32, #tpu.memory_space<vmem>>
      tpu.wait_dma2 semaphore(%run_scoped3A : memref<!tpu.dma_semaphore, #tpu.memory_space<semaphore_mem>>) src(%arg4 : memref<8x128xf32, #tpu.memory_space<hbm>>) dst(%dma_wait3A_30 : memref<8x128xf32, #tpu.memory_space<vmem>>)
      tpu.yield
    }) : () -> ()
    "tpu.region"() ({
      %run_scoped3A = tpu.sem_alloc : memref<!tpu.dma_semaphore, #tpu.memory_space<semaphore_mem>>
      %dma_start3A = arith.constant 40 : i32
      %dma_start3A_21 = arith.constant 0 : i32
      %dma_start3A_22 = tpu.memref_slice %arg7[%dma_start3A, %dma_start3A_21] : memref<128x128xf32, #tpu.memory_space<vmem>> -> memref<8x128xf32, #tpu.memory_space<vmem>>
      %dma_start3A_23 = arith.constant 40 : i32
      %dma_start3A_24 = arith.constant 0 : i32
      %dma_start3A_25 = tpu.memref_slice %arg7[%dma_start3A_23, %dma_start3A_24] : memref<128x128xf32, #tpu.memory_space<vmem>> -> memref<8x128xf32, #tpu.memory_space<vmem>>
      tpu.enqueue_dma source(%arg4 : memref<8x128xf32, #tpu.memory_space<hbm>>) target(%dma_start3A_25 : memref<8x128xf32, #tpu.memory_space<vmem>>) target_semaphore(%run_scoped3A : memref<!tpu.dma_semaphore, #tpu.memory_space<semaphore_mem>>)
      %dma_wait3A = arith.constant 40 : i32
      %dma_wait3A_26 = arith.constant 0 : i32
      %dma_wait3A_27 = tpu.memref_slice %arg7[%dma_wait3A, %dma_wait3A_26] : memref<128x128xf32, #tpu.memory_space<vmem>> -> memref<8x128xf32, #tpu.memory_space<vmem>>
      %dma_wait3A_28 = arith.constant 40 : i32
      %dma_wait3A_29 = arith.constant 0 : i32
      %dma_wait3A_30 = tpu.memref_slice %arg7[%dma_wait3A_28, %dma_wait3A_29] : memref<128x128xf32, #tpu.memory_space<vmem>> -> memref<8x128xf32, #tpu.memory_space<vmem>>
      tpu.wait_dma2 semaphore(%run_scoped3A : memref<!tpu.dma_semaphore, #tpu.memory_space<semaphore_mem>>) src(%arg4 : memref<8x128xf32, #tpu.memory_space<hbm>>) dst(%dma_wait3A_30 : memref<8x128xf32, #tpu.memory_space<vmem>>)
      tpu.yield
    }) : () -> ()
    "tpu.region"() ({
      %run_scoped3A = tpu.sem_alloc : memref<!tpu.dma_semaphore, #tpu.memory_space<semaphore_mem>>
      %dma_start3A = arith.constant 48 : i32
      %dma_start3A_21 = arith.constant 0 : i32
      %dma_start3A_22 = tpu.memref_slice %arg7[%dma_start3A, %dma_start3A_21] : memref<128x128xf32, #tpu.memory_space<vmem>> -> memref<8x128xf32, #tpu.memory_space<vmem>>
      %dma_start3A_23 = arith.constant 48 : i32
      %dma_start3A_24 = arith.constant 0 : i32
      %dma_start3A_25 = tpu.memref_slice %arg7[%dma_start3A_23, %dma_start3A_24] : memref<128x128xf32, #tpu.memory_space<vmem>> -> memref<8x128xf32, #tpu.memory_space<vmem>>
      tpu.enqueue_dma source(%arg4 : memref<8x128xf32, #tpu.memory_space<hbm>>) target(%dma_start3A_25 : memref<8x128xf32, #tpu.memory_space<vmem>>) target_semaphore(%run_scoped3A : memref<!tpu.dma_semaphore, #tpu.memory_space<semaphore_mem>>)
      %dma_wait3A = arith.constant 48 : i32
      %dma_wait3A_26 = arith.constant 0 : i32
      %dma_wait3A_27 = tpu.memref_slice %arg7[%dma_wait3A, %dma_wait3A_26] : memref<128x128xf32, #tpu.memory_space<vmem>> -> memref<8x128xf32, #tpu.memory_space<vmem>>
      %dma_wait3A_28 = arith.constant 48 : i32
      %dma_wait3A_29 = arith.constant 0 : i32
      %dma_wait3A_30 = tpu.memref_slice %arg7[%dma_wait3A_28, %dma_wait3A_29] : memref<128x128xf32, #tpu.memory_space<vmem>> -> memref<8x128xf32, #tpu.memory_space<vmem>>
      tpu.wait_dma2 semaphore(%run_scoped3A : memref<!tpu.dma_semaphore, #tpu.memory_space<semaphore_mem>>) src(%arg4 : memref<8x128xf32, #tpu.memory_space<hbm>>) dst(%dma_wait3A_30 : memref<8x128xf32, #tpu.memory_space<vmem>>)
      tpu.yield
    }) : () -> ()
    "tpu.region"() ({
      %run_scoped3A = tpu.sem_alloc : memref<!tpu.dma_semaphore, #tpu.memory_space<semaphore_mem>>
      %dma_start3A = arith.constant 56 : i32
      %dma_start3A_21 = arith.constant 0 : i32
      %dma_start3A_22 = tpu.memref_slice %arg7[%dma_start3A, %dma_start3A_21] : memref<128x128xf32, #tpu.memory_space<vmem>> -> memref<8x128xf32, #tpu.memory_space<vmem>>
      %dma_start3A_23 = arith.constant 56 : i32
      %dma_start3A_24 = arith.constant 0 : i32
      %dma_start3A_25 = tpu.memref_slice %arg7[%dma_start3A_23, %dma_start3A_24] : memref<128x128xf32, #tpu.memory_space<vmem>> -> memref<8x128xf32, #tpu.memory_space<vmem>>
      tpu.enqueue_dma source(%arg4 : memref<8x128xf32, #tpu.memory_space<hbm>>) target(%dma_start3A_25 : memref<8x128xf32, #tpu.memory_space<vmem>>) target_semaphore(%run_scoped3A : memref<!tpu.dma_semaphore, #tpu.memory_space<semaphore_mem>>)
      %dma_wait3A = arith.constant 56 : i32
      %dma_wait3A_26 = arith.constant 0 : i32
      %dma_wait3A_27 = tpu.memref_slice %arg7[%dma_wait3A, %dma_wait3A_26] : memref<128x128xf32, #tpu.memory_space<vmem>> -> memref<8x128xf32, #tpu.memory_space<vmem>>
      %dma_wait3A_28 = arith.constant 56 : i32
      %dma_wait3A_29 = arith.constant 0 : i32
      %dma_wait3A_30 = tpu.memref_slice %arg7[%dma_wait3A_28, %dma_wait3A_29] : memref<128x128xf32, #tpu.memory_space<vmem>> -> memref<8x128xf32, #tpu.memory_space<vmem>>
      tpu.wait_dma2 semaphore(%run_scoped3A : memref<!tpu.dma_semaphore, #tpu.memory_space<semaphore_mem>>) src(%arg4 : memref<8x128xf32, #tpu.memory_space<hbm>>) dst(%dma_wait3A_30 : memref<8x128xf32, #tpu.memory_space<vmem>>)
      tpu.yield
    }) : () -> ()
    "tpu.region"() ({
      %run_scoped3A = tpu.sem_alloc : memref<!tpu.dma_semaphore, #tpu.memory_space<semaphore_mem>>
      %dma_start3A = arith.constant 64 : i32
      %dma_start3A_21 = arith.constant 0 : i32
      %dma_start3A_22 = tpu.memref_slice %arg7[%dma_start3A, %dma_start3A_21] : memref<128x128xf32, #tpu.memory_space<vmem>> -> memref<8x128xf32, #tpu.memory_space<vmem>>
      %dma_start3A_23 = arith.constant 64 : i32
      %dma_start3A_24 = arith.constant 0 : i32
      %dma_start3A_25 = tpu.memref_slice %arg7[%dma_start3A_23, %dma_start3A_24] : memref<128x128xf32, #tpu.memory_space<vmem>> -> memref<8x128xf32, #tpu.memory_space<vmem>>
      tpu.enqueue_dma source(%arg4 : memref<8x128xf32, #tpu.memory_space<hbm>>) target(%dma_start3A_25 : memref<8x128xf32, #tpu.memory_space<vmem>>) target_semaphore(%run_scoped3A : memref<!tpu.dma_semaphore, #tpu.memory_space<semaphore_mem>>)
      %dma_wait3A = arith.constant 64 : i32
      %dma_wait3A_26 = arith.constant 0 : i32
      %dma_wait3A_27 = tpu.memref_slice %arg7[%dma_wait3A, %dma_wait3A_26] : memref<128x128xf32, #tpu.memory_space<vmem>> -> memref<8x128xf32, #tpu.memory_space<vmem>>
      %dma_wait3A_28 = arith.constant 64 : i32
      %dma_wait3A_29 = arith.constant 0 : i32
      %dma_wait3A_30 = tpu.memref_slice %arg7[%dma_wait3A_28, %dma_wait3A_29] : memref<128x128xf32, #tpu.memory_space<vmem>> -> memref<8x128xf32, #tpu.memory_space<vmem>>
      tpu.wait_dma2 semaphore(%run_scoped3A : memref<!tpu.dma_semaphore, #tpu.memory_space<semaphore_mem>>) src(%arg4 : memref<8x128xf32, #tpu.memory_space<hbm>>) dst(%dma_wait3A_30 : memref<8x128xf32, #tpu.memory_space<vmem>>)
      tpu.yield
    }) : () -> ()
    "tpu.region"() ({
      %run_scoped3A = tpu.sem_alloc : memref<!tpu.dma_semaphore, #tpu.memory_space<semaphore_mem>>
      %dma_start3A = arith.constant 72 : i32
      %dma_start3A_21 = arith.constant 0 : i32
      %dma_start3A_22 = tpu.memref_slice %arg7[%dma_start3A, %dma_start3A_21] : memref<128x128xf32, #tpu.memory_space<vmem>> -> memref<8x128xf32, #tpu.memory_space<vmem>>
      %dma_start3A_23 = arith.constant 72 : i32
      %dma_start3A_24 = arith.constant 0 : i32
      %dma_start3A_25 = tpu.memref_slice %arg7[%dma_start3A_23, %dma_start3A_24] : memref<128x128xf32, #tpu.memory_space<vmem>> -> memref<8x128xf32, #tpu.memory_space<vmem>>
      tpu.enqueue_dma source(%arg4 : memref<8x128xf32, #tpu.memory_space<hbm>>) target(%dma_start3A_25 : memref<8x128xf32, #tpu.memory_space<vmem>>) target_semaphore(%run_scoped3A : memref<!tpu.dma_semaphore, #tpu.memory_space<semaphore_mem>>)
      %dma_wait3A = arith.constant 72 : i32
      %dma_wait3A_26 = arith.constant 0 : i32
      %dma_wait3A_27 = tpu.memref_slice %arg7[%dma_wait3A, %dma_wait3A_26] : memref<128x128xf32, #tpu.memory_space<vmem>> -> memref<8x128xf32, #tpu.memory_space<vmem>>
      %dma_wait3A_28 = arith.constant 72 : i32
      %dma_wait3A_29 = arith.constant 0 : i32
      %dma_wait3A_30 = tpu.memref_slice %arg7[%dma_wait3A_28, %dma_wait3A_29] : memref<128x128xf32, #tpu.memory_space<vmem>> -> memref<8x128xf32, #tpu.memory_space<vmem>>
      tpu.wait_dma2 semaphore(%run_scoped3A : memref<!tpu.dma_semaphore, #tpu.memory_space<semaphore_mem>>) src(%arg4 : memref<8x128xf32, #tpu.memory_space<hbm>>) dst(%dma_wait3A_30 : memref<8x128xf32, #tpu.memory_space<vmem>>)
      tpu.yield
    }) : () -> ()
    "tpu.region"() ({
      %run_scoped3A = tpu.sem_alloc : memref<!tpu.dma_semaphore, #tpu.memory_space<semaphore_mem>>
      %dma_start3A = arith.constant 80 : i32
      %dma_start3A_21 = arith.constant 0 : i32
      %dma_start3A_22 = tpu.memref_slice %arg7[%dma_start3A, %dma_start3A_21] : memref<128x128xf32, #tpu.memory_space<vmem>> -> memref<8x128xf32, #tpu.memory_space<vmem>>
      %dma_start3A_23 = arith.constant 80 : i32
      %dma_start3A_24 = arith.constant 0 : i32
      %dma_start3A_25 = tpu.memref_slice %arg7[%dma_start3A_23, %dma_start3A_24] : memref<128x128xf32, #tpu.memory_space<vmem>> -> memref<8x128xf32, #tpu.memory_space<vmem>>
      tpu.enqueue_dma source(%arg4 : memref<8x128xf32, #tpu.memory_space<hbm>>) target(%dma_start3A_25 : memref<8x128xf32, #tpu.memory_space<vmem>>) target_semaphore(%run_scoped3A : memref<!tpu.dma_semaphore, #tpu.memory_space<semaphore_mem>>)
      %dma_wait3A = arith.constant 80 : i32
      %dma_wait3A_26 = arith.constant 0 : i32
      %dma_wait3A_27 = tpu.memref_slice %arg7[%dma_wait3A, %dma_wait3A_26] : memref<128x128xf32, #tpu.memory_space<vmem>> -> memref<8x128xf32, #tpu.memory_space<vmem>>
      %dma_wait3A_28 = arith.constant 80 : i32
      %dma_wait3A_29 = arith.constant 0 : i32
      %dma_wait3A_30 = tpu.memref_slice %arg7[%dma_wait3A_28, %dma_wait3A_29] : memref<128x128xf32, #tpu.memory_space<vmem>> -> memref<8x128xf32, #tpu.memory_space<vmem>>
      tpu.wait_dma2 semaphore(%run_scoped3A : memref<!tpu.dma_semaphore, #tpu.memory_space<semaphore_mem>>) src(%arg4 : memref<8x128xf32, #tpu.memory_space<hbm>>) dst(%dma_wait3A_30 : memref<8x128xf32, #tpu.memory_space<vmem>>)
      tpu.yield
    }) : () -> ()
    "tpu.region"() ({
      %run_scoped3A = tpu.sem_alloc : memref<!tpu.dma_semaphore, #tpu.memory_space<semaphore_mem>>
      %dma_start3A = arith.constant 88 : i32
      %dma_start3A_21 = arith.constant 0 : i32
      %dma_start3A_22 = tpu.memref_slice %arg7[%dma_start3A, %dma_start3A_21] : memref<128x128xf32, #tpu.memory_space<vmem>> -> memref<8x128xf32, #tpu.memory_space<vmem>>
      %dma_start3A_23 = arith.constant 88 : i32
      %dma_start3A_24 = arith.constant 0 : i32
      %dma_start3A_25 = tpu.memref_slice %arg7[%dma_start3A_23, %dma_start3A_24] : memref<128x128xf32, #tpu.memory_space<vmem>> -> memref<8x128xf32, #tpu.memory_space<vmem>>
      tpu.enqueue_dma source(%arg4 : memref<8x128xf32, #tpu.memory_space<hbm>>) target(%dma_start3A_25 : memref<8x128xf32, #tpu.memory_space<vmem>>) target_semaphore(%run_scoped3A : memref<!tpu.dma_semaphore, #tpu.memory_space<semaphore_mem>>)
      %dma_wait3A = arith.constant 88 : i32
      %dma_wait3A_26 = arith.constant 0 : i32
      %dma_wait3A_27 = tpu.memref_slice %arg7[%dma_wait3A, %dma_wait3A_26] : memref<128x128xf32, #tpu.memory_space<vmem>> -> memref<8x128xf32, #tpu.memory_space<vmem>>
      %dma_wait3A_28 = arith.constant 88 : i32
      %dma_wait3A_29 = arith.constant 0 : i32
      %dma_wait3A_30 = tpu.memref_slice %arg7[%dma_wait3A_28, %dma_wait3A_29] : memref<128x128xf32, #tpu.memory_space<vmem>> -> memref<8x128xf32, #tpu.memory_space<vmem>>
      tpu.wait_dma2 semaphore(%run_scoped3A : memref<!tpu.dma_semaphore, #tpu.memory_space<semaphore_mem>>) src(%arg4 : memref<8x128xf32, #tpu.memory_space<hbm>>) dst(%dma_wait3A_30 : memref<8x128xf32, #tpu.memory_space<vmem>>)
      tpu.yield
    }) : () -> ()
    "tpu.region"() ({
      %run_scoped3A = tpu.sem_alloc : memref<!tpu.dma_semaphore, #tpu.memory_space<semaphore_mem>>
      %dma_start3A = arith.constant 96 : i32
      %dma_start3A_21 = arith.constant 0 : i32
      %dma_start3A_22 = tpu.memref_slice %arg7[%dma_start3A, %dma_start3A_21] : memref<128x128xf32, #tpu.memory_space<vmem>> -> memref<8x128xf32, #tpu.memory_space<vmem>>
      %dma_start3A_23 = arith.constant 96 : i32
      %dma_start3A_24 = arith.constant 0 : i32
      %dma_start3A_25 = tpu.memref_slice %arg7[%dma_start3A_23, %dma_start3A_24] : memref<128x128xf32, #tpu.memory_space<vmem>> -> memref<8x128xf32, #tpu.memory_space<vmem>>
      tpu.enqueue_dma source(%arg4 : memref<8x128xf32, #tpu.memory_space<hbm>>) target(%dma_start3A_25 : memref<8x128xf32, #tpu.memory_space<vmem>>) target_semaphore(%run_scoped3A : memref<!tpu.dma_semaphore, #tpu.memory_space<semaphore_mem>>)
      %dma_wait3A = arith.constant 96 : i32
      %dma_wait3A_26 = arith.constant 0 : i32
      %dma_wait3A_27 = tpu.memref_slice %arg7[%dma_wait3A, %dma_wait3A_26] : memref<128x128xf32, #tpu.memory_space<vmem>> -> memref<8x128xf32, #tpu.memory_space<vmem>>
      %dma_wait3A_28 = arith.constant 96 : i32
      %dma_wait3A_29 = arith.constant 0 : i32
      %dma_wait3A_30 = tpu.memref_slice %arg7[%dma_wait3A_28, %dma_wait3A_29] : memref<128x128xf32, #tpu.memory_space<vmem>> -> memref<8x128xf32, #tpu.memory_space<vmem>>
      tpu.wait_dma2 semaphore(%run_scoped3A : memref<!tpu.dma_semaphore, #tpu.memory_space<semaphore_mem>>) src(%arg4 : memref<8x128xf32, #tpu.memory_space<hbm>>) dst(%dma_wait3A_30 : memref<8x128xf32, #tpu.memory_space<vmem>>)
      tpu.yield
    }) : () -> ()
    "tpu.region"() ({
      %run_scoped3A = tpu.sem_alloc : memref<!tpu.dma_semaphore, #tpu.memory_space<semaphore_mem>>
      %dma_start3A = arith.constant 104 : i32
      %dma_start3A_21 = arith.constant 0 : i32
      %dma_start3A_22 = tpu.memref_slice %arg7[%dma_start3A, %dma_start3A_21] : memref<128x128xf32, #tpu.memory_space<vmem>> -> memref<8x128xf32, #tpu.memory_space<vmem>>
      %dma_start3A_23 = arith.constant 104 : i32
      %dma_start3A_24 = arith.constant 0 : i32
      %dma_start3A_25 = tpu.memref_slice %arg7[%dma_start3A_23, %dma_start3A_24] : memref<128x128xf32, #tpu.memory_space<vmem>> -> memref<8x128xf32, #tpu.memory_space<vmem>>
      tpu.enqueue_dma source(%arg4 : memref<8x128xf32, #tpu.memory_space<hbm>>) target(%dma_start3A_25 : memref<8x128xf32, #tpu.memory_space<vmem>>) target_semaphore(%run_scoped3A : memref<!tpu.dma_semaphore, #tpu.memory_space<semaphore_mem>>)
      %dma_wait3A = arith.constant 104 : i32
      %dma_wait3A_26 = arith.constant 0 : i32
      %dma_wait3A_27 = tpu.memref_slice %arg7[%dma_wait3A, %dma_wait3A_26] : memref<128x128xf32, #tpu.memory_space<vmem>> -> memref<8x128xf32, #tpu.memory_space<vmem>>
      %dma_wait3A_28 = arith.constant 104 : i32
      %dma_wait3A_29 = arith.constant 0 : i32
      %dma_wait3A_30 = tpu.memref_slice %arg7[%dma_wait3A_28, %dma_wait3A_29] : memref<128x128xf32, #tpu.memory_space<vmem>> -> memref<8x128xf32, #tpu.memory_space<vmem>>
      tpu.wait_dma2 semaphore(%run_scoped3A : memref<!tpu.dma_semaphore, #tpu.memory_space<semaphore_mem>>) src(%arg4 : memref<8x128xf32, #tpu.memory_space<hbm>>) dst(%dma_wait3A_30 : memref<8x128xf32, #tpu.memory_space<vmem>>)
      tpu.yield
    }) : () -> ()
    "tpu.region"() ({
      %run_scoped3A = tpu.sem_alloc : memref<!tpu.dma_semaphore, #tpu.memory_space<semaphore_mem>>
      %dma_start3A = arith.constant 112 : i32
      %dma_start3A_21 = arith.constant 0 : i32
      %dma_start3A_22 = tpu.memref_slice %arg7[%dma_start3A, %dma_start3A_21] : memref<128x128xf32, #tpu.memory_space<vmem>> -> memref<8x128xf32, #tpu.memory_space<vmem>>
      %dma_start3A_23 = arith.constant 112 : i32
      %dma_start3A_24 = arith.constant 0 : i32
      %dma_start3A_25 = tpu.memref_slice %arg7[%dma_start3A_23, %dma_start3A_24] : memref<128x128xf32, #tpu.memory_space<vmem>> -> memref<8x128xf32, #tpu.memory_space<vmem>>
      tpu.enqueue_dma source(%arg4 : memref<8x128xf32, #tpu.memory_space<hbm>>) target(%dma_start3A_25 : memref<8x128xf32, #tpu.memory_space<vmem>>) target_semaphore(%run_scoped3A : memref<!tpu.dma_semaphore, #tpu.memory_space<semaphore_mem>>)
      %dma_wait3A = arith.constant 112 : i32
      %dma_wait3A_26 = arith.constant 0 : i32
      %dma_wait3A_27 = tpu.memref_slice %arg7[%dma_wait3A, %dma_wait3A_26] : memref<128x128xf32, #tpu.memory_space<vmem>> -> memref<8x128xf32, #tpu.memory_space<vmem>>
      %dma_wait3A_28 = arith.constant 112 : i32
      %dma_wait3A_29 = arith.constant 0 : i32
      %dma_wait3A_30 = tpu.memref_slice %arg7[%dma_wait3A_28, %dma_wait3A_29] : memref<128x128xf32, #tpu.memory_space<vmem>> -> memref<8x128xf32, #tpu.memory_space<vmem>>
      tpu.wait_dma2 semaphore(%run_scoped3A : memref<!tpu.dma_semaphore, #tpu.memory_space<semaphore_mem>>) src(%arg4 : memref<8x128xf32, #tpu.memory_space<hbm>>) dst(%dma_wait3A_30 : memref<8x128xf32, #tpu.memory_space<vmem>>)
      tpu.yield
    }) : () -> ()
    "tpu.region"() ({
      %run_scoped3A = tpu.sem_alloc : memref<!tpu.dma_semaphore, #tpu.memory_space<semaphore_mem>>
      %dma_start3A = arith.constant 120 : i32
      %dma_start3A_21 = arith.constant 0 : i32
      %dma_start3A_22 = tpu.memref_slice %arg7[%dma_start3A, %dma_start3A_21] : memref<128x128xf32, #tpu.memory_space<vmem>> -> memref<8x128xf32, #tpu.memory_space<vmem>>
      %dma_start3A_23 = arith.constant 120 : i32
      %dma_start3A_24 = arith.constant 0 : i32
      %dma_start3A_25 = tpu.memref_slice %arg7[%dma_start3A_23, %dma_start3A_24] : memref<128x128xf32, #tpu.memory_space<vmem>> -> memref<8x128xf32, #tpu.memory_space<vmem>>
      tpu.enqueue_dma source(%arg4 : memref<8x128xf32, #tpu.memory_space<hbm>>) target(%dma_start3A_25 : memref<8x128xf32, #tpu.memory_space<vmem>>) target_semaphore(%run_scoped3A : memref<!tpu.dma_semaphore, #tpu.memory_space<semaphore_mem>>)
      %dma_wait3A = arith.constant 120 : i32
      %dma_wait3A_26 = arith.constant 0 : i32
      %dma_wait3A_27 = tpu.memref_slice %arg7[%dma_wait3A, %dma_wait3A_26] : memref<128x128xf32, #tpu.memory_space<vmem>> -> memref<8x128xf32, #tpu.memory_space<vmem>>
      %dma_wait3A_28 = arith.constant 120 : i32
      %dma_wait3A_29 = arith.constant 0 : i32
      %dma_wait3A_30 = tpu.memref_slice %arg7[%dma_wait3A_28, %dma_wait3A_29] : memref<128x128xf32, #tpu.memory_space<vmem>> -> memref<8x128xf32, #tpu.memory_space<vmem>>
      tpu.wait_dma2 semaphore(%run_scoped3A : memref<!tpu.dma_semaphore, #tpu.memory_space<semaphore_mem>>) src(%arg4 : memref<8x128xf32, #tpu.memory_space<hbm>>) dst(%dma_wait3A_30 : memref<8x128xf32, #tpu.memory_space<vmem>>)
      tpu.yield
    }) : () -> ()
    %mul3A_1 = arith.constant 632 : i32
    %mul3A_2 = arith.muli %arg1, %mul3A_1 : i32
    %add3A_3 = arith.constant 0 : i32
    %add3A_4 = arith.addi %mul3A_2, %add3A_3 : i32
    "tpu.region"() ({
      %run_scoped3A = tpu.sem_alloc : memref<!tpu.dma_semaphore, #tpu.memory_space<semaphore_mem>>
      %dma_start3A = arith.constant 0 : i32
      %dma_start3A_21 = tpu.memref_slice %arg16[%add3A_4, %dma_start3A] : memref<10112x128xf32, #tpu.memory_space<vmem_shared>> -> memref<128x128xf32, #tpu.memory_space<vmem_shared>>
      %dma_start3A_22 = arith.constant 0 : i32
      %dma_start3A_23 = tpu.memref_slice %arg16[%add3A_4, %dma_start3A_22] : memref<10112x128xf32, #tpu.memory_space<vmem_shared>> -> memref<128x128xf32, #tpu.memory_space<vmem_shared>>
      tpu.enqueue_dma source(%arg7 : memref<128x128xf32, #tpu.memory_space<vmem>>) target(%dma_start3A_23 : memref<128x128xf32, #tpu.memory_space<vmem_shared>>) target_semaphore(%run_scoped3A : memref<!tpu.dma_semaphore, #tpu.memory_space<semaphore_mem>>)
      %dma_wait3A = arith.constant 0 : i32
      %dma_wait3A_24 = tpu.memref_slice %arg16[%add3A_4, %dma_wait3A] : memref<10112x128xf32, #tpu.memory_space<vmem_shared>> -> memref<128x128xf32, #tpu.memory_space<vmem_shared>>
      %dma_wait3A_25 = arith.constant 0 : i32
      %dma_wait3A_26 = tpu.memref_slice %arg16[%add3A_4, %dma_wait3A_25] : memref<10112x128xf32, #tpu.memory_space<vmem_shared>> -> memref<128x128xf32, #tpu.memory_space<vmem_shared>>
      tpu.wait_dma2 semaphore(%run_scoped3A : memref<!tpu.dma_semaphore, #tpu.memory_space<semaphore_mem>>) src(%arg7 : memref<128x128xf32, #tpu.memory_space<vmem>>) dst(%dma_wait3A_26 : memref<128x128xf32, #tpu.memory_space<vmem_shared>>)
      tpu.yield
    }) : () -> ()
    %add3A_5 = arith.constant 128 : i32
    %add3A_6 = arith.addi %mul3A_2, %add3A_5 : i32
    "tpu.region"() ({
      %run_scoped3A = tpu.sem_alloc : memref<!tpu.dma_semaphore, #tpu.memory_space<semaphore_mem>>
      %dma_start3A = arith.constant 0 : i32
      %dma_start3A_21 = tpu.memref_slice %arg16[%add3A_6, %dma_start3A] : memref<10112x128xf32, #tpu.memory_space<vmem_shared>> -> memref<128x128xf32, #tpu.memory_space<vmem_shared>>
      %dma_start3A_22 = arith.constant 0 : i32
      %dma_start3A_23 = tpu.memref_slice %arg16[%add3A_6, %dma_start3A_22] : memref<10112x128xf32, #tpu.memory_space<vmem_shared>> -> memref<128x128xf32, #tpu.memory_space<vmem_shared>>
      tpu.enqueue_dma source(%arg7 : memref<128x128xf32, #tpu.memory_space<vmem>>) target(%dma_start3A_23 : memref<128x128xf32, #tpu.memory_space<vmem_shared>>) target_semaphore(%run_scoped3A : memref<!tpu.dma_semaphore, #tpu.memory_space<semaphore_mem>>)
      %dma_wait3A = arith.constant 0 : i32
      %dma_wait3A_24 = tpu.memref_slice %arg16[%add3A_6, %dma_wait3A] : memref<10112x128xf32, #tpu.memory_space<vmem_shared>> -> memref<128x128xf32, #tpu.memory_space<vmem_shared>>
      %dma_wait3A_25 = arith.constant 0 : i32
      %dma_wait3A_26 = tpu.memref_slice %arg16[%add3A_6, %dma_wait3A_25] : memref<10112x128xf32, #tpu.memory_space<vmem_shared>> -> memref<128x128xf32, #tpu.memory_space<vmem_shared>>
      tpu.wait_dma2 semaphore(%run_scoped3A : memref<!tpu.dma_semaphore, #tpu.memory_space<semaphore_mem>>) src(%arg7 : memref<128x128xf32, #tpu.memory_space<vmem>>) dst(%dma_wait3A_26 : memref<128x128xf32, #tpu.memory_space<vmem_shared>>)
      tpu.yield
    }) : () -> ()
    %add3A_7 = arith.constant 256 : i32
    %add3A_8 = arith.addi %mul3A_2, %add3A_7 : i32
    "tpu.region"() ({
      %run_scoped3A = tpu.sem_alloc : memref<!tpu.dma_semaphore, #tpu.memory_space<semaphore_mem>>
      %dma_start3A = arith.constant 0 : i32
      %dma_start3A_21 = tpu.memref_slice %arg16[%add3A_8, %dma_start3A] : memref<10112x128xf32, #tpu.memory_space<vmem_shared>> -> memref<128x128xf32, #tpu.memory_space<vmem_shared>>
      %dma_start3A_22 = arith.constant 0 : i32
      %dma_start3A_23 = tpu.memref_slice %arg16[%add3A_8, %dma_start3A_22] : memref<10112x128xf32, #tpu.memory_space<vmem_shared>> -> memref<128x128xf32, #tpu.memory_space<vmem_shared>>
      tpu.enqueue_dma source(%arg7 : memref<128x128xf32, #tpu.memory_space<vmem>>) target(%dma_start3A_23 : memref<128x128xf32, #tpu.memory_space<vmem_shared>>) target_semaphore(%run_scoped3A : memref<!tpu.dma_semaphore, #tpu.memory_space<semaphore_mem>>)
      %dma_wait3A = arith.constant 0 : i32
      %dma_wait3A_24 = tpu.memref_slice %arg16[%add3A_8, %dma_wait3A] : memref<10112x128xf32, #tpu.memory_space<vmem_shared>> -> memref<128x128xf32, #tpu.memory_space<vmem_shared>>
      %dma_wait3A_25 = arith.constant 0 : i32
      %dma_wait3A_26 = tpu.memref_slice %arg16[%add3A_8, %dma_wait3A_25] : memref<10112x128xf32, #tpu.memory_space<vmem_shared>> -> memref<128x128xf32, #tpu.memory_space<vmem_shared>>
      tpu.wait_dma2 semaphore(%run_scoped3A : memref<!tpu.dma_semaphore, #tpu.memory_space<semaphore_mem>>) src(%arg7 : memref<128x128xf32, #tpu.memory_space<vmem>>) dst(%dma_wait3A_26 : memref<128x128xf32, #tpu.memory_space<vmem_shared>>)
      tpu.yield
    }) : () -> ()
    %add3A_9 = arith.constant 384 : i32
    %add3A_10 = arith.addi %mul3A_2, %add3A_9 : i32
    "tpu.region"() ({
      %run_scoped3A = tpu.sem_alloc : memref<!tpu.dma_semaphore, #tpu.memory_space<semaphore_mem>>
      %dma_start3A = arith.constant 0 : i32
      %dma_start3A_21 = tpu.memref_slice %arg16[%add3A_10, %dma_start3A] : memref<10112x128xf32, #tpu.memory_space<vmem_shared>> -> memref<128x128xf32, #tpu.memory_space<vmem_shared>>
      %dma_start3A_22 = arith.constant 0 : i32
      %dma_start3A_23 = tpu.memref_slice %arg16[%add3A_10, %dma_start3A_22] : memref<10112x128xf32, #tpu.memory_space<vmem_shared>> -> memref<128x128xf32, #tpu.memory_space<vmem_shared>>
      tpu.enqueue_dma source(%arg7 : memref<128x128xf32, #tpu.memory_space<vmem>>) target(%dma_start3A_23 : memref<128x128xf32, #tpu.memory_space<vmem_shared>>) target_semaphore(%run_scoped3A : memref<!tpu.dma_semaphore, #tpu.memory_space<semaphore_mem>>)
      %dma_wait3A = arith.constant 0 : i32
      %dma_wait3A_24 = tpu.memref_slice %arg16[%add3A_10, %dma_wait3A] : memref<10112x128xf32, #tpu.memory_space<vmem_shared>> -> memref<128x128xf32, #tpu.memory_space<vmem_shared>>
      %dma_wait3A_25 = arith.constant 0 : i32
      %dma_wait3A_26 = tpu.memref_slice %arg16[%add3A_10, %dma_wait3A_25] : memref<10112x128xf32, #tpu.memory_space<vmem_shared>> -> memref<128x128xf32, #tpu.memory_space<vmem_shared>>
      tpu.wait_dma2 semaphore(%run_scoped3A : memref<!tpu.dma_semaphore, #tpu.memory_space<semaphore_mem>>) src(%arg7 : memref<128x128xf32, #tpu.memory_space<vmem>>) dst(%dma_wait3A_26 : memref<128x128xf32, #tpu.memory_space<vmem_shared>>)
      tpu.yield
    }) : () -> ()
    %add3A_11 = arith.constant 512 : i32
    %add3A_12 = arith.addi %mul3A_2, %add3A_11 : i32
    "tpu.region"() ({
      %run_scoped3A = tpu.sem_alloc : memref<!tpu.dma_semaphore, #tpu.memory_space<semaphore_mem>>
      %dma_start3A = arith.constant 0 : i32
      %dma_start3A_21 = arith.constant 0 : i32
      %dma_start3A_22 = tpu.memref_slice %arg7[%dma_start3A, %dma_start3A_21] : memref<128x128xf32, #tpu.memory_space<vmem>> -> memref<120x128xf32, #tpu.memory_space<vmem>>
      %dma_start3A_23 = arith.constant 0 : i32
      %dma_start3A_24 = tpu.memref_slice %arg16[%add3A_12, %dma_start3A_23] : memref<10112x128xf32, #tpu.memory_space<vmem_shared>> -> memref<120x128xf32, #tpu.memory_space<vmem_shared>>
      %dma_start3A_25 = arith.constant 0 : i32
      %dma_start3A_26 = tpu.memref_slice %arg16[%add3A_12, %dma_start3A_25] : memref<10112x128xf32, #tpu.memory_space<vmem_shared>> -> memref<120x128xf32, #tpu.memory_space<vmem_shared>>
      %dma_start3A_27 = arith.constant 0 : i32
      %dma_start3A_28 = arith.constant 0 : i32
      %dma_start3A_29 = tpu.memref_slice %arg7[%dma_start3A_27, %dma_start3A_28] : memref<128x128xf32, #tpu.memory_space<vmem>> -> memref<120x128xf32, #tpu.memory_space<vmem>>
      tpu.enqueue_dma source(%dma_start3A_29 : memref<120x128xf32, #tpu.memory_space<vmem>>) target(%dma_start3A_26 : memref<120x128xf32, #tpu.memory_space<vmem_shared>>) target_semaphore(%run_scoped3A : memref<!tpu.dma_semaphore, #tpu.memory_space<semaphore_mem>>)
      %dma_wait3A = arith.constant 0 : i32
      %dma_wait3A_30 = arith.constant 0 : i32
      %dma_wait3A_31 = tpu.memref_slice %arg7[%dma_wait3A, %dma_wait3A_30] : memref<128x128xf32, #tpu.memory_space<vmem>> -> memref<120x128xf32, #tpu.memory_space<vmem>>
      %dma_wait3A_32 = arith.constant 0 : i32
      %dma_wait3A_33 = tpu.memref_slice %arg16[%add3A_12, %dma_wait3A_32] : memref<10112x128xf32, #tpu.memory_space<vmem_shared>> -> memref<120x128xf32, #tpu.memory_space<vmem_shared>>
      %dma_wait3A_34 = arith.constant 0 : i32
      %dma_wait3A_35 = tpu.memref_slice %arg16[%add3A_12, %dma_wait3A_34] : memref<10112x128xf32, #tpu.memory_space<vmem_shared>> -> memref<120x128xf32, #tpu.memory_space<vmem_shared>>
      %dma_wait3A_36 = arith.constant 0 : i32
      %dma_wait3A_37 = arith.constant 0 : i32
      %dma_wait3A_38 = tpu.memref_slice %arg7[%dma_wait3A_36, %dma_wait3A_37] : memref<128x128xf32, #tpu.memory_space<vmem>> -> memref<120x128xf32, #tpu.memory_space<vmem>>
      tpu.wait_dma2 semaphore(%run_scoped3A : memref<!tpu.dma_semaphore, #tpu.memory_space<semaphore_mem>>) src(%dma_wait3A_38 : memref<120x128xf32, #tpu.memory_space<vmem>>) dst(%dma_wait3A_35 : memref<120x128xf32, #tpu.memory_space<vmem_shared>>)
      tpu.yield
    }) : () -> ()
    %barrier3A = arith.constant 0 : index
    tpu.barrier barrier_id(%barrier3A)
    %scan3A = arith.constant 0 : i32
    %scan3A_13 = arith.constant 0 : i32
    %scan3A_14 = arith.constant 49 : i32
    %scan3A_15 = arith.addi %scan3A_13, %scan3A_14 : i32
    %scan3A_16 = arith.constant 1 : i32
    scf.for %scan3A_21 = %scan3A_13 to %scan3A_15 step %scan3A_16  : i32 {
      %mul3A_22 = arith.constant 3 : i32
      %mul3A_23 = arith.muli %mul3A_22, %scan3A_21 : i32
      "tpu.region"() ({
        %run_scoped3A = tpu.sem_alloc : memref<!tpu.dma_semaphore, #tpu.memory_space<semaphore_mem>>
        %dma_start3A_118 = arith.constant 0 : i32
        %dma_start3A_119 = arith.constant 0 : i32
        %dma_start3A_120 = tpu.memref_slice %arg3[%add3A, %mul3A_23, %dma_start3A_118, %dma_start3A_119] : memref<32x147x2x128xi32, #tpu.memory_space<hbm>> -> memref<1x3x2x128xi32, #tpu.memory_space<hbm>>
        %dma_start3A_121 = tpu.memref_squeeze %dma_start3A_120 : memref<1x3x2x128xi32, #tpu.memory_space<hbm>> -> memref<3x2x128xi32, #tpu.memory_space<hbm>>
        %dma_start3A_122 = arith.constant 0 : i32
        %dma_start3A_123 = arith.constant 0 : i32
        %dma_start3A_124 = tpu.memref_slice %arg3[%add3A, %mul3A_23, %dma_start3A_122, %dma_start3A_123] : memref<32x147x2x128xi32, #tpu.memory_space<hbm>> -> memref<1x3x2x128xi32, #tpu.memory_space<hbm>>
        %dma_start3A_125 = tpu.memref_squeeze %dma_start3A_124 : memref<1x3x2x128xi32, #tpu.memory_space<hbm>> -> memref<3x2x128xi32, #tpu.memory_space<hbm>>
        tpu.enqueue_dma source(%dma_start3A_125 : memref<3x2x128xi32, #tpu.memory_space<hbm>>) target(%arg6 : memref<3x2x128xi32, #tpu.memory_space<vmem>>) target_semaphore(%run_scoped3A : memref<!tpu.dma_semaphore, #tpu.memory_space<semaphore_mem>>)
        %dma_wait3A_126 = arith.constant 0 : i32
        %dma_wait3A_127 = arith.constant 0 : i32
        %dma_wait3A_128 = tpu.memref_slice %arg3[%add3A, %mul3A_23, %dma_wait3A_126, %dma_wait3A_127] : memref<32x147x2x128xi32, #tpu.memory_space<hbm>> -> memref<1x3x2x128xi32, #tpu.memory_space<hbm>>
        %dma_wait3A_129 = tpu.memref_squeeze %dma_wait3A_128 : memref<1x3x2x128xi32, #tpu.memory_space<hbm>> -> memref<3x2x128xi32, #tpu.memory_space<hbm>>
        %dma_wait3A_130 = arith.constant 0 : i32
        %dma_wait3A_131 = arith.constant 0 : i32
        %dma_wait3A_132 = tpu.memref_slice %arg3[%add3A, %mul3A_23, %dma_wait3A_130, %dma_wait3A_131] : memref<32x147x2x128xi32, #tpu.memory_space<hbm>> -> memref<1x3x2x128xi32, #tpu.memory_space<hbm>>
        %dma_wait3A_133 = tpu.memref_squeeze %dma_wait3A_132 : memref<1x3x2x128xi32, #tpu.memory_space<hbm>> -> memref<3x2x128xi32, #tpu.memory_space<hbm>>
        tpu.wait_dma2 semaphore(%run_scoped3A : memref<!tpu.dma_semaphore, #tpu.memory_space<semaphore_mem>>) src(%dma_wait3A_133 : memref<3x2x128xi32, #tpu.memory_space<hbm>>) dst(%arg6 : memref<3x2x128xi32, #tpu.memory_space<vmem>>)
        tpu.yield
      }) : () -> ()
      %dma_start3A = arith.constant 0 : i32
      %dma_start3A_24 = arith.constant 0 : i32
      %dma_start3A_25 = arith.constant 0 : i32
      %dma_start3A_26 = tpu.memref_slice %arg6[%dma_start3A, %dma_start3A_24, %dma_start3A_25] : memref<3x2x128xi32, #tpu.memory_space<vmem>> -> memref<1x1x128xi32, #tpu.memory_space<vmem>>
      %dma_start3A_27 = tpu.memref_squeeze %dma_start3A_26 : memref<1x1x128xi32, #tpu.memory_space<vmem>> -> memref<128xi32, #tpu.memory_space<vmem>>
      %dma_start3A_28 = arith.constant 0 : i32
      %dma_start3A_29 = arith.constant 0 : i32
      %dma_start3A_30 = tpu.memref_slice %arg2[%dma_start3A_28, %dma_start3A_29] : memref<60000x128xf32, #tpu.memory_space<hbm>> -> memref<60000x128xf32, #tpu.memory_space<hbm>>
      tpu.enqueue_indirect_dma source(%dma_start3A_30 : memref<60000x128xf32, #tpu.memory_space<hbm>>) target(%arg7 : memref<128x128xf32, #tpu.memory_space<vmem>>) offsets(%dma_start3A_27 : memref<128xi32, #tpu.memory_space<vmem>>) semaphore(%arg10 : memref<!tpu.dma_semaphore, #tpu.memory_space<semaphore_mem>>)
      %dma_start3A_31 = arith.constant 1 : i32
      %dma_start3A_32 = arith.constant 0 : i32
      %dma_start3A_33 = arith.constant 0 : i32
      %dma_start3A_34 = tpu.memref_slice %arg6[%dma_start3A_31, %dma_start3A_32, %dma_start3A_33] : memref<3x2x128xi32, #tpu.memory_space<vmem>> -> memref<1x1x128xi32, #tpu.memory_space<vmem>>
      %dma_start3A_35 = tpu.memref_squeeze %dma_start3A_34 : memref<1x1x128xi32, #tpu.memory_space<vmem>> -> memref<128xi32, #tpu.memory_space<vmem>>
      %dma_start3A_36 = arith.constant 0 : i32
      %dma_start3A_37 = arith.constant 0 : i32
      %dma_start3A_38 = tpu.memref_slice %arg2[%dma_start3A_36, %dma_start3A_37] : memref<60000x128xf32, #tpu.memory_space<hbm>> -> memref<60000x128xf32, #tpu.memory_space<hbm>>
      tpu.enqueue_indirect_dma source(%dma_start3A_38 : memref<60000x128xf32, #tpu.memory_space<hbm>>) target(%arg8 : memref<128x128xf32, #tpu.memory_space<vmem>>) offsets(%dma_start3A_35 : memref<128xi32, #tpu.memory_space<vmem>>) semaphore(%arg11 : memref<!tpu.dma_semaphore, #tpu.memory_space<semaphore_mem>>)
      %dma_start3A_39 = arith.constant 2 : i32
      %dma_start3A_40 = arith.constant 0 : i32
      %dma_start3A_41 = arith.constant 0 : i32
      %dma_start3A_42 = tpu.memref_slice %arg6[%dma_start3A_39, %dma_start3A_40, %dma_start3A_41] : memref<3x2x128xi32, #tpu.memory_space<vmem>> -> memref<1x1x128xi32, #tpu.memory_space<vmem>>
      %dma_start3A_43 = tpu.memref_squeeze %dma_start3A_42 : memref<1x1x128xi32, #tpu.memory_space<vmem>> -> memref<128xi32, #tpu.memory_space<vmem>>
      %dma_start3A_44 = arith.constant 0 : i32
      %dma_start3A_45 = arith.constant 0 : i32
      %dma_start3A_46 = tpu.memref_slice %arg2[%dma_start3A_44, %dma_start3A_45] : memref<60000x128xf32, #tpu.memory_space<hbm>> -> memref<60000x128xf32, #tpu.memory_space<hbm>>
      tpu.enqueue_indirect_dma source(%dma_start3A_46 : memref<60000x128xf32, #tpu.memory_space<hbm>>) target(%arg9 : memref<128x128xf32, #tpu.memory_space<vmem>>) offsets(%dma_start3A_43 : memref<128xi32, #tpu.memory_space<vmem>>) semaphore(%arg12 : memref<!tpu.dma_semaphore, #tpu.memory_space<semaphore_mem>>)
      %dma_wait3A = arith.constant 0 : i32
      %dma_wait3A_47 = arith.constant 0 : i32
      %dma_wait3A_48 = arith.constant 0 : i32
      %dma_wait3A_49 = tpu.memref_slice %arg6[%dma_wait3A, %dma_wait3A_47, %dma_wait3A_48] : memref<3x2x128xi32, #tpu.memory_space<vmem>> -> memref<1x1x128xi32, #tpu.memory_space<vmem>>
      %dma_wait3A_50 = tpu.memref_squeeze %dma_wait3A_49 : memref<1x1x128xi32, #tpu.memory_space<vmem>> -> memref<128xi32, #tpu.memory_space<vmem>>
      %dma_wait3A_51 = arith.constant 0 : i32
      %dma_wait3A_52 = arith.constant 0 : i32
      %dma_wait3A_53 = tpu.memref_slice %arg2[%dma_wait3A_51, %dma_wait3A_52] : memref<60000x128xf32, #tpu.memory_space<hbm>> -> memref<60000x128xf32, #tpu.memory_space<hbm>>
      tpu.wait_indirect_dma semaphore(%arg10 : memref<!tpu.dma_semaphore, #tpu.memory_space<semaphore_mem>>) src(%dma_wait3A_53 : memref<60000x128xf32, #tpu.memory_space<hbm>>) dst(%arg7 : memref<128x128xf32, #tpu.memory_space<vmem>>)
      %dma_start3A_54 = arith.constant 0 : i32
      %dma_start3A_55 = arith.constant 1 : i32
      %dma_start3A_56 = arith.constant 0 : i32
      %dma_start3A_57 = tpu.memref_slice %arg6[%dma_start3A_54, %dma_start3A_55, %dma_start3A_56] : memref<3x2x128xi32, #tpu.memory_space<vmem>> -> memref<1x1x128xi32, #tpu.memory_space<vmem>>
      %dma_start3A_58 = tpu.memref_squeeze %dma_start3A_57 : memref<1x1x128xi32, #tpu.memory_space<vmem>> -> memref<128xi32, #tpu.memory_space<vmem>>
      %dma_start3A_59 = arith.constant 0 : i32
      %dma_start3A_60 = arith.constant 0 : i32
      %dma_start3A_61 = tpu.memref_slice %arg16[%dma_start3A_59, %dma_start3A_60] : memref<10112x128xf32, #tpu.memory_space<vmem_shared>> -> memref<10112x128xf32, #tpu.memory_space<vmem_shared>>
      tpu.enqueue_indirect_dma source(%arg7 : memref<128x128xf32, #tpu.memory_space<vmem>>) target(%dma_start3A_61 : memref<10112x128xf32, #tpu.memory_space<vmem_shared>>) offsets(%dma_start3A_58 : memref<128xi32, #tpu.memory_space<vmem>>) semaphore(%arg13 : memref<!tpu.dma_semaphore, #tpu.memory_space<semaphore_mem>>) {add = true}
      %dma_wait3A_62 = arith.constant 1 : i32
      %dma_wait3A_63 = arith.constant 0 : i32
      %dma_wait3A_64 = arith.constant 0 : i32
      %dma_wait3A_65 = tpu.memref_slice %arg6[%dma_wait3A_62, %dma_wait3A_63, %dma_wait3A_64] : memref<3x2x128xi32, #tpu.memory_space<vmem>> -> memref<1x1x128xi32, #tpu.memory_space<vmem>>
      %dma_wait3A_66 = tpu.memref_squeeze %dma_wait3A_65 : memref<1x1x128xi32, #tpu.memory_space<vmem>> -> memref<128xi32, #tpu.memory_space<vmem>>
      %dma_wait3A_67 = arith.constant 0 : i32
      %dma_wait3A_68 = arith.constant 0 : i32
      %dma_wait3A_69 = tpu.memref_slice %arg2[%dma_wait3A_67, %dma_wait3A_68] : memref<60000x128xf32, #tpu.memory_space<hbm>> -> memref<60000x128xf32, #tpu.memory_space<hbm>>
      tpu.wait_indirect_dma semaphore(%arg11 : memref<!tpu.dma_semaphore, #tpu.memory_space<semaphore_mem>>) src(%dma_wait3A_69 : memref<60000x128xf32, #tpu.memory_space<hbm>>) dst(%arg8 : memref<128x128xf32, #tpu.memory_space<vmem>>)
      %dma_start3A_70 = arith.constant 1 : i32
      %dma_start3A_71 = arith.constant 1 : i32
      %dma_start3A_72 = arith.constant 0 : i32
      %dma_start3A_73 = tpu.memref_slice %arg6[%dma_start3A_70, %dma_start3A_71, %dma_start3A_72] : memref<3x2x128xi32, #tpu.memory_space<vmem>> -> memref<1x1x128xi32, #tpu.memory_space<vmem>>
      %dma_start3A_74 = tpu.memref_squeeze %dma_start3A_73 : memref<1x1x128xi32, #tpu.memory_space<vmem>> -> memref<128xi32, #tpu.memory_space<vmem>>
      %dma_start3A_75 = arith.constant 0 : i32
      %dma_start3A_76 = arith.constant 0 : i32
      %dma_start3A_77 = tpu.memref_slice %arg16[%dma_start3A_75, %dma_start3A_76] : memref<10112x128xf32, #tpu.memory_space<vmem_shared>> -> memref<10112x128xf32, #tpu.memory_space<vmem_shared>>
      tpu.enqueue_indirect_dma source(%arg8 : memref<128x128xf32, #tpu.memory_space<vmem>>) target(%dma_start3A_77 : memref<10112x128xf32, #tpu.memory_space<vmem_shared>>) offsets(%dma_start3A_74 : memref<128xi32, #tpu.memory_space<vmem>>) semaphore(%arg14 : memref<!tpu.dma_semaphore, #tpu.memory_space<semaphore_mem>>) {add = true}
      %dma_wait3A_78 = arith.constant 2 : i32
      %dma_wait3A_79 = arith.constant 0 : i32
      %dma_wait3A_80 = arith.constant 0 : i32
      %dma_wait3A_81 = tpu.memref_slice %arg6[%dma_wait3A_78, %dma_wait3A_79, %dma_wait3A_80] : memref<3x2x128xi32, #tpu.memory_space<vmem>> -> memref<1x1x128xi32, #tpu.memory_space<vmem>>
      %dma_wait3A_82 = tpu.memref_squeeze %dma_wait3A_81 : memref<1x1x128xi32, #tpu.memory_space<vmem>> -> memref<128xi32, #tpu.memory_space<vmem>>
      %dma_wait3A_83 = arith.constant 0 : i32
      %dma_wait3A_84 = arith.constant 0 : i32
      %dma_wait3A_85 = tpu.memref_slice %arg2[%dma_wait3A_83, %dma_wait3A_84] : memref<60000x128xf32, #tpu.memory_space<hbm>> -> memref<60000x128xf32, #tpu.memory_space<hbm>>
      tpu.wait_indirect_dma semaphore(%arg12 : memref<!tpu.dma_semaphore, #tpu.memory_space<semaphore_mem>>) src(%dma_wait3A_85 : memref<60000x128xf32, #tpu.memory_space<hbm>>) dst(%arg9 : memref<128x128xf32, #tpu.memory_space<vmem>>)
      %dma_start3A_86 = arith.constant 2 : i32
      %dma_start3A_87 = arith.constant 1 : i32
      %dma_start3A_88 = arith.constant 0 : i32
      %dma_start3A_89 = tpu.memref_slice %arg6[%dma_start3A_86, %dma_start3A_87, %dma_start3A_88] : memref<3x2x128xi32, #tpu.memory_space<vmem>> -> memref<1x1x128xi32, #tpu.memory_space<vmem>>
      %dma_start3A_90 = tpu.memref_squeeze %dma_start3A_89 : memref<1x1x128xi32, #tpu.memory_space<vmem>> -> memref<128xi32, #tpu.memory_space<vmem>>
      %dma_start3A_91 = arith.constant 0 : i32
      %dma_start3A_92 = arith.constant 0 : i32
      %dma_start3A_93 = tpu.memref_slice %arg16[%dma_start3A_91, %dma_start3A_92] : memref<10112x128xf32, #tpu.memory_space<vmem_shared>> -> memref<10112x128xf32, #tpu.memory_space<vmem_shared>>
      tpu.enqueue_indirect_dma source(%arg9 : memref<128x128xf32, #tpu.memory_space<vmem>>) target(%dma_start3A_93 : memref<10112x128xf32, #tpu.memory_space<vmem_shared>>) offsets(%dma_start3A_90 : memref<128xi32, #tpu.memory_space<vmem>>) semaphore(%arg15 : memref<!tpu.dma_semaphore, #tpu.memory_space<semaphore_mem>>) {add = true}
      %dma_wait3A_94 = arith.constant 0 : i32
      %dma_wait3A_95 = arith.constant 1 : i32
      %dma_wait3A_96 = arith.constant 0 : i32
      %dma_wait3A_97 = tpu.memref_slice %arg6[%dma_wait3A_94, %dma_wait3A_95, %dma_wait3A_96] : memref<3x2x128xi32, #tpu.memory_space<vmem>> -> memref<1x1x128xi32, #tpu.memory_space<vmem>>
      %dma_wait3A_98 = tpu.memref_squeeze %dma_wait3A_97 : memref<1x1x128xi32, #tpu.memory_space<vmem>> -> memref<128xi32, #tpu.memory_space<vmem>>
      %dma_wait3A_99 = arith.constant 0 : i32
      %dma_wait3A_100 = arith.constant 0 : i32
      %dma_wait3A_101 = tpu.memref_slice %arg16[%dma_wait3A_99, %dma_wait3A_100] : memref<10112x128xf32, #tpu.memory_space<vmem_shared>> -> memref<10112x128xf32, #tpu.memory_space<vmem_shared>>
      tpu.wait_indirect_dma semaphore(%arg13 : memref<!tpu.dma_semaphore, #tpu.memory_space<semaphore_mem>>) src(%arg7 : memref<128x128xf32, #tpu.memory_space<vmem>>) dst(%dma_wait3A_101 : memref<10112x128xf32, #tpu.memory_space<vmem_shared>>)
      %dma_wait3A_102 = arith.constant 1 : i32
      %dma_wait3A_103 = arith.constant 1 : i32
      %dma_wait3A_104 = arith.constant 0 : i32
      %dma_wait3A_105 = tpu.memref_slice %arg6[%dma_wait3A_102, %dma_wait3A_103, %dma_wait3A_104] : memref<3x2x128xi32, #tpu.memory_space<vmem>> -> memref<1x1x128xi32, #tpu.memory_space<vmem>>
      %dma_wait3A_106 = tpu.memref_squeeze %dma_wait3A_105 : memref<1x1x128xi32, #tpu.memory_space<vmem>> -> memref<128xi32, #tpu.memory_space<vmem>>
      %dma_wait3A_107 = arith.constant 0 : i32
      %dma_wait3A_108 = arith.constant 0 : i32
      %dma_wait3A_109 = tpu.memref_slice %arg16[%dma_wait3A_107, %dma_wait3A_108] : memref<10112x128xf32, #tpu.memory_space<vmem_shared>> -> memref<10112x128xf32, #tpu.memory_space<vmem_shared>>
      tpu.wait_indirect_dma semaphore(%arg14 : memref<!tpu.dma_semaphore, #tpu.memory_space<semaphore_mem>>) src(%arg8 : memref<128x128xf32, #tpu.memory_space<vmem>>) dst(%dma_wait3A_109 : memref<10112x128xf32, #tpu.memory_space<vmem_shared>>)
      %dma_wait3A_110 = arith.constant 2 : i32
      %dma_wait3A_111 = arith.constant 1 : i32
      %dma_wait3A_112 = arith.constant 0 : i32
      %dma_wait3A_113 = tpu.memref_slice %arg6[%dma_wait3A_110, %dma_wait3A_111, %dma_wait3A_112] : memref<3x2x128xi32, #tpu.memory_space<vmem>> -> memref<1x1x128xi32, #tpu.memory_space<vmem>>
      %dma_wait3A_114 = tpu.memref_squeeze %dma_wait3A_113 : memref<1x1x128xi32, #tpu.memory_space<vmem>> -> memref<128xi32, #tpu.memory_space<vmem>>
      %dma_wait3A_115 = arith.constant 0 : i32
      %dma_wait3A_116 = arith.constant 0 : i32
      %dma_wait3A_117 = tpu.memref_slice %arg16[%dma_wait3A_115, %dma_wait3A_116] : memref<10112x128xf32, #tpu.memory_space<vmem_shared>> -> memref<10112x128xf32, #tpu.memory_space<vmem_shared>>
      tpu.wait_indirect_dma semaphore(%arg15 : memref<!tpu.dma_semaphore, #tpu.memory_space<semaphore_mem>>) src(%arg9 : memref<128x128xf32, #tpu.memory_space<vmem>>) dst(%dma_wait3A_117 : memref<10112x128xf32, #tpu.memory_space<vmem_shared>>)
    }
    %scan3A_17 = arith.constant 49 : i32
    %barrier3A_18 = arith.constant 0 : index
    tpu.barrier barrier_id(%barrier3A_18)
    %lt3A = arith.constant 10 : i32
    %lt3A_19 = arith.cmpi slt, %arg1, %lt3A : i32
    %convert_element_type3A = arith.extui %lt3A_19 : i1 to i32
    %cond3A = arith.constant 0 : i32
    %cond3A_20 = arith.cmpi ne, %convert_element_type3A, %cond3A : i32
    scf.if %cond3A_20 {
      %mul3A_21 = arith.constant 1000 : i32
      %mul3A_22 = arith.muli %arg1, %mul3A_21 : i32
      %mul3A_23 = arith.constant 1000 : i32
      %mul3A_24 = arith.muli %arg1, %mul3A_23 : i32
      "tpu.region"() ({
        %run_scoped3A = tpu.sem_alloc : memref<!tpu.dma_semaphore, #tpu.memory_space<semaphore_mem>>
        %dma_start3A = arith.constant 0 : i32
        %dma_start3A_25 = tpu.memref_slice %arg5[%arg0, %mul3A_24, %dma_start3A] : memref<2x10000x128xf32, #tpu.memory_space<hbm>> -> memref<1x1000x128xf32, #tpu.memory_space<hbm>>
        %dma_start3A_26 = tpu.memref_squeeze %dma_start3A_25 : memref<1x1000x128xf32, #tpu.memory_space<hbm>> -> memref<1000x128xf32, #tpu.memory_space<hbm>>
        %dma_start3A_27 = arith.constant 0 : i32
        %dma_start3A_28 = tpu.memref_slice %arg16[%mul3A_22, %dma_start3A_27] : memref<10112x128xf32, #tpu.memory_space<vmem_shared>> -> memref<1000x128xf32, #tpu.memory_space<vmem_shared>>
        tpu.enqueue_dma source(%dma_start3A_28 : memref<1000x128xf32, #tpu.memory_space<vmem_shared>>) target(%dma_start3A_26 : memref<1000x128xf32, #tpu.memory_space<hbm>>) target_semaphore(%run_scoped3A : memref<!tpu.dma_semaphore, #tpu.memory_space<semaphore_mem>>)
        %dma_wait3A = arith.constant 0 : i32
        %dma_wait3A_29 = tpu.memref_slice %arg5[%arg0, %mul3A_24, %dma_wait3A] : memref<2x10000x128xf32, #tpu.memory_space<hbm>> -> memref<1x1000x128xf32, #tpu.memory_space<hbm>>
        %dma_wait3A_30 = tpu.memref_squeeze %dma_wait3A_29 : memref<1x1000x128xf32, #tpu.memory_space<hbm>> -> memref<1000x128xf32, #tpu.memory_space<hbm>>
        %dma_wait3A_31 = arith.constant 0 : i32
        %dma_wait3A_32 = tpu.memref_slice %arg16[%mul3A_22, %dma_wait3A_31] : memref<10112x128xf32, #tpu.memory_space<vmem_shared>> -> memref<1000x128xf32, #tpu.memory_space<vmem_shared>>
        tpu.wait_dma2 semaphore(%run_scoped3A : memref<!tpu.dma_semaphore, #tpu.memory_space<semaphore_mem>>) src(%dma_wait3A_32 : memref<1000x128xf32, #tpu.memory_space<vmem_shared>>) dst(%dma_wait3A_30 : memref<1000x128xf32, #tpu.memory_space<hbm>>)
        tpu.yield
      }) : () -> ()
    } else {
    }
    return
  }
}

module attributes {stable_mosaic.version = 14 : i64} {
  func.func @_prop_body(%arg0: i32, %arg1: i32, %arg2: memref<1000x128xf32, #tpu.memory_space<vmem>>, %arg3: memref<1x128x128xf32, #tpu.memory_space<vmem>>, %arg4: memref<1x1x128xf32, #tpu.memory_space<vmem>>, %arg5: memref<1x1000x128xf32, #tpu.memory_space<vmem>>) attributes {dimension_semantics = [#tpu.dimension_semantics<arbitrary>, #tpu.dimension_semantics<arbitrary>], iteration_bounds = array<i64: 10, 6>, scalar_prefetch = 0 : i64, scratch_operands = 0 : i64, tpu.core_type = #tpu.core_type<tc>, window_params = [{transform_indices = @transform_0, window_bounds = array<i64: 1000, 128>}, {transform_indices = @transform_1, window_bounds = array<i64: 1, 128, 128>}, {transform_indices = @transform_2, window_bounds = array<i64: 1, 1, 128>}, {transform_indices = @transform_3, window_bounds = array<i64: 1, 1000, 128>}]} {
    %get3A = arith.constant 0 : index
    %get3A_0 = arith.constant 0 : index
    %get3A_1 = vector.load %arg2[%get3A, %get3A_0] : memref<1000x128xf32, #tpu.memory_space<vmem>>, vector<1000x128xf32>
    %get3A_2 = arith.constant 0 : index
    %get3A_3 = arith.constant 0 : index
    %get3A_4 = arith.constant 0 : index
    %get3A_5 = vector.load %arg3[%get3A_2, %get3A_3, %get3A_4] : memref<1x128x128xf32, #tpu.memory_space<vmem>>, vector<1x128x128xf32>
    %get3A_6 = vector.shape_cast %get3A_5 : vector<1x128x128xf32> to vector<128x128xf32>
    %dot_general3A = arith.constant dense<0.000000e+00> : vector<1000x128xf32>
    %dot_general3A_7 = tpu.matmul %get3A_1, %get3A_6, %dot_general3A {dimension_numbers = #tpu.dot_dimension_numbers<[1], [0], [0], [1], [0, 0, 1, 1], [], []>, transpose_lhs_hint = false} : vector<1000x128xf32>, vector<128x128xf32>, vector<1000x128xf32> -> vector<1000x128xf32>
    %get3A_8 = arith.constant 0 : index
    %get3A_9 = arith.constant 0 : index
    %get3A_10 = arith.constant 0 : index
    %get3A_11 = vector.load %arg4[%get3A_8, %get3A_9, %get3A_10] : memref<1x1x128xf32, #tpu.memory_space<vmem>>, vector<1x1x128xf32>
    %get3A_12 = vector.shape_cast %get3A_11 : vector<1x1x128xf32> to vector<1x128xf32>
    %add3A = vector.broadcast %get3A_12 : vector<1x128xf32> to vector<1000x128xf32>
    %add3A_13 = arith.addf %dot_general3A_7, %add3A : vector<1000x128xf32>
    %swap3A = arith.constant 0 : index
    %swap3A_14 = arith.constant 0 : index
    %swap3A_15 = arith.constant 0 : index
    %swap3A_16 = vector.load %arg5[%swap3A, %swap3A_14, %swap3A_15] : memref<1x1000x128xf32, #tpu.memory_space<vmem>>, vector<1x1000x128xf32>
    %swap3A_17 = vector.shape_cast %swap3A_16 : vector<1x1000x128xf32> to vector<1000x128xf32>
    %swap3A_18 = vector.shape_cast %add3A_13 : vector<1000x128xf32> to vector<1x1000x128xf32>
    tpu.vector_store %arg5[%swap3A, %swap3A_14, %swap3A_15], %swap3A_18 {strides = array<i32>} : memref<1x1000x128xf32, #tpu.memory_space<vmem>>, vector<1x1000x128xf32>,
    return
  }
  func.func @transform_0(%arg0: i32, %arg1: i32) -> (i32, i32) {
    %c0_i32 = arith.constant 0 : i32
    %c0_i32_0 = arith.constant 0 : i32
    return %arg0, %c0_i32 : i32, i32
  }
  func.func @transform_1(%arg0: i32, %arg1: i32) -> (i32, i32, i32) {
    %c0_i32 = arith.constant 0 : i32
    %c0_i32_0 = arith.constant 0 : i32
    %c0_i32_1 = arith.constant 0 : i32
    return %arg1, %c0_i32, %c0_i32_0 : i32, i32, i32
  }
  func.func @transform_2(%arg0: i32, %arg1: i32) -> (i32, i32, i32) {
    %c0_i32 = arith.constant 0 : i32
    %c0_i32_0 = arith.constant 0 : i32
    %c0_i32_1 = arith.constant 0 : i32
    return %arg1, %c0_i32, %c0_i32_0 : i32, i32, i32
  }
  func.func @transform_3(%arg0: i32, %arg1: i32) -> (i32, i32, i32) {
    %c0_i32 = arith.constant 0 : i32
    %c0_i32_0 = arith.constant 0 : i32
    return %arg1, %arg0, %c0_i32 : i32, i32, i32
  }
}

module attributes {stable_mosaic.version = 14 : i64} {
  func.func @_gru_body(%arg0: i32, %arg1: memref<2x1000x128xf32, #tpu.memory_space<vmem>>, %arg2: memref<2x1000x128xf32, #tpu.memory_space<vmem>>, %arg3: memref<1000x128xf32, #tpu.memory_space<vmem>>, %arg4: memref<128x384xf32, #tpu.memory_space<vmem>>, %arg5: memref<128x384xf32, #tpu.memory_space<vmem>>, %arg6: memref<1x384xf32, #tpu.memory_space<vmem>>, %arg7: memref<1x384xf32, #tpu.memory_space<vmem>>, %arg8: memref<1000x128xf32, #tpu.memory_space<vmem>>) attributes {dimension_semantics = [#tpu.dimension_semantics<arbitrary>], iteration_bounds = array<i64: 10>, scalar_prefetch = 0 : i64, scratch_operands = 0 : i64, tpu.core_type = #tpu.core_type<tc>, window_params = [{transform_indices = @transform_0, window_bounds = array<i64: 2, 1000, 128>}, {transform_indices = @transform_1, window_bounds = array<i64: 2, 1000, 128>}, {transform_indices = @transform_2, window_bounds = array<i64: 1000, 128>}, {pipeline_mode = #tpu.pipeline_mode<synchronous>, transform_indices = @transform_3, window_bounds = array<i64: 128, 384>}, {pipeline_mode = #tpu.pipeline_mode<synchronous>, transform_indices = @transform_4, window_bounds = array<i64: 128, 384>}, {pipeline_mode = #tpu.pipeline_mode<synchronous>, transform_indices = @transform_5, window_bounds = array<i64: 1, 384>}, {pipeline_mode = #tpu.pipeline_mode<synchronous>, transform_indices = @transform_6, window_bounds = array<i64: 1, 384>}, {transform_indices = @transform_7, window_bounds = array<i64: 1000, 128>}]} {
    %get3A = arith.constant 0 : index
    %get3A_0 = arith.constant 0 : index
    %get3A_1 = arith.constant 0 : index
    %get3A_2 = vector.load %arg2[%get3A, %get3A_0, %get3A_1] : memref<2x1000x128xf32, #tpu.memory_space<vmem>>, vector<1x1000x1xf32>
    %get3A_3 = vector.shape_cast %get3A_2 : vector<1x1000x1xf32> to vector<1000xf32>
    %get3A_4 = arith.constant 1 : index
    %get3A_5 = arith.constant 0 : index
    %get3A_6 = arith.constant 0 : index
    %get3A_7 = vector.load %arg2[%get3A_4, %get3A_5, %get3A_6] : memref<2x1000x128xf32, #tpu.memory_space<vmem>>, vector<1x1000x1xf32>
    %get3A_8 = vector.shape_cast %get3A_7 : vector<1x1000x1xf32> to vector<1000xf32>
    %add3A = arith.addf %get3A_3, %get3A_8 : vector<1000xf32>
    %eq3A = arith.constant 0.000000e+00 : f32
    %eq3A_9 = vector.broadcast %eq3A : f32 to vector<1000xf32>
    %eq3A_10 = arith.cmpf oeq, %add3A, %eq3A_9 : vector<1000xf32>
    %jit3A = arith.constant 1.000000e+00 : f32
    %broadcast_in_dim3A = vector.broadcast %jit3A : f32 to vector<1000xf32>
    %select_n3A = arith.select %eq3A_10, %broadcast_in_dim3A, %add3A : vector<1000xi1>, vector<1000xf32>
    %get3A_11 = arith.constant 0 : index
    %get3A_12 = arith.constant 0 : index
    %get3A_13 = arith.constant 0 : index
    %get3A_14 = vector.load %arg1[%get3A_11, %get3A_12, %get3A_13] : memref<2x1000x128xf32, #tpu.memory_space<vmem>>, vector<1x1000x128xf32>
    %get3A_15 = vector.shape_cast %get3A_14 : vector<1x1000x128xf32> to vector<1000x128xf32>
    %get3A_16 = arith.constant 1 : index
    %get3A_17 = arith.constant 0 : index
    %get3A_18 = arith.constant 0 : index
    %get3A_19 = vector.load %arg1[%get3A_16, %get3A_17, %get3A_18] : memref<2x1000x128xf32, #tpu.memory_space<vmem>>, vector<1x1000x128xf32>
    %get3A_20 = vector.shape_cast %get3A_19 : vector<1x1000x128xf32> to vector<1000x128xf32>
    %add3A_21 = arith.addf %get3A_15, %get3A_20 : vector<1000x128xf32>
    %broadcast_in_dim3A_22 = vector.shape_cast %select_n3A : vector<1000xf32> to vector<1000x1xf32>
    %div3A = vector.broadcast %broadcast_in_dim3A_22 : vector<1000x1xf32> to vector<1000x128xf32>
    %div3A_23 = arith.divf %add3A_21, %div3A : vector<1000x128xf32>
    %add3A_24 = arith.constant 9.99999993E-9 : f32
    %add3A_25 = vector.broadcast %add3A_24 : f32 to vector<1000x128xf32>
    %add3A_26 = arith.addf %div3A_23, %add3A_25 : vector<1000x128xf32>
    %get3A_27 = arith.constant 0 : index
    %get3A_28 = arith.constant 0 : index
    %get3A_29 = vector.load %arg3[%get3A_27, %get3A_28] : memref<1000x128xf32, #tpu.memory_space<vmem>>, vector<1000x128xf32>
    %get3A_30 = arith.constant 0 : index
    %get3A_31 = arith.constant 0 : index
    %get3A_32 = vector.load %arg4[%get3A_30, %get3A_31] : memref<128x384xf32, #tpu.memory_space<vmem>>, vector<128x384xf32>
    %dot_general3A = arith.constant dense<0.000000e+00> : vector<1000x384xf32>
    %dot_general3A_33 = tpu.matmul %add3A_26, %get3A_32, %dot_general3A {dimension_numbers = #tpu.dot_dimension_numbers<[1], [0], [0], [1], [0, 0, 1, 1], [], []>, transpose_lhs_hint = false} : vector<1000x128xf32>, vector<128x384xf32>, vector<1000x384xf32> -> vector<1000x384xf32>
    %get3A_34 = arith.constant 0 : index
    %get3A_35 = arith.constant 0 : index
    %get3A_36 = vector.load %arg6[%get3A_34, %get3A_35] : memref<1x384xf32, #tpu.memory_space<vmem>>, vector<1x384xf32>
    %add3A_37 = vector.broadcast %get3A_36 : vector<1x384xf32> to vector<1000x384xf32>
    %add3A_38 = arith.addf %dot_general3A_33, %add3A_37 : vector<1000x384xf32>
    %get3A_39 = arith.constant 0 : index
    %get3A_40 = arith.constant 0 : index
    %get3A_41 = vector.load %arg5[%get3A_39, %get3A_40] : memref<128x384xf32, #tpu.memory_space<vmem>>, vector<128x384xf32>
    %dot_general3A_42 = arith.constant dense<0.000000e+00> : vector<1000x384xf32>
    %dot_general3A_43 = tpu.matmul %get3A_29, %get3A_41, %dot_general3A_42 {dimension_numbers = #tpu.dot_dimension_numbers<[1], [0], [0], [1], [0, 0, 1, 1], [], []>, transpose_lhs_hint = false} : vector<1000x128xf32>, vector<128x384xf32>, vector<1000x384xf32> -> vector<1000x384xf32>
    %get3A_44 = arith.constant 0 : index
    %get3A_45 = arith.constant 0 : index
    %get3A_46 = vector.load %arg7[%get3A_44, %get3A_45] : memref<1x384xf32, #tpu.memory_space<vmem>>, vector<1x384xf32>
    %add3A_47 = vector.broadcast %get3A_46 : vector<1x384xf32> to vector<1000x384xf32>
    %add3A_48 = arith.addf %dot_general3A_43, %add3A_47 : vector<1000x384xf32>
    %slice3A = vector.extract_strided_slice %add3A_38 {offsets = [0, 0], sizes = [1000, 128], strides = [1, 1]} : vector<1000x384xf32> to vector<1000x128xf32>
    %slice3A_49 = vector.extract_strided_slice %add3A_48 {offsets = [0, 0], sizes = [1000, 128], strides = [1, 1]} : vector<1000x384xf32> to vector<1000x128xf32>
    %add3A_50 = arith.addf %slice3A, %slice3A_49 : vector<1000x128xf32>
    %logistic3A = arith.negf %add3A_50 : vector<1000x128xf32>
    %logistic3A_51 = math.exp %logistic3A : vector<1000x128xf32>
    %logistic3A_52 = arith.constant 1.000000e+00 : f32
    %logistic3A_53 = vector.broadcast %logistic3A_52 : f32 to vector<1000x128xf32>
    %logistic3A_54 = arith.addf %logistic3A_53, %logistic3A_51 : vector<1000x128xf32>
    %logistic3A_55 = arith.divf %logistic3A_53, %logistic3A_54 : vector<1000x128xf32>
    %slice3A_56 = vector.extract_strided_slice %add3A_38 {offsets = [0, 128], sizes = [1000, 128], strides = [1, 1]} : vector<1000x384xf32> to vector<1000x128xf32>
    %slice3A_57 = vector.extract_strided_slice %add3A_48 {offsets = [0, 128], sizes = [1000, 128], strides = [1, 1]} : vector<1000x384xf32> to vector<1000x128xf32>
    %add3A_58 = arith.addf %slice3A_56, %slice3A_57 : vector<1000x128xf32>
    %logistic3A_59 = arith.negf %add3A_58 : vector<1000x128xf32>
    %logistic3A_60 = math.exp %logistic3A_59 : vector<1000x128xf32>
    %logistic3A_61 = arith.constant 1.000000e+00 : f32
    %logistic3A_62 = vector.broadcast %logistic3A_61 : f32 to vector<1000x128xf32>
    %logistic3A_63 = arith.addf %logistic3A_62, %logistic3A_60 : vector<1000x128xf32>
    %logistic3A_64 = arith.divf %logistic3A_62, %logistic3A_63 : vector<1000x128xf32>
    %slice3A_65 = vector.extract_strided_slice %add3A_38 {offsets = [0, 256], sizes = [1000, 128], strides = [1, 1]} : vector<1000x384xf32> to vector<1000x128xf32>
    %slice3A_66 = vector.extract_strided_slice %add3A_48 {offsets = [0, 256], sizes = [1000, 128], strides = [1, 1]} : vector<1000x384xf32> to vector<1000x128xf32>
    %mul3A = arith.mulf %logistic3A_55, %slice3A_66 : vector<1000x128xf32>
    %add3A_67 = arith.addf %slice3A_65, %mul3A : vector<1000x128xf32>
    %tanh3A = math.tanh %add3A_67 : vector<1000x128xf32>
    %sub3A = arith.constant 1.000000e+00 : f32
    %sub3A_68 = vector.broadcast %sub3A : f32 to vector<1000x128xf32>
    %sub3A_69 = arith.subf %sub3A_68, %logistic3A_64 : vector<1000x128xf32>
    %mul3A_70 = arith.mulf %sub3A_69, %tanh3A : vector<1000x128xf32>
    %mul3A_71 = arith.mulf %logistic3A_64, %get3A_29 : vector<1000x128xf32>
    %add3A_72 = arith.addf %mul3A_70, %mul3A_71 : vector<1000x128xf32>
    %swap3A = arith.constant 0 : index
    %swap3A_73 = arith.constant 0 : index
    %swap3A_74 = vector.load %arg8[%swap3A, %swap3A_73] : memref<1000x128xf32, #tpu.memory_space<vmem>>, vector<1000x128xf32>
    tpu.vector_store %arg8[%swap3A, %swap3A_73], %add3A_72 {strides = array<i32>} : memref<1000x128xf32, #tpu.memory_space<vmem>>, vector<1000x128xf32>,
    return
  }
  func.func @transform_0(%arg0: i32) -> (i32, i32, i32) {
    %c0_i32 = arith.constant 0 : i32
    %c0_i32_0 = arith.constant 0 : i32
    %c0_i32_1 = arith.constant 0 : i32
    return %c0_i32, %arg0, %c0_i32_0 : i32, i32, i32
  }
  func.func @transform_1(%arg0: i32) -> (i32, i32, i32) {
    %c0_i32 = arith.constant 0 : i32
    %c0_i32_0 = arith.constant 0 : i32
    %c0_i32_1 = arith.constant 0 : i32
    return %c0_i32, %arg0, %c0_i32_0 : i32, i32, i32
  }
  func.func @transform_2(%arg0: i32) -> (i32, i32) {
    %c0_i32 = arith.constant 0 : i32
    %c0_i32_0 = arith.constant 0 : i32
    return %arg0, %c0_i32 : i32, i32
  }
  func.func @transform_3(%arg0: i32) -> (i32, i32) {
    %c0_i32 = arith.constant 0 : i32
    %c0_i32_0 = arith.constant 0 : i32
    %c0_i32_1 = arith.constant 0 : i32
    return %c0_i32, %c0_i32_0 : i32, i32
  }
  func.func @transform_4(%arg0: i32) -> (i32, i32) {
    %c0_i32 = arith.constant 0 : i32
    %c0_i32_0 = arith.constant 0 : i32
    %c0_i32_1 = arith.constant 0 : i32
    return %c0_i32, %c0_i32_0 : i32, i32
  }
  func.func @transform_5(%arg0: i32) -> (i32, i32) {
    %c0_i32 = arith.constant 0 : i32
    %c0_i32_0 = arith.constant 0 : i32
    %c0_i32_1 = arith.constant 0 : i32
    return %c0_i32, %c0_i32_0 : i32, i32
  }
  func.func @transform_6(%arg0: i32) -> (i32, i32) {
    %c0_i32 = arith.constant 0 : i32
    %c0_i32_0 = arith.constant 0 : i32
    %c0_i32_1 = arith.constant 0 : i32
    return %c0_i32, %c0_i32_0 : i32, i32
  }
  func.func @transform_7(%arg0: i32) -> (i32, i32) {
    %c0_i32 = arith.constant 0 : i32
    %c0_i32_0 = arith.constant 0 : i32
    return %arg0, %c0_i32 : i32, i32
  }
}

module attributes {stable_mosaic.version = 14 : i64} {
  func.func @_gru_body(%arg0: i32, %arg1: memref<2x1000x128xf32, #tpu.memory_space<vmem>>, %arg2: memref<2x1000x128xf32, #tpu.memory_space<vmem>>, %arg3: memref<1000x128xf32, #tpu.memory_space<vmem>>, %arg4: memref<128x384xf32, #tpu.memory_space<vmem>>, %arg5: memref<128x384xf32, #tpu.memory_space<vmem>>, %arg6: memref<1x384xf32, #tpu.memory_space<vmem>>, %arg7: memref<1x384xf32, #tpu.memory_space<vmem>>, %arg8: memref<1000x128xf32, #tpu.memory_space<vmem>>) attributes {dimension_semantics = [#tpu.dimension_semantics<arbitrary>], iteration_bounds = array<i64: 10>, scalar_prefetch = 0 : i64, scratch_operands = 0 : i64, tpu.core_type = #tpu.core_type<tc>, window_params = [{transform_indices = @transform_0, window_bounds = array<i64: 2, 1000, 128>}, {transform_indices = @transform_1, window_bounds = array<i64: 2, 1000, 128>}, {transform_indices = @transform_2, window_bounds = array<i64: 1000, 128>}, {pipeline_mode = #tpu.pipeline_mode<synchronous>, transform_indices = @transform_3, window_bounds = array<i64: 128, 384>}, {pipeline_mode = #tpu.pipeline_mode<synchronous>, transform_indices = @transform_4, window_bounds = array<i64: 128, 384>}, {pipeline_mode = #tpu.pipeline_mode<synchronous>, transform_indices = @transform_5, window_bounds = array<i64: 1, 384>}, {pipeline_mode = #tpu.pipeline_mode<synchronous>, transform_indices = @transform_6, window_bounds = array<i64: 1, 384>}, {transform_indices = @transform_7, window_bounds = array<i64: 1000, 128>}]} {
    %get3A = arith.constant 0 : index
    %get3A_0 = arith.constant 0 : index
    %get3A_1 = arith.constant 0 : index
    %get3A_2 = vector.load %arg2[%get3A, %get3A_0, %get3A_1] : memref<2x1000x128xf32, #tpu.memory_space<vmem>>, vector<1x1000x1xf32>
    %get3A_3 = vector.shape_cast %get3A_2 : vector<1x1000x1xf32> to vector<1000xf32>
    %get3A_4 = arith.constant 1 : index
    %get3A_5 = arith.constant 0 : index
    %get3A_6 = arith.constant 0 : index
    %get3A_7 = vector.load %arg2[%get3A_4, %get3A_5, %get3A_6] : memref<2x1000x128xf32, #tpu.memory_space<vmem>>, vector<1x1000x1xf32>
    %get3A_8 = vector.shape_cast %get3A_7 : vector<1x1000x1xf32> to vector<1000xf32>
    %add3A = arith.addf %get3A_3, %get3A_8 : vector<1000xf32>
    %eq3A = arith.constant 0.000000e+00 : f32
    %eq3A_9 = vector.broadcast %eq3A : f32 to vector<1000xf32>
    %eq3A_10 = arith.cmpf oeq, %add3A, %eq3A_9 : vector<1000xf32>
    %jit3A = arith.constant 1.000000e+00 : f32
    %broadcast_in_dim3A = vector.broadcast %jit3A : f32 to vector<1000xf32>
    %select_n3A = arith.select %eq3A_10, %broadcast_in_dim3A, %add3A : vector<1000xi1>, vector<1000xf32>
    %get3A_11 = arith.constant 0 : index
    %get3A_12 = arith.constant 0 : index
    %get3A_13 = arith.constant 0 : index
    %get3A_14 = vector.load %arg1[%get3A_11, %get3A_12, %get3A_13] : memref<2x1000x128xf32, #tpu.memory_space<vmem>>, vector<1x1000x128xf32>
    %get3A_15 = vector.shape_cast %get3A_14 : vector<1x1000x128xf32> to vector<1000x128xf32>
    %get3A_16 = arith.constant 1 : index
    %get3A_17 = arith.constant 0 : index
    %get3A_18 = arith.constant 0 : index
    %get3A_19 = vector.load %arg1[%get3A_16, %get3A_17, %get3A_18] : memref<2x1000x128xf32, #tpu.memory_space<vmem>>, vector<1x1000x128xf32>
    %get3A_20 = vector.shape_cast %get3A_19 : vector<1x1000x128xf32> to vector<1000x128xf32>
    %add3A_21 = arith.addf %get3A_15, %get3A_20 : vector<1000x128xf32>
    %broadcast_in_dim3A_22 = vector.shape_cast %select_n3A : vector<1000xf32> to vector<1000x1xf32>
    %div3A = vector.broadcast %broadcast_in_dim3A_22 : vector<1000x1xf32> to vector<1000x128xf32>
    %div3A_23 = arith.divf %add3A_21, %div3A : vector<1000x128xf32>
    %add3A_24 = arith.constant 9.99999993E-9 : f32
    %add3A_25 = vector.broadcast %add3A_24 : f32 to vector<1000x128xf32>
    %add3A_26 = arith.addf %div3A_23, %add3A_25 : vector<1000x128xf32>
    %get3A_27 = arith.constant 0 : index
    %get3A_28 = arith.constant 0 : index
    %get3A_29 = vector.load %arg3[%get3A_27, %get3A_28] : memref<1000x128xf32, #tpu.memory_space<vmem>>, vector<1000x128xf32>
    %get3A_30 = arith.constant 0 : index
    %get3A_31 = arith.constant 0 : index
    %get3A_32 = vector.load %arg4[%get3A_30, %get3A_31] : memref<128x384xf32, #tpu.memory_space<vmem>>, vector<128x384xf32>
    %dot_general3A = arith.constant dense<0.000000e+00> : vector<1000x384xf32>
    %dot_general3A_33 = tpu.matmul %add3A_26, %get3A_32, %dot_general3A {dimension_numbers = #tpu.dot_dimension_numbers<[1], [0], [0], [1], [0, 0, 1, 1], [], []>, transpose_lhs_hint = false} : vector<1000x128xf32>, vector<128x384xf32>, vector<1000x384xf32> -> vector<1000x384xf32>
    %get3A_34 = arith.constant 0 : index
    %get3A_35 = arith.constant 0 : index
    %get3A_36 = vector.load %arg6[%get3A_34, %get3A_35] : memref<1x384xf32, #tpu.memory_space<vmem>>, vector<1x384xf32>
    %add3A_37 = vector.broadcast %get3A_36 : vector<1x384xf32> to vector<1000x384xf32>
    %add3A_38 = arith.addf %dot_general3A_33, %add3A_37 : vector<1000x384xf32>
    %get3A_39 = arith.constant 0 : index
    %get3A_40 = arith.constant 0 : index
    %get3A_41 = vector.load %arg5[%get3A_39, %get3A_40] : memref<128x384xf32, #tpu.memory_space<vmem>>, vector<128x384xf32>
    %dot_general3A_42 = arith.constant dense<0.000000e+00> : vector<1000x384xf32>
    %dot_general3A_43 = tpu.matmul %get3A_29, %get3A_41, %dot_general3A_42 {dimension_numbers = #tpu.dot_dimension_numbers<[1], [0], [0], [1], [0, 0, 1, 1], [], []>, transpose_lhs_hint = false} : vector<1000x128xf32>, vector<128x384xf32>, vector<1000x384xf32> -> vector<1000x384xf32>
    %get3A_44 = arith.constant 0 : index
    %get3A_45 = arith.constant 0 : index
    %get3A_46 = vector.load %arg7[%get3A_44, %get3A_45] : memref<1x384xf32, #tpu.memory_space<vmem>>, vector<1x384xf32>
    %add3A_47 = vector.broadcast %get3A_46 : vector<1x384xf32> to vector<1000x384xf32>
    %add3A_48 = arith.addf %dot_general3A_43, %add3A_47 : vector<1000x384xf32>
    %slice3A = vector.extract_strided_slice %add3A_38 {offsets = [0, 0], sizes = [1000, 128], strides = [1, 1]} : vector<1000x384xf32> to vector<1000x128xf32>
    %slice3A_49 = vector.extract_strided_slice %add3A_48 {offsets = [0, 0], sizes = [1000, 128], strides = [1, 1]} : vector<1000x384xf32> to vector<1000x128xf32>
    %add3A_50 = arith.addf %slice3A, %slice3A_49 : vector<1000x128xf32>
    %logistic3A = arith.negf %add3A_50 : vector<1000x128xf32>
    %logistic3A_51 = math.exp %logistic3A : vector<1000x128xf32>
    %logistic3A_52 = arith.constant 1.000000e+00 : f32
    %logistic3A_53 = vector.broadcast %logistic3A_52 : f32 to vector<1000x128xf32>
    %logistic3A_54 = arith.addf %logistic3A_53, %logistic3A_51 : vector<1000x128xf32>
    %logistic3A_55 = arith.divf %logistic3A_53, %logistic3A_54 : vector<1000x128xf32>
    %slice3A_56 = vector.extract_strided_slice %add3A_38 {offsets = [0, 128], sizes = [1000, 128], strides = [1, 1]} : vector<1000x384xf32> to vector<1000x128xf32>
    %slice3A_57 = vector.extract_strided_slice %add3A_48 {offsets = [0, 128], sizes = [1000, 128], strides = [1, 1]} : vector<1000x384xf32> to vector<1000x128xf32>
    %add3A_58 = arith.addf %slice3A_56, %slice3A_57 : vector<1000x128xf32>
    %logistic3A_59 = arith.negf %add3A_58 : vector<1000x128xf32>
    %logistic3A_60 = math.exp %logistic3A_59 : vector<1000x128xf32>
    %logistic3A_61 = arith.constant 1.000000e+00 : f32
    %logistic3A_62 = vector.broadcast %logistic3A_61 : f32 to vector<1000x128xf32>
    %logistic3A_63 = arith.addf %logistic3A_62, %logistic3A_60 : vector<1000x128xf32>
    %logistic3A_64 = arith.divf %logistic3A_62, %logistic3A_63 : vector<1000x128xf32>
    %slice3A_65 = vector.extract_strided_slice %add3A_38 {offsets = [0, 256], sizes = [1000, 128], strides = [1, 1]} : vector<1000x384xf32> to vector<1000x128xf32>
    %slice3A_66 = vector.extract_strided_slice %add3A_48 {offsets = [0, 256], sizes = [1000, 128], strides = [1, 1]} : vector<1000x384xf32> to vector<1000x128xf32>
    %mul3A = arith.mulf %logistic3A_55, %slice3A_66 : vector<1000x128xf32>
    %add3A_67 = arith.addf %slice3A_65, %mul3A : vector<1000x128xf32>
    %tanh3A = math.tanh %add3A_67 : vector<1000x128xf32>
    %sub3A = arith.constant 1.000000e+00 : f32
    %sub3A_68 = vector.broadcast %sub3A : f32 to vector<1000x128xf32>
    %sub3A_69 = arith.subf %sub3A_68, %logistic3A_64 : vector<1000x128xf32>
    %mul3A_70 = arith.mulf %sub3A_69, %tanh3A : vector<1000x128xf32>
    %mul3A_71 = arith.mulf %logistic3A_64, %get3A_29 : vector<1000x128xf32>
    %add3A_72 = arith.addf %mul3A_70, %mul3A_71 : vector<1000x128xf32>
    %swap3A = arith.constant 0 : index
    %swap3A_73 = arith.constant 0 : index
    %swap3A_74 = vector.load %arg8[%swap3A, %swap3A_73] : memref<1000x128xf32, #tpu.memory_space<vmem>>, vector<1000x128xf32>
    tpu.vector_store %arg8[%swap3A, %swap3A_73], %add3A_72 {strides = array<i32>} : memref<1000x128xf32, #tpu.memory_space<vmem>>, vector<1000x128xf32>,
    return
  }
  func.func @transform_0(%arg0: i32) -> (i32, i32, i32) {
    %c0_i32 = arith.constant 0 : i32
    %c0_i32_0 = arith.constant 0 : i32
    %c0_i32_1 = arith.constant 0 : i32
    return %c0_i32, %arg0, %c0_i32_0 : i32, i32, i32
  }
  func.func @transform_1(%arg0: i32) -> (i32, i32, i32) {
    %c0_i32 = arith.constant 0 : i32
    %c0_i32_0 = arith.constant 0 : i32
    %c0_i32_1 = arith.constant 0 : i32
    return %c0_i32, %arg0, %c0_i32_0 : i32, i32, i32
  }
  func.func @transform_2(%arg0: i32) -> (i32, i32) {
    %c0_i32 = arith.constant 0 : i32
    %c0_i32_0 = arith.constant 0 : i32
    return %arg0, %c0_i32 : i32, i32
  }
  func.func @transform_3(%arg0: i32) -> (i32, i32) {
    %c0_i32 = arith.constant 0 : i32
    %c0_i32_0 = arith.constant 0 : i32
    %c0_i32_1 = arith.constant 0 : i32
    return %c0_i32, %c0_i32_0 : i32, i32
  }
  func.func @transform_4(%arg0: i32) -> (i32, i32) {
    %c0_i32 = arith.constant 0 : i32
    %c0_i32_0 = arith.constant 0 : i32
    %c0_i32_1 = arith.constant 0 : i32
    return %c0_i32, %c0_i32_0 : i32, i32
  }
  func.func @transform_5(%arg0: i32) -> (i32, i32) {
    %c0_i32 = arith.constant 0 : i32
    %c0_i32_0 = arith.constant 0 : i32
    %c0_i32_1 = arith.constant 0 : i32
    return %c0_i32, %c0_i32_0 : i32, i32
  }
  func.func @transform_6(%arg0: i32) -> (i32, i32) {
    %c0_i32 = arith.constant 0 : i32
    %c0_i32_0 = arith.constant 0 : i32
    %c0_i32_1 = arith.constant 0 : i32
    return %c0_i32, %c0_i32_0 : i32, i32
  }
  func.func @transform_7(%arg0: i32) -> (i32, i32) {
    %c0_i32 = arith.constant 0 : i32
    %c0_i32_0 = arith.constant 0 : i32
    return %arg0, %c0_i32 : i32, i32
  }
}

</mosaic_0001>

<sc_bundles>
// kernel: kernel.12.cloned.1.call-start
scs
__scs_entry_jumppad:
0x0: {  	(pc) =	sbr.rel $0x88, $3  }
0x1: {  	(tag) =	ssettag $0x0;
	lr =	simm.s32 $0x1  }
0x2: {  	[smem:$0x3F99] =	sst lr;
	_ =	strace $0xD0000000  }
0x3: {  	_ = 	snop  }
0x4: {  	_ = 	snop  }
0x5: {  	_ = 	snop  }
0x6: {  	_ = 	snop  }
0x7: {  	_ = 	snop  }
__scs_overlays_trampoline_lowered:
0x8: {  	[smem:$0x3FA8] =	sst s0  }
0x9: {  	[smem:$0x3FA9] =	sst s1  }
0xa: {  	[smem:$0x3FAA] =	sst s2  }
0xb: {  	[smem:$0x3FAB] =	sst s3  }
0xc: {  	[smem:$0x3FAC] =	sst s4  }
0xd: {  	[smem:$0x3FAD] =	sst s5  }
0xe: {  	[smem:$0x3FAE] =	sst s6  }
0xf: {  	[smem:$0x3FAF] =	sst s7  }
0x10: {  	[smem:$0x3FB0] =	sst s8  }
0x11: {  	[smem:$0x3FB1] =	sst s9;
	s0 =	simm.s32 @!p0 $0x0  }
0x12: {  	s1 =	sld [smem:$0x3F97];
	s0 =	simm.s32 @p0 $0x1  }
0x13: {  	[smem:$0x3FB2] =	sst s0;
	s0 =	simm.s32 @!p1 $0x0  }
0x14: {  	s2 =	sld [smem:$0x3F96];
	s0 =	simm.s32 @p1 $0x1  }
0x15: {  	[smem:$0x3FB3] =	sst s0;
	s0 =	simm.s32 @!p2 $0x0  }
0x16: {  	s3 =	sld [smem:$0x3FDB];
	s0 =	simm.s32 @p2 $0x1  }
0x17: {  	s4 =	simm.s32 $0x1BF5;
	[smem:$0x3FB5] =	sst s0  }
0x18: {  	s0 =	sld [smem:$0x3F98];
	_ =	swait.ge [sflag:s4], $0x0  }
0x19: {  	s7 =	sld [smem:$0x3F99]  }
0x1a: {  	s8 =	sadd.s32 $0xFFFFE003, lr  }
0x1b: {  	s9 =	sadd.s32 $0xFFFFFEF7, lr;
	s5 =	simm.s32 $0xFFFFFFFF;
	p2 =	slt.u32 s8, $0xFFFFF086  }
0x1c: {  	p1 =	slt.u32 s9, $0xF7A;
	s5 =	simm.s32 @!p2 $0x0  }
0x1d: {  	s5 =	simm.s32 @p1 $0x1;
	p0 =	seq.s32 s7, s2  }
0x1e: {  	s7 =	smul.u32 @!p0 $0xF7A, s2;
	p2 =	seq.s32 @!p0 s5, $0x0  }
0x1f: {  	s9 =	smul.u32 $0xF7A, s1;
	s8 =	simm.s32 @!p0 $0x1BF5;
	p2 =	por !p2, p0  }
0x20: {  	[sflag:s8] =	ssyncset.s32 @!p0 $0xFFFFF086;
	s6 =	sadd.s32 @!p0 s3, s7;
	s7 =	simm.s32 @!p0 $0x108  }
0x21: {  	s3 =	sadd.s32 s3, s9;
	s6 =	sadd.s32 @!p0 $0x88, s6;
	s7 =	simm.s32 @p2 $0x1082  }
0x22: {  	[simem:s7], [sflag:s8] =	dma.local @!p0 [hbm:s6], $0xF7A  }
0x23: {  	s9 =	sor.u32 $0xD0000000, s2;
	s6 =	simm.s32 $0x108;
	_ =	swait.ge @!p0 [sflag:s8], $0x0  }
0x24: {  	s3 =	sadd.s32 $0x88, s3;
	s6 =	simm.s32 @!p1 $0x1082;
	[sflag:s4] =	ssyncset.s32 $0xFFFFF086  }
0x25: {  	[simem:s6], [sflag:s4] =	dma.local [hbm:s3], $0xF7A  }
0x26: {  	[smem:$0x3F99] =	sst s1;
	(tag) =	ssettag s2;
	_ =	strace s9  }
0x27: {  	s1 =	sld [smem:$0x3FA9]  }
0x28: {  	s2 =	sld [smem:$0x3FAA]  }
0x29: {  	s4 =	sld [smem:$0x3FAC]  }
0x2a: {  	p0 =	seq.s32 s5, $0x0;
	s5 =	sld [smem:$0x3FAD]  }
0x2b: {  	s6 =	sld [smem:$0x3FAE]  }
0x2c: {  	s7 =	sld [smem:$0x3FAF]  }
0x2d: {  	s3 =	simm.s32 $0x108;
	s8 =	sld [smem:$0x3FB0]  }
0x2e: {  	s3 =	simm.s32 @!p0 $0x1082;
	s9 =	sld [smem:$0x3FB1]  }
0x2f: {  	lr =	sadd.s32 s0, s3;
	s0 =	sld [smem:$0x3FA8]  }
0x30: {  	s3 =	sld [smem:$0x3FAB]  }
0x31: {  	[smem:$0x3FB4] =	sst s10  }
0x32: {  	s10 =	sld [smem:$0x3FB2];
	_ =	sdelay $0x3  }
0x33: {  	p0 =	seq.s32 s10, $0x1;
	s10 =	sld [smem:$0x3FB4];
	_ =	sdelay $0x3  }
0x34: {  	[smem:$0x3FB4] =	sst s10  }
0x35: {  	s10 =	sld [smem:$0x3FB3];
	_ =	sdelay $0x3  }
0x36: {  	p1 =	seq.s32 s10, $0x1;
	s10 =	sld [smem:$0x3FB4];
	_ =	sdelay $0x3  }
0x37: {  	[smem:$0x3FB4] =	sst s10  }
0x38: {  	s10 =	sld [smem:$0x3FB5]  }
0x39: {  	_ = 	snop;
	(pc) =	sbr.ind lr, $3  }
0x3a: {  	_ = 	snop  }
0x3b: {  	_ = 	snop  }
0x3c: {  	p2 =	seq.s32 s10, $0x1;
	s10 =	sld [smem:$0x3FB4]  }
0x3d: {  	_ =	shalt  }
0x3e: {  	_ =	shalt  }
0x3f: {  	_ =	shalt  }
0x40: {  	_ =	shalt  }
0x41: {  	_ =	shalt  }
0x42: {  	_ =	shalt  }
0x43: {  	_ =	shalt  }
0x44: {  	_ =	shalt  }
0x45: {  	_ =	shalt  }
0x46: {  	_ =	shalt  }
0x47: {  	_ =	shalt  }
0x48: {  	_ =	shalt  }
0x49: {  	_ =	shalt  }
0x4a: {  	_ =	shalt  }
0x4b: {  	_ =	shalt  }
0x4c: {  	_ =	shalt  }
0x4d: {  	_ =	shalt  }
0x4e: {  	_ =	shalt  }
0x4f: {  	_ =	shalt  }
0x50: {  	_ =	shalt  }
0x51: {  	_ =	shalt  }
0x52: {  	_ =	shalt  }
0x53: {  	_ =	shalt  }
0x54: {  	_ =	shalt  }
0x55: {  	_ =	shalt  }
0x56: {  	_ =	shalt  }
0x57: {  	_ =	shalt  }
0x58: {  	_ =	shalt  }
0x59: {  	_ =	shalt  }
0x5a: {  	_ =	shalt  }
0x5b: {  	_ =	shalt  }
0x5c: {  	_ =	shalt  }
0x5d: {  	_ =	shalt  }
0x5e: {  	_ =	shalt  }
0x5f: {  	_ =	shalt  }
0x60: {  	_ =	shalt  }
0x61: {  	_ =	shalt  }
0x62: {  	_ =	shalt  }
0x63: {  	_ =	shalt  }
0x64: {  	_ =	shalt  }
0x65: {  	_ =	shalt  }
0x66: {  	_ =	shalt  }
0x67: {  	_ =	shalt  }
0x68: {  	_ =	shalt  }
0x69: {  	_ =	shalt  }
0x6a: {  	_ =	shalt  }
0x6b: {  	_ =	shalt  }
0x6c: {  	_ =	shalt  }
0x6d: {  	_ =	shalt  }
0x6e: {  	_ =	shalt  }
0x6f: {  	_ =	shalt  }
0x70: {  	_ =	shalt  }
0x71: {  	_ =	shalt  }
0x72: {  	_ =	shalt  }
0x73: {  	_ =	shalt  }
0x74: {  	_ =	shalt  }
0x75: {  	_ =	shalt  }
0x76: {  	_ =	shalt  }
0x77: {  	_ =	shalt  }
0x78: {  	_ =	shalt  }
0x79: {  	_ =	shalt  }
0x7a: {  	_ =	shalt  }
0x7b: {  	_ =	shalt  }
0x7c: {  	_ =	shalt  }
0x7d: {  	_ =	shalt  }
0x7e: {  	_ =	shalt  }
0x7f: {  	_ =	shalt  }
0x80: {  	_ =	shalt  }
0x81: {  	_ =	shalt  }
0x82: {  	_ =	shalt  }
0x83: {  	_ =	shalt  }
0x84: {  	_ =	shalt  }
0x85: {  	_ =	shalt  }
0x86: {  	_ =	shalt  }
0x87: {  	_ =	shalt  }
.Lfunc_end0:
.L_simem_size_0:
called_computation.1_lowered:
.L_overlay_start_0:
0x88: {  	s2 =	sld [smem:$0x3FD9]  }
0x89: {  	s3 =	sld [smem:$0x3FFE];
	_ =	sdelay $0x1  }
0x8a: {  	s1 =	srdreg.scid  }
0x8b: {  	s0 =	sand.u32 $0x1, s1  }
0x8c: {  	s17 =	sshll.u32 s0, $0xA;
	s2 =	sadd.s32 s3, s2  }
0x8d: {  	s2 =	sadd.s32 s2, s17  }
0x8e: {  	[smem:$0x3FC0] =	sst s2  }
0x8f: {  	_ = 	snop  }
0x90: {  	s18 =	sld [smem:$0x3FD0];
	(tm) =	ssettm $0x1  }
0x91: {  	s19 =	sld [smem:$0x3FFB];
	_ =	sdelay $0x3  }
0x92: {  	_ =	strace s19  }
0x93: {  	s2 =	sld [smem:$0x3FFC];
	_ =	sdelay $0x3  }
0x94: {  	_ =	strace s2  }
0x95: {  	s2 =	sld [smem:$0x3FFD];
	_ =	sdelay $0x3  }
0x96: {  	_ =	strace s2  }
0x97: {  	_ =	strace $0x8FFFFFFF  }
0x98: {  	s20 =	sld [smem:$0x3FDB];
	_ =	sdelay $0x1  }
0x99: {  	s4 =	simm.s32 $_scs_section_size  }
0x9a: {  	s5 =	simm.s32 $_size__tile_overlayer_lowered;
	s6 =	simm.s32 $_tile_overlayer_lowered  }
0x9b: {  	s7 =	simm.s32 $0x1BFF;
	s21 =	sshll.u32 s6, $0x1;
	s4 =	sadd.s32 s4, s20  }
0x9c: {  	s22 =	simm.s32 $0x0;
	s5 =	sshll.u32 s5, $0x1;
	s6 =	sadd.s32 s21, s4  }
0x9d: {  	[timem:s22], [sflag:s7] =	dma.local [hbm:s6], s5  }
0x9e: {  	_ =	swait.ge [sflag:s7], s5  }
0x9f: {  	s5 =	ssub.s32 $0x0, s5;
	[sflag:s7] =	ssyncset.done $0x0  }
0xa0: {  	[sflag:s7] =	ssyncadd.s32 s5;
	_ =	sdelay $0x1  }
0xa1: {  	s23 =	simm.s32 $0x1B8B  }
0xa2: {  	_ =	swait.ge [sflag:s23], $0x1  }
0xa3: {  	[sflag:s23] =	ssyncset.done $0x0  }
0xa4: {  	[sflag:s23] =	ssyncadd.s32 $0xFFFFFFFF  }
0xa5: {  	s5 =	sld [smem:$0x0]  }
0xa6: {  	s6 =	sand.u32 $0xFFFFFFFE, s1  }
0xa7: {  	p0 =	sne.s32 s1, s6  }
0xa8: {  	s6 =	sshll.u32 @p0 s6, $0xE  }
0xa9: {  	s6 =	sadd.s32 @p0 $0x11B8D, s6;
	s7 =	sshll.u32 @p0 s5, $0x11  }
0xaa: {  	s6 =	sor.u32 @p0 s7, s6  }
0xab: {  	[sflag:s6] =	ssyncadd.remote.s32 @p0 $0x1;
	_ =	sdelay $0x1  }
0xac: {  	s6 =	simm.s32 @p0 $0x1B8D  }
0xad: {  	_ =	swait.eq @p0 [sflag:s6], $0x1  }
0xae: {  	[sflag:s6] =	ssyncadd.s32 @p0 $0xFFFFFFFF  }
0xaf: {  	s7 =	sshll.u32 @!p0 s1, $0xE  }
0xb0: {  	s7 =	sor.u32 @!p0 $0x4000, s7;
	s6 =	simm.s32 @!p0 $0x1B8D  }
0xb1: {  	s5 =	sshll.u32 @!p0 s5, $0x11;
	s7 =	sadd.s32 @!p0 $0x11B8D, s7;
	_ =	swait.eq @!p0 [sflag:s6], $0x1  }
0xb2: {  	s5 =	sor.u32 @!p0 s5, s7;
	[sflag:s6] =	ssyncadd.s32 @!p0 $0xFFFFFFFF  }
0xb3: {  	s25 =	simm.s32 $0x1B8E;
	s24 =	sld [smem:$0x3FFE];
	[sflag:s5] =	ssyncadd.remote.s32 @!p0 $0x1  }
0xb4: {  	s26 =	simm.s32 $execute0_lowered;
	[smem:$0x3FD2] =	sst s25  }
0xb5: {  	s6 =	sshll.u32 s26, $0x1;
	_ =	strace $0x80000049;
	[dreg:$0x1] =	wrdreg $0xFFFFFFFF  }
0xb6: {  	s28 =	simm.s32 $_size_execute0_lowered;
	s4 =	sadd.s32 s4, s6;
	[dreg:$0x0] =	wrdreg $0x0  }
0xb7: {  	s6 =	sshll.u32 s28, $0x1;
	[dreg:$0x2] =	wrdreg s4  }
0xb8: {  	[dreg:$0x3] =	wrdreg s6  }
0xb9: {  	[dreg:$0x4] =	wrdreg $0xC0  }
0xba: {  	_ =	task [dreg:s22], $0x5FFFF  }
0xbb: {  	[dreg:$0x1] =	wrdreg $0xFFFFFFFF  }
0xbc: {  	[dreg:$0x0] =	wrdreg $0x60  }
0xbd: {  	[dreg:$0x2] =	wrdreg s24  }
0xbe: {  	[dreg:$0x3] =	wrdreg s18  }
0xbf: {  	[dreg:$0x4] =	wrdreg $0xC3000  }
0xc0: {  	[dreg:$0x5] =	wrdreg $0xA  }
0xc1: {  	_ =	task.clear_ibuf [dreg:s22], $0x6FFFF;
	_ =	strace $0x90000049  }
0xc2: {  	s29 =	simm.s32 $0xA;
	_ =	strace $0x8000004B  }
0xc3: {  	_ =	swait.ge [sflag:s29], $0x1  }
0xc4: {  	[sflag:s29] =	ssyncadd.s32 $0xFFFFFFFF  }
0xc5: {  	_ =	strace $0x9000004B  }
0xc6: {  	_ =	sfence  }
0xc7: {  	s30 =	sld [smem:$0x0];
	_ =	sdelay $0x2  }
0xc8: {  	s31 =	sshll.u32 s1, $0xD;
	s1 =	sshrl.u32 s1, $0x2  }
0xc9: {  	s4 =	sand.u32 $0x4000, s31;
	s1 =	sadd.s32 s1, s30  }
0xca: {  	s0 =	sor.u32 s4, s0;
	s1 =	sshll.u32 s1, $0x11  }
0xcb: {  	s0 =	sor.u32 s1, s0  }
0xcc: {  	s0 =	sadd.s32 $0x8F2B, s0  }
0xcd: {  	[sflag:s0] =	ssyncadd.remote.s32 $0x1  }
0xce: {  	_ =	sfence.sel $0xFFFF  }
0xcf: {  	[dreg:$0x0] =	wrdreg $0xFFFFFFFF;
	(pc) =	sbr.abs _section_cstart, $3  }
0xd0: {  	[dreg:$0x1] =	wrdreg $0xFFFFFFFF  }
0xd1: {  	_ =	task.clear_ibuf [dreg:s22], $0x2FFFF;
	_ =	strace $0x9FFFFFFF  }
0xd2: {  	(tm) =	ssettm $0x7FFFFFFF  }
0xd3: {  	_ =	shalt  }
tec
execute0_lowered:
.L_overlay_start_1:
0x0: {  	(tag) =	ssettag $0x1  }
0x1: {  	s0 =	rddreg [dreg:$0x0]  }
0x2: {  	s1 =	rddreg [dreg:$0x1];
	s3 =	srdreg.scid  }
0x3: {  	s2 =	rddreg [dreg:$0x2];
	s16 =	stileid.u32  }
0x4: {  	s15 =	simm.s32 $0x7;
	s17 =	simm.s32 $0x100;
	s18 =	simm.s32 $0x4300  }
0x5: {  	s19 =	simm.s32 $0x200;
	s20 =	simm.s32 $0x8300;
	s21 =	simm.s32 $0x1  }
0x6: {  	s22 =	simm.s32 $0x2;
	s23 =	simm.s32 $0x180;
	s5 =	smul.u32 $0x1F400, s16  }
0x7: {  	s28 =	simm.s32 $0x5;
	s29 =	simm.s32 $0x6;
	s8 =	smul.u32 $0x4F000, s16  }
0x8: {  	s30 =	simm.s32 $0x0;
	s7 =	sand.u32 $0x1, s3;
	s11 =	smul.u32 $0x12600, s16  }
0x9: {  	s3 =	simm.s32 $0x0;
	s14 =	smul.u32 $0x7D000, s16;
	p0 =	sgt.u32 s16, $0x9  }
0xa: {  	s16 =	simm.s32 $0x80;
	s4 =	smul.u32 $0x138800, s7;
	[smem:$0x7FF] =	sst s3  }
0xb: {  	s24 =	ssub.s32 $0x2, s7;
	s13 =	smul.u32 $0x9300, s7;
	_ =	strace $0x8000004A  }
0xc: {  	s9 =	sshrl.u32 s24, $0x1;
	s8 =	sshrl.u32 s8, $0x2;
	s31 =	sshrl.u32 s14, $0x2  }
0xd: {  	s14 =	simm.s32 $0x300;
	s5 =	sadd.s32 s5, s4;
	s4 =	sadd.s32 $0x51400, s0  }
0xe: {  	s12 =	ssub.s32 s24, s9;
	s13 =	sadd.s32 s13, s11;
	s24 =	simm.s32 $0x3  }
0xf: {  	s6 =	sshrl.u32 s5, $0x3;
	s5 =	sadd.s32 $0x2800, s0;
	s13 =	sshrl.u32 s13, $0x3  }
0x10: {  	s12 =	smax.u32 s12, $0x1;
	s0 =	sadd.s32 s6, s0;
	s6 =	sadd.s32 s8, s2  }
0x11: {  	s13 =	sadd.s32 s13, s1;
	s1 =	simm.s32 $0x280;
	s25 =	sadd.s32 $0x4000, s6  }
0x12: {  	s26 =	sadd.s32 $0x8000, s6;
	s9 =	sadd.s32 $0xC000, s6;
	s10 =	sadd.s32 $0x10000, s6  }
0x13: {  	s11 =	sadd.s32 $0x13BA00, s0;
	s0 =	sadd.s32 s31, s2;
	[dreg:$0x4] =	wrdreg s25  }
0x14: {  	[dreg:$0x5] =	wrdreg s26;
	s25 =	sshrl.u32 @!p0 s0, $0x3;
	s26 =	simm.s32 $0x4  }
.LBB2_1:
0x15: {  	[tilespmem:s14], [sflag:$0x7] =	stream.linear.gather [hbm4b:s5+s3], $0x400, $0x38;
	[tilespmem:$0x1FF00] =	vst v63  }
0x16: {  	_ =	swait.ge [sflag:s15], $0x400  }
0x17: {  	[sflag:s15] =	ssyncset.done $0x0  }
0x18: {  	s0 =	simm.s32 $0x700;
	[sflag:s15] =	ssyncadd.s32 $0xFFFFFC00  }
0x19: {  	[tilespmem:s0], [sflag:$0x7] =	stream.linear.gather [hbm4b:s5+s3], $0x400, $0x38;
	[tilespmem:$0x1FF00] =	vst v63  }
0x1a: {  	_ =	swait.ge [sflag:s15], $0x400  }
0x1b: {  	[sflag:s15] =	ssyncset.done $0x0  }
0x1c: {  	s8 =	simm.s32 $0xB00;
	[sflag:s15] =	ssyncadd.s32 $0xFFFFFC00  }
0x1d: {  	[tilespmem:s8], [sflag:$0x7] =	stream.linear.gather [hbm4b:s5+s3], $0x400, $0x38;
	[tilespmem:$0x1FF00] =	vst v63  }
0x1e: {  	_ =	swait.ge [sflag:s15], $0x400  }
0x1f: {  	[sflag:s15] =	ssyncset.done $0x0  }
0x20: {  	s7 =	simm.s32 $0xF00;
	[sflag:s15] =	ssyncadd.s32 $0xFFFFFC00  }
0x21: {  	[tilespmem:s7], [sflag:$0x7] =	stream.linear.gather [hbm4b:s5+s3], $0x400, $0x38;
	[tilespmem:$0x1FF00] =	vst v63  }
0x22: {  	_ =	swait.ge [sflag:s15], $0x400  }
0x23: {  	[sflag:s15] =	ssyncset.done $0x0  }
0x24: {  	s8 =	simm.s32 $0x1300;
	[sflag:s15] =	ssyncadd.s32 $0xFFFFFC00  }
0x25: {  	[tilespmem:s8], [sflag:$0x7] =	stream.linear.gather [hbm4b:s5+s3], $0x400, $0x38;
	[tilespmem:$0x1FF00] =	vst v63  }
0x26: {  	_ =	swait.ge [sflag:s15], $0x400  }
0x27: {  	[sflag:s15] =	ssyncset.done $0x0  }
0x28: {  	s7 =	simm.s32 $0x1700;
	[sflag:s15] =	ssyncadd.s32 $0xFFFFFC00  }
0x29: {  	[tilespmem:s7], [sflag:$0x7] =	stream.linear.gather [hbm4b:s5+s3], $0x400, $0x38;
	[tilespmem:$0x1FF00] =	vst v63  }
0x2a: {  	_ =	swait.ge [sflag:s15], $0x400  }
0x2b: {  	[sflag:s15] =	ssyncset.done $0x0  }
0x2c: {  	s8 =	simm.s32 $0x1B00;
	[sflag:s15] =	ssyncadd.s32 $0xFFFFFC00  }
0x2d: {  	[tilespmem:s8], [sflag:$0x7] =	stream.linear.gather [hbm4b:s5+s3], $0x400, $0x38;
	[tilespmem:$0x1FF00] =	vst v63  }
0x2e: {  	_ =	swait.ge [sflag:s15], $0x400  }
0x2f: {  	[sflag:s15] =	ssyncset.done $0x0  }
0x30: {  	s7 =	simm.s32 $0x1F00;
	[sflag:s15] =	ssyncadd.s32 $0xFFFFFC00  }
0x31: {  	[tilespmem:s7], [sflag:$0x7] =	stream.linear.gather [hbm4b:s5+s3], $0x400, $0x38;
	[tilespmem:$0x1FF00] =	vst v63  }
0x32: {  	_ =	swait.ge [sflag:s15], $0x400  }
0x33: {  	[sflag:s15] =	ssyncset.done $0x0  }
0x34: {  	s8 =	simm.s32 $0x2300;
	[sflag:s15] =	ssyncadd.s32 $0xFFFFFC00  }
0x35: {  	[tilespmem:s8], [sflag:$0x7] =	stream.linear.gather [hbm4b:s5+s3], $0x400, $0x38;
	[tilespmem:$0x1FF00] =	vst v63  }
0x36: {  	_ =	swait.ge [sflag:s15], $0x400  }
0x37: {  	[sflag:s15] =	ssyncset.done $0x0  }
0x38: {  	s7 =	simm.s32 $0x2700;
	[sflag:s15] =	ssyncadd.s32 $0xFFFFFC00  }
0x39: {  	[tilespmem:s7], [sflag:$0x7] =	stream.linear.gather [hbm4b:s5+s3], $0x400, $0x38;
	[tilespmem:$0x1FF00] =	vst v63  }
0x3a: {  	_ =	swait.ge [sflag:s15], $0x400  }
0x3b: {  	[sflag:s15] =	ssyncset.done $0x0  }
0x3c: {  	s8 =	simm.s32 $0x2B00;
	[sflag:s15] =	ssyncadd.s32 $0xFFFFFC00  }
0x3d: {  	[tilespmem:s8], [sflag:$0x7] =	stream.linear.gather [hbm4b:s5+s3], $0x400, $0x38;
	[tilespmem:$0x1FF00] =	vst v63  }
0x3e: {  	_ =	swait.ge [sflag:s15], $0x400  }
0x3f: {  	[sflag:s15] =	ssyncset.done $0x0  }
0x40: {  	s7 =	simm.s32 $0x2F00;
	[sflag:s15] =	ssyncadd.s32 $0xFFFFFC00  }
0x41: {  	[tilespmem:s7], [sflag:$0x7] =	stream.linear.gather [hbm4b:s5+s3], $0x400, $0x38;
	[tilespmem:$0x1FF00] =	vst v63  }
0x42: {  	_ =	swait.ge [sflag:s15], $0x400  }
0x43: {  	[sflag:s15] =	ssyncset.done $0x0  }
0x44: {  	s8 =	simm.s32 $0x3300;
	[sflag:s15] =	ssyncadd.s32 $0xFFFFFC00  }
0x45: {  	[tilespmem:s8], [sflag:$0x7] =	stream.linear.gather [hbm4b:s5+s3], $0x400, $0x38;
	[tilespmem:$0x1FF00] =	vst v63  }
0x46: {  	_ =	swait.ge [sflag:s15], $0x400  }
0x47: {  	[sflag:s15] =	ssyncset.done $0x0  }
0x48: {  	s7 =	simm.s32 $0x3700;
	[sflag:s15] =	ssyncadd.s32 $0xFFFFFC00  }
0x49: {  	[tilespmem:s7], [sflag:$0x7] =	stream.linear.gather [hbm4b:s5+s3], $0x400, $0x38;
	[tilespmem:$0x1FF00] =	vst v63  }
0x4a: {  	_ =	swait.ge [sflag:s15], $0x400  }
0x4b: {  	[sflag:s15] =	ssyncset.done $0x0  }
0x4c: {  	s8 =	simm.s32 $0x3B00;
	[sflag:s15] =	ssyncadd.s32 $0xFFFFFC00  }
0x4d: {  	[tilespmem:s8], [sflag:$0x7] =	stream.linear.gather [hbm4b:s5+s3], $0x400, $0x38;
	[tilespmem:$0x1FF00] =	vst v63  }
0x4e: {  	_ =	swait.ge [sflag:s15], $0x400  }
0x4f: {  	[sflag:s15] =	ssyncset.done $0x0  }
0x50: {  	s7 =	simm.s32 $0x3F00;
	[sflag:s15] =	ssyncadd.s32 $0xFFFFFC00  }
0x51: {  	[tilespmem:s7], [sflag:$0x7] =	stream.linear.gather [hbm4b:s5+s3], $0x400, $0x38;
	[tilespmem:$0x1FF00] =	vst v63  }
0x52: {  	_ =	swait.ge [sflag:s15], $0x400  }
0x53: {  	[sflag:s15] =	ssyncset.done $0x0  }
0x54: {  	[sflag:s15] =	ssyncadd.s32 $0xFFFFFC00  }
0x55: {  	[spmem:s6] =	stream.linear.scatter [tilespmem:s14], [sflag:$0x7], $0x4000, $0x38;
	[tilespmem:$0x1FF00] =	vst v63  }
0x56: {  	_ =	swait.ge [sflag:s15], $0x4000  }
0x57: {  	[sflag:s15] =	ssyncset.done $0x0  }
0x58: {  	s8 =	rddreg [dreg:$0x4];
	[sflag:s15] =	ssyncadd.s32 $0xFFFFC000  }
0x59: {  	[spmem:s8] =	stream.linear.scatter [tilespmem:s14], [sflag:$0x7], $0x4000, $0x38;
	[tilespmem:$0x1FF00] =	vst v63  }
0x5a: {  	_ =	swait.ge [sflag:s15], $0x4000  }
0x5b: {  	[sflag:s15] =	ssyncset.done $0x0  }
0x5c: {  	s7 =	rddreg [dreg:$0x5];
	[sflag:s15] =	ssyncadd.s32 $0xFFFFC000  }
0x5d: {  	[spmem:s7] =	stream.linear.scatter [tilespmem:s14], [sflag:$0x7], $0x4000, $0x38;
	[tilespmem:$0x1FF00] =	vst v63  }
0x5e: {  	_ =	swait.ge [sflag:s15], $0x4000  }
0x5f: {  	[sflag:s15] =	ssyncset.done $0x0  }
0x60: {  	[sflag:s15] =	ssyncadd.s32 $0xFFFFC000  }
0x61: {  	[spmem:s9] =	stream.linear.scatter [tilespmem:s14], [sflag:$0x7], $0x4000, $0x38;
	[tilespmem:$0x1FF00] =	vst v63  }
0x62: {  	_ =	swait.ge [sflag:s15], $0x4000  }
0x63: {  	[sflag:s15] =	ssyncset.done $0x0  }
0x64: {  	[sflag:s15] =	ssyncadd.s32 $0xFFFFC000  }
0x65: {  	[spmem:s10] =	stream.linear.scatter [tilespmem:s14], [sflag:$0x7], $0x3C00, $0x38;
	[tilespmem:$0x1FF00] =	vst v63  }
0x66: {  	_ =	swait.ge [sflag:s15], $0x3C00  }
0x67: {  	[sflag:s15] =	ssyncset.done $0x0  }
0x68: {  	[sflag:s15] =	ssyncadd.s32 $0xFFFFC400  }
0x69: {  	s8 =	sadd.s32 $0x0, s13;
	[bflag:$0x0] =	sbarrier.arrive $0xFFFF  }
0x6a: {  	[tilespmem:s3], [sflag:$0x7] =	stream.linear.gather [hbm4b:s8+s3], $0x300, $0x38;
	[tilespmem:$0x1FF00] =	vst v63  }
0x6b: {  	_ =	swait.ge [sflag:s15], $0x300  }
0x6c: {  	[sflag:s15] =	ssyncset.done $0x0  }
0x6d: {  	[sflag:s15] =	ssyncadd.s32 $0xFFFFFD00  }
0x6e: {  	[tilespmem:s14], [sflag:$0x1] =	stream.indirect.gather [hbm4b:s4+s16], $0x80, s3, s16, $0xb8;
	[tilespmem:$0x1FF00] =	vst v63  }
0x6f: {  	_ = 	snop  }
0x70: {  	[tilespmem:s18], [sflag:$0x2] =	stream.indirect.gather [hbm4b:s4+s16], $0x80, s17, s16, $0xb8;
	[tilespmem:$0x1FF00] =	vst v63  }
0x71: {  	_ = 	snop  }
0x72: {  	[tilespmem:s20], [sflag:$0x3] =	stream.indirect.gather [hbm4b:s4+s16], $0x80, s19, s16, $0xb8;
	[tilespmem:$0x1FF00] =	vst v63  }
0x73: {  	_ =	swait.ge [sflag:s21], $0x4000  }
0x74: {  	[sflag:s21] =	ssyncset.done $0x0  }
0x75: {  	[sflag:s21] =	ssyncadd.s32 $0xFFFFC000  }
0x76: {  	[spmem:s2] =	stream.indirect.scatter.add.f32 [tilespmem:s14], [sflag:$0x4], $0x80, s16, s16, $0xb8;
	[tilespmem:$0x1FF00] =	vst v63  }
0x77: {  	_ =	swait.ge [sflag:s22], $0x4000  }
0x78: {  	[sflag:s22] =	ssyncset.done $0x0  }
0x79: {  	[sflag:s22] =	ssyncadd.s32 $0xFFFFC000  }
0x7a: {  	[spmem:s2] =	stream.indirect.scatter.add.f32 [tilespmem:s18], [sflag:$0x5], $0x80, s23, s16, $0xb8;
	[tilespmem:$0x1FF00] =	vst v63  }
0x7b: {  	_ =	swait.ge [sflag:s24], $0x4000  }
0x7c: {  	[sflag:s24] =	ssyncset.done $0x0  }
0x7d: {  	[sflag:s24] =	ssyncadd.s32 $0xFFFFC000  }
0x7e: {  	[spmem:s2] =	stream.indirect.scatter.add.f32 [tilespmem:s20], [sflag:$0x6], $0x80, s1, s16, $0xb8;
	[tilespmem:$0x1FF00] =	vst v63  }
0x7f: {  	_ =	swait.ge [sflag:s26], $0x4000  }
0x80: {  	[sflag:s26] =	ssyncset.done $0x0  }
0x81: {  	[sflag:s26] =	ssyncadd.s32 $0xFFFFC000  }
0x82: {  	_ =	swait.ge [sflag:s28], $0x4000  }
0x83: {  	[sflag:s28] =	ssyncset.done $0x0  }
0x84: {  	[sflag:s28] =	ssyncadd.s32 $0xFFFFC000  }
0x85: {  	_ =	swait.ge [sflag:s29], $0x4000  }
0x86: {  	s31 =	simm.s32 $0x60;
	s0 =	simm.s32 $0xC0;
	[sflag:s29] =	ssyncset.done $0x0  }
.LBB2_2:
0x87: {  	s7 =	sadd.s32 s31, s13  }
0x88: {  	[sflag:s29] =	ssyncadd.s32 $0xFFFFC000;
	s31 =	smov.u32 s0;
	s8 =	sadd.s32 $0x60, s0  }
0x89: {  	[tilespmem:s3], [sflag:$0x7] =	stream.linear.gather [hbm4b:s7+s3], $0x300, $0x38;
	[tilespmem:$0x1FF00] =	vst v63  }
0x8a: {  	p1 =	sne.s32 s0, $0x1200;
	_ =	swait.ge [sflag:s15], $0x300  }
0x8b: {  	[sflag:s15] =	ssyncset.done $0x0  }
0x8c: {  	[sflag:s15] =	ssyncadd.s32 $0xFFFFFD00  }
0x8d: {  	[tilespmem:s14], [sflag:$0x1] =	stream.indirect.gather [hbm4b:s4+s16], $0x80, s3, s16, $0xb8;
	[tilespmem:$0x1FF00] =	vst v63  }
0x8e: {  	_ = 	snop  }
0x8f: {  	[tilespmem:s18], [sflag:$0x2] =	stream.indirect.gather [hbm4b:s4+s16], $0x80, s17, s16, $0xb8;
	[tilespmem:$0x1FF00] =	vst v63  }
0x90: {  	_ = 	snop  }
0x91: {  	[tilespmem:s20], [sflag:$0x3] =	stream.indirect.gather [hbm4b:s4+s16], $0x80, s19, s16, $0xb8;
	[tilespmem:$0x1FF00] =	vst v63  }
0x92: {  	_ =	swait.ge [sflag:s21], $0x4000  }
0x93: {  	[sflag:s21] =	ssyncset.done $0x0  }
0x94: {  	[sflag:s21] =	ssyncadd.s32 $0xFFFFC000  }
0x95: {  	[spmem:s2] =	stream.indirect.scatter.add.f32 [tilespmem:s14], [sflag:$0x4], $0x80, s16, s16, $0xb8;
	[tilespmem:$0x1FF00] =	vst v63  }
0x96: {  	_ =	swait.ge [sflag:s22], $0x4000  }
0x97: {  	[sflag:s22] =	ssyncset.done $0x0  }
0x98: {  	[sflag:s22] =	ssyncadd.s32 $0xFFFFC000  }
0x99: {  	[spmem:s2] =	stream.indirect.scatter.add.f32 [tilespmem:s18], [sflag:$0x5], $0x80, s23, s16, $0xb8;
	[tilespmem:$0x1FF00] =	vst v63  }
0x9a: {  	_ =	swait.ge [sflag:s24], $0x4000  }
0x9b: {  	[sflag:s24] =	ssyncset.done $0x0  }
0x9c: {  	[sflag:s24] =	ssyncadd.s32 $0xFFFFC000  }
0x9d: {  	[spmem:s2] =	stream.indirect.scatter.add.f32 [tilespmem:s20], [sflag:$0x6], $0x80, s1, s16, $0xb8;
	[tilespmem:$0x1FF00] =	vst v63  }
0x9e: {  	_ =	swait.ge [sflag:s26], $0x4000  }
0x9f: {  	[sflag:s26] =	ssyncset.done $0x0  }
0xa0: {  	[sflag:s26] =	ssyncadd.s32 $0xFFFFC000  }
.Ltmp0:
0xa1: {  	_ =	swait.ge [sflag:s28], $0x4000;
	(pc) =	sbr.rel @p1 .LBB2_2-.Ltmp0, $4  }
0xa2: {  	[sflag:s28] =	ssyncset.done $0x0  }
0xa3: {  	[sflag:s28] =	ssyncadd.s32 $0xFFFFC000  }
0xa4: {  	_ =	swait.ge [sflag:s29], $0x4000  }
0xa5: {  	s0 =	smov.u32 s8;
	[sflag:s29] =	ssyncset.done $0x0  }
0xa6: {  	s0 =	sadd.s32 s31, s13;
	[sflag:s29] =	ssyncadd.s32 $0xFFFFC000  }
0xa7: {  	[tilespmem:s3], [sflag:$0x7] =	stream.linear.gather [hbm4b:s0+s3], $0x300, $0x38;
	[tilespmem:$0x1FF00] =	vst v63  }
0xa8: {  	_ =	swait.ge [sflag:s15], $0x300  }
0xa9: {  	[sflag:s15] =	ssyncset.done $0x0  }
0xaa: {  	[sflag:s15] =	ssyncadd.s32 $0xFFFFFD00  }
0xab: {  	[tilespmem:s14], [sflag:$0x1] =	stream.indirect.gather [hbm4b:s4+s16], $0x80, s3, s16, $0xb8;
	[tilespmem:$0x1FF00] =	vst v63  }
0xac: {  	_ = 	snop  }
0xad: {  	[tilespmem:s18], [sflag:$0x2] =	stream.indirect.gather [hbm4b:s4+s16], $0x80, s17, s16, $0xb8;
	[tilespmem:$0x1FF00] =	vst v63  }
0xae: {  	_ = 	snop  }
0xaf: {  	[tilespmem:s20], [sflag:$0x3] =	stream.indirect.gather [hbm4b:s4+s16], $0x80, s19, s16, $0xb8;
	[tilespmem:$0x1FF00] =	vst v63  }
0xb0: {  	_ =	swait.ge [sflag:s21], $0x4000  }
0xb1: {  	[sflag:s21] =	ssyncset.done $0x0  }
0xb2: {  	[sflag:s21] =	ssyncadd.s32 $0xFFFFC000  }
0xb3: {  	[spmem:s2] =	stream.indirect.scatter.add.f32 [tilespmem:s14], [sflag:$0x4], $0x80, s16, s16, $0xb8;
	[tilespmem:$0x1FF00] =	vst v63  }
0xb4: {  	_ =	swait.ge [sflag:s22], $0x4000  }
0xb5: {  	[sflag:s22] =	ssyncset.done $0x0  }
0xb6: {  	[sflag:s22] =	ssyncadd.s32 $0xFFFFC000  }
0xb7: {  	[spmem:s2] =	stream.indirect.scatter.add.f32 [tilespmem:s18], [sflag:$0x5], $0x80, s23, s16, $0xb8;
	[tilespmem:$0x1FF00] =	vst v63  }
0xb8: {  	_ =	swait.ge [sflag:s24], $0x4000  }
0xb9: {  	[sflag:s24] =	ssyncset.done $0x0  }
0xba: {  	[sflag:s24] =	ssyncadd.s32 $0xFFFFC000  }
0xbb: {  	[spmem:s2] =	stream.indirect.scatter.add.f32 [tilespmem:s20], [sflag:$0x6], $0x80, s1, s16, $0xb8;
	[tilespmem:$0x1FF00] =	vst v63  }
0xbc: {  	_ =	swait.ge [sflag:s26], $0x4000  }
0xbd: {  	[sflag:s26] =	ssyncset.done $0x0  }
0xbe: {  	[sflag:s26] =	ssyncadd.s32 $0xFFFFC000  }
0xbf: {  	_ =	swait.ge [sflag:s28], $0x4000  }
0xc0: {  	[sflag:s28] =	ssyncset.done $0x0  }
0xc1: {  	[sflag:s28] =	ssyncadd.s32 $0xFFFFC000  }
0xc2: {  	_ =	swait.ge [sflag:s29], $0x4000  }
0xc3: {  	s0 =	stileid.u32;
	[sflag:s29] =	ssyncset.done $0x0  }
0xc4: {  	s30 =	sadd.s32 $0x1, s30;
	s0 =	sshll.u32 @!p0 s0, $0x6;
	[sflag:s29] =	ssyncadd.s32 $0xFFFFC000  }
0xc5: {  	p1 =	sne.s32 s30, s12;
	s0 =	sor.u32 @!p0 $0x1C07, s0;
	[bflag:$0x0] =	sbarrier.arrive $0xFFFF  }
0xc6: {  	[hbm:s11], [sflag:s0] =	dma.local @!p0 [spmem:s25], $0x3E80  }
.Ltmp1:
0xc7: {  	_ = 	snop;
	(pc) =	sbr.rel @p1 .LBB2_1-.Ltmp1, $4  }
0xc8: {  	s0 =	simm.s32 @!p0 $0x7  }
0xc9: {  	_ =	swait.ge @!p0 [sflag:s0], $0x3E80  }
0xca: {  	[sflag:s0] =	ssyncset.done @!p0 $0x0  }
0xcb: {  	[sflag:s0] =	ssyncadd.s32 @!p0 $0xFFFFC180  }
0xcc: {  	_ =	sfence.sel $0x180000  }
0xcd: {  	[bflag:$0x0] =	sbarrier.arrive $0xFFFF  }
0xce: {  	_ =	strace $0x9000004A  }
0xcf: {  	s0 =	stileid.u32;
	[bflag:$0x2] =	sbarrier.arrive $0xFFFF  }
0xd0: {  	p0 =	sne.s32 s0, $0x0;
	s0 =	rddreg [dreg:$0x3]  }
0xd1: {  	s0 =	sadd.s32 @!p0 $0x100000, s0  }
0xd2: {  	[sflag:s0] =	ssyncadd.tile.s32 @!p0 $0x1;
	_ =	shalt  }
.Lfunc_end2:
_tile_overlayer_lowered:
.L_overlay_start_2:
0xd3: {  	(tag) =	ssettag $0x2  }
0xd4: {  	s0 =	rddreg [dreg:$0x0];
	s2 =	stileid.u32  }
0xd5: {  	s1 =	rddreg [dreg:$0x1];
	p0 =	sne.s32 s2, $0x0  }
0xd6: {  	s3 =	rddreg [dreg:$0x2];
	[bflag:$0x3] =	sbarrier.arrive $0xFFFF;
	s2 =	simm.s32 @!p0 $0x1C07  }
0xd7: {  	[timem:s3], [sflag:s2] =	dma.local @!p0 [hbm:s0], s1  }
0xd8: {  	s0 =	simm.s32 @!p0 $0x7  }
0xd9: {  	_ =	swait.ge @!p0 [sflag:s0], s1  }
0xda: {  	s1 =	ssub.s32 @!p0 $0x0, s1;
	[sflag:s0] =	ssyncset.done @!p0 $0x0  }
0xdb: {  	[sflag:s0] =	ssyncadd.s32 @!p0 s1  }
0xdc: {  	[bflag:$0x3] =	sbarrier.arrive $0xFFFF  }
0xdd: {  	_ =	shalt  }

// kernel: kernel.15.cloned.1.call-start
scs
__scs_entry_jumppad:
0x0: {  	(pc) =	sbr.rel $0x88, $3  }
0x1: {  	(tag) =	ssettag $0x0;
	lr =	simm.s32 $0x1  }
0x2: {  	[smem:$0x3F99] =	sst lr;
	_ =	strace $0xD0000000  }
0x3: {  	_ = 	snop  }
0x4: {  	_ = 	snop  }
0x5: {  	_ = 	snop  }
0x6: {  	_ = 	snop  }
0x7: {  	_ = 	snop  }
__scs_overlays_trampoline_lowered:
0x8: {  	[smem:$0x3FA8] =	sst s0  }
0x9: {  	[smem:$0x3FA9] =	sst s1  }
0xa: {  	[smem:$0x3FAA] =	sst s2  }
0xb: {  	[smem:$0x3FAB] =	sst s3  }
0xc: {  	[smem:$0x3FAC] =	sst s4  }
0xd: {  	[smem:$0x3FAD] =	sst s5  }
0xe: {  	[smem:$0x3FAE] =	sst s6  }
0xf: {  	[smem:$0x3FAF] =	sst s7  }
0x10: {  	[smem:$0x3FB0] =	sst s8  }
0x11: {  	[smem:$0x3FB1] =	sst s9;
	s0 =	simm.s32 @!p0 $0x0  }
0x12: {  	s1 =	sld [smem:$0x3F97];
	s0 =	simm.s32 @p0 $0x1  }
0x13: {  	[smem:$0x3FB2] =	sst s0;
	s0 =	simm.s32 @!p1 $0x0  }
0x14: {  	s2 =	sld [smem:$0x3F96];
	s0 =	simm.s32 @p1 $0x1  }
0x15: {  	[smem:$0x3FB3] =	sst s0;
	s0 =	simm.s32 @!p2 $0x0  }
0x16: {  	s3 =	sld [smem:$0x3FDB];
	s0 =	simm.s32 @p2 $0x1  }
0x17: {  	s4 =	simm.s32 $0x1BF5;
	[smem:$0x3FB5] =	sst s0  }
0x18: {  	s0 =	sld [smem:$0x3F98];
	_ =	swait.ge [sflag:s4], $0x0  }
0x19: {  	s7 =	sld [smem:$0x3F99]  }
0x1a: {  	s8 =	sadd.s32 $0xFFFFE003, lr  }
0x1b: {  	s9 =	sadd.s32 $0xFFFFFEF7, lr;
	s5 =	simm.s32 $0xFFFFFFFF;
	p2 =	slt.u32 s8, $0xFFFFF086  }
0x1c: {  	p1 =	slt.u32 s9, $0xF7A;
	s5 =	simm.s32 @!p2 $0x0  }
0x1d: {  	s5 =	simm.s32 @p1 $0x1;
	p0 =	seq.s32 s7, s2  }
0x1e: {  	s7 =	smul.u32 @!p0 $0xF7A, s2;
	p2 =	seq.s32 @!p0 s5, $0x0  }
0x1f: {  	s9 =	smul.u32 $0xF7A, s1;
	s8 =	simm.s32 @!p0 $0x1BF5;
	p2 =	por !p2, p0  }
0x20: {  	[sflag:s8] =	ssyncset.s32 @!p0 $0xFFFFF086;
	s6 =	sadd.s32 @!p0 s3, s7;
	s7 =	simm.s32 @!p0 $0x108  }
0x21: {  	s3 =	sadd.s32 s3, s9;
	s6 =	sadd.s32 @!p0 $0x88, s6;
	s7 =	simm.s32 @p2 $0x1082  }
0x22: {  	[simem:s7], [sflag:s8] =	dma.local @!p0 [hbm:s6], $0xF7A  }
0x23: {  	s9 =	sor.u32 $0xD0000000, s2;
	s6 =	simm.s32 $0x108;
	_ =	swait.ge @!p0 [sflag:s8], $0x0  }
0x24: {  	s3 =	sadd.s32 $0x88, s3;
	s6 =	simm.s32 @!p1 $0x1082;
	[sflag:s4] =	ssyncset.s32 $0xFFFFF086  }
0x25: {  	[simem:s6], [sflag:s4] =	dma.local [hbm:s3], $0xF7A  }
0x26: {  	[smem:$0x3F99] =	sst s1;
	(tag) =	ssettag s2;
	_ =	strace s9  }
0x27: {  	s1 =	sld [smem:$0x3FA9]  }
0x28: {  	s2 =	sld [smem:$0x3FAA]  }
0x29: {  	s4 =	sld [smem:$0x3FAC]  }
0x2a: {  	p0 =	seq.s32 s5, $0x0;
	s5 =	sld [smem:$0x3FAD]  }
0x2b: {  	s6 =	sld [smem:$0x3FAE]  }
0x2c: {  	s7 =	sld [smem:$0x3FAF]  }
0x2d: {  	s3 =	simm.s32 $0x108;
	s8 =	sld [smem:$0x3FB0]  }
0x2e: {  	s3 =	simm.s32 @!p0 $0x1082;
	s9 =	sld [smem:$0x3FB1]  }
0x2f: {  	lr =	sadd.s32 s0, s3;
	s0 =	sld [smem:$0x3FA8]  }
0x30: {  	s3 =	sld [smem:$0x3FAB]  }
0x31: {  	[smem:$0x3FB4] =	sst s10  }
0x32: {  	s10 =	sld [smem:$0x3FB2];
	_ =	sdelay $0x3  }
0x33: {  	p0 =	seq.s32 s10, $0x1;
	s10 =	sld [smem:$0x3FB4];
	_ =	sdelay $0x3  }
0x34: {  	[smem:$0x3FB4] =	sst s10  }
0x35: {  	s10 =	sld [smem:$0x3FB3];
	_ =	sdelay $0x3  }
0x36: {  	p1 =	seq.s32 s10, $0x1;
	s10 =	sld [smem:$0x3FB4];
	_ =	sdelay $0x3  }
0x37: {  	[smem:$0x3FB4] =	sst s10  }
0x38: {  	s10 =	sld [smem:$0x3FB5]  }
0x39: {  	_ = 	snop;
	(pc) =	sbr.ind lr, $3  }
0x3a: {  	_ = 	snop  }
0x3b: {  	_ = 	snop  }
0x3c: {  	p2 =	seq.s32 s10, $0x1;
	s10 =	sld [smem:$0x3FB4]  }
0x3d: {  	_ =	shalt  }
0x3e: {  	_ =	shalt  }
0x3f: {  	_ =	shalt  }
0x40: {  	_ =	shalt  }
0x41: {  	_ =	shalt  }
0x42: {  	_ =	shalt  }
0x43: {  	_ =	shalt  }
0x44: {  	_ =	shalt  }
0x45: {  	_ =	shalt  }
0x46: {  	_ =	shalt  }
0x47: {  	_ =	shalt  }
0x48: {  	_ =	shalt  }
0x49: {  	_ =	shalt  }
0x4a: {  	_ =	shalt  }
0x4b: {  	_ =	shalt  }
0x4c: {  	_ =	shalt  }
0x4d: {  	_ =	shalt  }
0x4e: {  	_ =	shalt  }
0x4f: {  	_ =	shalt  }
0x50: {  	_ =	shalt  }
0x51: {  	_ =	shalt  }
0x52: {  	_ =	shalt  }
0x53: {  	_ =	shalt  }
0x54: {  	_ =	shalt  }
0x55: {  	_ =	shalt  }
0x56: {  	_ =	shalt  }
0x57: {  	_ =	shalt  }
0x58: {  	_ =	shalt  }
0x59: {  	_ =	shalt  }
0x5a: {  	_ =	shalt  }
0x5b: {  	_ =	shalt  }
0x5c: {  	_ =	shalt  }
0x5d: {  	_ =	shalt  }
0x5e: {  	_ =	shalt  }
0x5f: {  	_ =	shalt  }
0x60: {  	_ =	shalt  }
0x61: {  	_ =	shalt  }
0x62: {  	_ =	shalt  }
0x63: {  	_ =	shalt  }
0x64: {  	_ =	shalt  }
0x65: {  	_ =	shalt  }
0x66: {  	_ =	shalt  }
0x67: {  	_ =	shalt  }
0x68: {  	_ =	shalt  }
0x69: {  	_ =	shalt  }
0x6a: {  	_ =	shalt  }
0x6b: {  	_ =	shalt  }
0x6c: {  	_ =	shalt  }
0x6d: {  	_ =	shalt  }
0x6e: {  	_ =	shalt  }
0x6f: {  	_ =	shalt  }
0x70: {  	_ =	shalt  }
0x71: {  	_ =	shalt  }
0x72: {  	_ =	shalt  }
0x73: {  	_ =	shalt  }
0x74: {  	_ =	shalt  }
0x75: {  	_ =	shalt  }
0x76: {  	_ =	shalt  }
0x77: {  	_ =	shalt  }
0x78: {  	_ =	shalt  }
0x79: {  	_ =	shalt  }
0x7a: {  	_ =	shalt  }
0x7b: {  	_ =	shalt  }
0x7c: {  	_ =	shalt  }
0x7d: {  	_ =	shalt  }
0x7e: {  	_ =	shalt  }
0x7f: {  	_ =	shalt  }
0x80: {  	_ =	shalt  }
0x81: {  	_ =	shalt  }
0x82: {  	_ =	shalt  }
0x83: {  	_ =	shalt  }
0x84: {  	_ =	shalt  }
0x85: {  	_ =	shalt  }
0x86: {  	_ =	shalt  }
0x87: {  	_ =	shalt  }
.Lfunc_end0:
.L_simem_size_0:
called_computation.2_lowered:
.L_overlay_start_0:
0x88: {  	s2 =	sld [smem:$0x3FD9]  }
0x89: {  	s3 =	sld [smem:$0x3FFE];
	_ =	sdelay $0x1  }
0x8a: {  	s1 =	srdreg.scid  }
0x8b: {  	s0 =	sand.u32 $0x1, s1  }
0x8c: {  	s17 =	sshll.u32 s0, $0xA;
	s2 =	sadd.s32 s3, s2  }
0x8d: {  	s2 =	sadd.s32 s2, s17  }
0x8e: {  	[smem:$0x3FC0] =	sst s2  }
0x8f: {  	_ = 	snop  }
0x90: {  	s2 =	sld [smem:$0x3FD0];
	(tm) =	ssettm $0x1  }
0x91: {  	s18 =	sld [smem:$0x3FFB];
	_ =	sdelay $0x3  }
0x92: {  	_ =	strace s18  }
0x93: {  	s3 =	sld [smem:$0x3FFC];
	_ =	sdelay $0x3  }
0x94: {  	_ =	strace s3  }
0x95: {  	s3 =	sld [smem:$0x3FFD];
	_ =	sdelay $0x3  }
0x96: {  	_ =	strace s3  }
0x97: {  	_ =	strace $0x8FFFFFFF  }
0x98: {  	s19 =	sld [smem:$0x3FDB];
	_ =	sdelay $0x1  }
0x99: {  	s4 =	simm.s32 $_scs_section_size  }
0x9a: {  	s5 =	simm.s32 $_size__tile_overlayer_lowered;
	s6 =	simm.s32 $_tile_overlayer_lowered  }
0x9b: {  	s22 =	simm.s32 $0x1BFF;
	s21 =	sshll.u32 s6, $0x1;
	s3 =	sadd.s32 s4, s19  }
0x9c: {  	s7 =	simm.s32 $0x0;
	s20 =	sshll.u32 s5, $0x1;
	s5 =	sadd.s32 s21, s3  }
0x9d: {  	[timem:s7], [sflag:s22] =	dma.local [hbm:s5], s20  }
0x9e: {  	_ =	swait.ge [sflag:s22], s20  }
0x9f: {  	s4 =	ssub.s32 $0x0, s20;
	[sflag:s22] =	ssyncset.done $0x0  }
0xa0: {  	[sflag:s22] =	ssyncadd.s32 s4;
	_ =	sdelay $0x1  }
0xa1: {  	s23 =	simm.s32 $0x1B8B  }
0xa2: {  	_ =	swait.ge [sflag:s23], $0x1  }
0xa3: {  	[sflag:s23] =	ssyncset.done $0x0  }
0xa4: {  	s25 =	simm.s32 $0x1B8E;
	s24 =	sld [smem:$0x3FFE];
	[sflag:s23] =	ssyncadd.s32 $0xFFFFFFFF  }
0xa5: {  	s26 =	simm.s32 $execute0_lowered;
	[smem:$0x3FD2] =	sst s25  }
0xa6: {  	s5 =	sshll.u32 s26, $0x1;
	_ =	strace $0x8000004C;
	[dreg:$0x1] =	wrdreg $0xFFFFFFFF  }
0xa7: {  	s28 =	simm.s32 $_size_execute0_lowered;
	s3 =	sadd.s32 s3, s5;
	[dreg:$0x0] =	wrdreg $0x0  }
0xa8: {  	s5 =	sshll.u32 s28, $0x1;
	[dreg:$0x2] =	wrdreg s3  }
0xa9: {  	[dreg:$0x3] =	wrdreg s5  }
0xaa: {  	[dreg:$0x4] =	wrdreg $0xC0  }
0xab: {  	_ =	task [dreg:s7], $0x5FFFF  }
0xac: {  	[dreg:$0x1] =	wrdreg $0xFFFFFFFF  }
0xad: {  	[dreg:$0x0] =	wrdreg $0x60  }
0xae: {  	[dreg:$0x2] =	wrdreg s24  }
0xaf: {  	[dreg:$0x3] =	wrdreg s2  }
0xb0: {  	[dreg:$0x4] =	wrdreg $0xC3000  }
0xb1: {  	[dreg:$0x5] =	wrdreg $0x9  }
0xb2: {  	_ =	task.clear_ibuf [dreg:s7], $0x6FFFF;
	_ =	strace $0x9000004C  }
0xb3: {  	s29 =	simm.s32 $0x9;
	_ =	strace $0x8000004E  }
0xb4: {  	_ =	swait.ge [sflag:s29], $0x1  }
0xb5: {  	[sflag:s29] =	ssyncadd.s32 $0xFFFFFFFF  }
0xb6: {  	_ =	strace $0x9000004E  }
0xb7: {  	_ =	sfence  }
0xb8: {  	s30 =	sld [smem:$0x0];
	_ =	sdelay $0x2  }
0xb9: {  	s31 =	sshll.u32 s1, $0xD;
	s1 =	sshrl.u32 s1, $0x2  }
0xba: {  	s3 =	sand.u32 $0x4000, s31;
	s1 =	sadd.s32 s1, s30  }
0xbb: {  	s0 =	sor.u32 s3, s0;
	s1 =	sshll.u32 s1, $0x11  }
0xbc: {  	s0 =	sor.u32 s1, s0  }
0xbd: {  	s0 =	sadd.s32 $0x8F2B, s0  }
0xbe: {  	[sflag:s0] =	ssyncadd.remote.s32 $0x1  }
0xbf: {  	_ =	sfence.sel $0xFFFF  }
0xc0: {  	[dreg:$0x0] =	wrdreg $0xFFFFFFFF;
	(pc) =	sbr.abs _section_cstart, $3  }
0xc1: {  	[dreg:$0x1] =	wrdreg $0xFFFFFFFF  }
0xc2: {  	_ =	task.clear_ibuf [dreg:s7], $0x2FFFF;
	_ =	strace $0x9FFFFFFF  }
0xc3: {  	(tm) =	ssettm $0x7FFFFFFF  }
tec
execute0_lowered:
.L_overlay_start_1:
0x0: {  	(tag) =	ssettag $0x1  }
0x1: {  	s0 =	rddreg [dreg:$0x0]  }
0x2: {  	s1 =	rddreg [dreg:$0x1];
	s3 =	srdreg.scid  }
0x3: {  	s2 =	rddreg [dreg:$0x2];
	s16 =	stileid.u32  }
0x4: {  	s15 =	simm.s32 $0x7;
	s17 =	simm.s32 $0x100;
	s18 =	simm.s32 $0x4300  }
0x5: {  	s19 =	simm.s32 $0x200;
	s20 =	simm.s32 $0x8300;
	s21 =	simm.s32 $0x1  }
0x6: {  	s22 =	simm.s32 $0x2;
	s23 =	simm.s32 $0x180;
	s5 =	smul.u32 $0x1F400, s16  }
0x7: {  	s28 =	simm.s32 $0x5;
	s29 =	simm.s32 $0x6;
	s8 =	smul.u32 $0x4F000, s16  }
0x8: {  	s30 =	simm.s32 $0x0;
	s7 =	sand.u32 $0x1, s3;
	s11 =	smul.u32 $0x12600, s16  }
0x9: {  	s3 =	simm.s32 $0x0;
	s14 =	smul.u32 $0x7D000, s16;
	p0 =	sgt.u32 s16, $0x9  }
0xa: {  	s16 =	simm.s32 $0x80;
	s4 =	smul.u32 $0x138800, s7;
	[smem:$0x7FF] =	sst s3  }
0xb: {  	s24 =	ssub.s32 $0x2, s7;
	s13 =	smul.u32 $0x9300, s7;
	_ =	strace $0x8000004D  }
0xc: {  	s9 =	sshrl.u32 s24, $0x1;
	s8 =	sshrl.u32 s8, $0x2;
	s31 =	sshrl.u32 s14, $0x2  }
0xd: {  	s14 =	simm.s32 $0x300;
	s5 =	sadd.s32 s5, s4;
	s4 =	sadd.s32 $0x51400, s0  }
0xe: {  	s12 =	ssub.s32 s24, s9;
	s13 =	sadd.s32 s13, s11;
	s24 =	simm.s32 $0x3  }
0xf: {  	s6 =	sshrl.u32 s5, $0x3;
	s5 =	sadd.s32 $0x2800, s0;
	s13 =	sshrl.u32 s13, $0x3  }
0x10: {  	s12 =	smax.u32 s12, $0x1;
	s0 =	sadd.s32 s6, s0;
	s6 =	sadd.s32 s8, s2  }
0x11: {  	s13 =	sadd.s32 s13, s1;
	s1 =	simm.s32 $0x280;
	s25 =	sadd.s32 $0x4000, s6  }
0x12: {  	s26 =	sadd.s32 $0x8000, s6;
	s9 =	sadd.s32 $0xC000, s6;
	s10 =	sadd.s32 $0x10000, s6  }
0x13: {  	s11 =	sadd.s32 $0x13BA00, s0;
	s0 =	sadd.s32 s31, s2;
	[dreg:$0x4] =	wrdreg s25  }
0x14: {  	[dreg:$0x5] =	wrdreg s26;
	s25 =	sshrl.u32 @!p0 s0, $0x3;
	s26 =	simm.s32 $0x4  }
.LBB2_1:
0x15: {  	[tilespmem:s14], [sflag:$0x7] =	stream.linear.gather [hbm4b:s5+s3], $0x400, $0x38;
	[tilespmem:$0x1FF00] =	vst v63  }
0x16: {  	_ =	swait.ge [sflag:s15], $0x400  }
0x17: {  	[sflag:s15] =	ssyncset.done $0x0  }
0x18: {  	s0 =	simm.s32 $0x700;
	[sflag:s15] =	ssyncadd.s32 $0xFFFFFC00  }
0x19: {  	[tilespmem:s0], [sflag:$0x7] =	stream.linear.gather [hbm4b:s5+s3], $0x400, $0x38;
	[tilespmem:$0x1FF00] =	vst v63  }
0x1a: {  	_ =	swait.ge [sflag:s15], $0x400  }
0x1b: {  	[sflag:s15] =	ssyncset.done $0x0  }
0x1c: {  	s8 =	simm.s32 $0xB00;
	[sflag:s15] =	ssyncadd.s32 $0xFFFFFC00  }
0x1d: {  	[tilespmem:s8], [sflag:$0x7] =	stream.linear.gather [hbm4b:s5+s3], $0x400, $0x38;
	[tilespmem:$0x1FF00] =	vst v63  }
0x1e: {  	_ =	swait.ge [sflag:s15], $0x400  }
0x1f: {  	[sflag:s15] =	ssyncset.done $0x0  }
0x20: {  	s7 =	simm.s32 $0xF00;
	[sflag:s15] =	ssyncadd.s32 $0xFFFFFC00  }
0x21: {  	[tilespmem:s7], [sflag:$0x7] =	stream.linear.gather [hbm4b:s5+s3], $0x400, $0x38;
	[tilespmem:$0x1FF00] =	vst v63  }
0x22: {  	_ =	swait.ge [sflag:s15], $0x400  }
0x23: {  	[sflag:s15] =	ssyncset.done $0x0  }
0x24: {  	s8 =	simm.s32 $0x1300;
	[sflag:s15] =	ssyncadd.s32 $0xFFFFFC00  }
0x25: {  	[tilespmem:s8], [sflag:$0x7] =	stream.linear.gather [hbm4b:s5+s3], $0x400, $0x38;
	[tilespmem:$0x1FF00] =	vst v63  }
0x26: {  	_ =	swait.ge [sflag:s15], $0x400  }
0x27: {  	[sflag:s15] =	ssyncset.done $0x0  }
0x28: {  	s7 =	simm.s32 $0x1700;
	[sflag:s15] =	ssyncadd.s32 $0xFFFFFC00  }
0x29: {  	[tilespmem:s7], [sflag:$0x7] =	stream.linear.gather [hbm4b:s5+s3], $0x400, $0x38;
	[tilespmem:$0x1FF00] =	vst v63  }
0x2a: {  	_ =	swait.ge [sflag:s15], $0x400  }
0x2b: {  	[sflag:s15] =	ssyncset.done $0x0  }
0x2c: {  	s8 =	simm.s32 $0x1B00;
	[sflag:s15] =	ssyncadd.s32 $0xFFFFFC00  }
0x2d: {  	[tilespmem:s8], [sflag:$0x7] =	stream.linear.gather [hbm4b:s5+s3], $0x400, $0x38;
	[tilespmem:$0x1FF00] =	vst v63  }
0x2e: {  	_ =	swait.ge [sflag:s15], $0x400  }
0x2f: {  	[sflag:s15] =	ssyncset.done $0x0  }
0x30: {  	s7 =	simm.s32 $0x1F00;
	[sflag:s15] =	ssyncadd.s32 $0xFFFFFC00  }
0x31: {  	[tilespmem:s7], [sflag:$0x7] =	stream.linear.gather [hbm4b:s5+s3], $0x400, $0x38;
	[tilespmem:$0x1FF00] =	vst v63  }
0x32: {  	_ =	swait.ge [sflag:s15], $0x400  }
0x33: {  	[sflag:s15] =	ssyncset.done $0x0  }
0x34: {  	s8 =	simm.s32 $0x2300;
	[sflag:s15] =	ssyncadd.s32 $0xFFFFFC00  }
0x35: {  	[tilespmem:s8], [sflag:$0x7] =	stream.linear.gather [hbm4b:s5+s3], $0x400, $0x38;
	[tilespmem:$0x1FF00] =	vst v63  }
0x36: {  	_ =	swait.ge [sflag:s15], $0x400  }
0x37: {  	[sflag:s15] =	ssyncset.done $0x0  }
0x38: {  	s7 =	simm.s32 $0x2700;
	[sflag:s15] =	ssyncadd.s32 $0xFFFFFC00  }
0x39: {  	[tilespmem:s7], [sflag:$0x7] =	stream.linear.gather [hbm4b:s5+s3], $0x400, $0x38;
	[tilespmem:$0x1FF00] =	vst v63  }
0x3a: {  	_ =	swait.ge [sflag:s15], $0x400  }
0x3b: {  	[sflag:s15] =	ssyncset.done $0x0  }
0x3c: {  	s8 =	simm.s32 $0x2B00;
	[sflag:s15] =	ssyncadd.s32 $0xFFFFFC00  }
0x3d: {  	[tilespmem:s8], [sflag:$0x7] =	stream.linear.gather [hbm4b:s5+s3], $0x400, $0x38;
	[tilespmem:$0x1FF00] =	vst v63  }
0x3e: {  	_ =	swait.ge [sflag:s15], $0x400  }
0x3f: {  	[sflag:s15] =	ssyncset.done $0x0  }
0x40: {  	s7 =	simm.s32 $0x2F00;
	[sflag:s15] =	ssyncadd.s32 $0xFFFFFC00  }
0x41: {  	[tilespmem:s7], [sflag:$0x7] =	stream.linear.gather [hbm4b:s5+s3], $0x400, $0x38;
	[tilespmem:$0x1FF00] =	vst v63  }
0x42: {  	_ =	swait.ge [sflag:s15], $0x400  }
0x43: {  	[sflag:s15] =	ssyncset.done $0x0  }
0x44: {  	s8 =	simm.s32 $0x3300;
	[sflag:s15] =	ssyncadd.s32 $0xFFFFFC00  }
0x45: {  	[tilespmem:s8], [sflag:$0x7] =	stream.linear.gather [hbm4b:s5+s3], $0x400, $0x38;
	[tilespmem:$0x1FF00] =	vst v63  }
0x46: {  	_ =	swait.ge [sflag:s15], $0x400  }
0x47: {  	[sflag:s15] =	ssyncset.done $0x0  }
0x48: {  	s7 =	simm.s32 $0x3700;
	[sflag:s15] =	ssyncadd.s32 $0xFFFFFC00  }
0x49: {  	[tilespmem:s7], [sflag:$0x7] =	stream.linear.gather [hbm4b:s5+s3], $0x400, $0x38;
	[tilespmem:$0x1FF00] =	vst v63  }
0x4a: {  	_ =	swait.ge [sflag:s15], $0x400  }
0x4b: {  	[sflag:s15] =	ssyncset.done $0x0  }
0x4c: {  	s8 =	simm.s32 $0x3B00;
	[sflag:s15] =	ssyncadd.s32 $0xFFFFFC00  }
0x4d: {  	[tilespmem:s8], [sflag:$0x7] =	stream.linear.gather [hbm4b:s5+s3], $0x400, $0x38;
	[tilespmem:$0x1FF00] =	vst v63  }
0x4e: {  	_ =	swait.ge [sflag:s15], $0x400  }
0x4f: {  	[sflag:s15] =	ssyncset.done $0x0  }
0x50: {  	s7 =	simm.s32 $0x3F00;
	[sflag:s15] =	ssyncadd.s32 $0xFFFFFC00  }
0x51: {  	[tilespmem:s7], [sflag:$0x7] =	stream.linear.gather [hbm4b:s5+s3], $0x400, $0x38;
	[tilespmem:$0x1FF00] =	vst v63  }
0x52: {  	_ =	swait.ge [sflag:s15], $0x400  }
0x53: {  	[sflag:s15] =	ssyncset.done $0x0  }
0x54: {  	[sflag:s15] =	ssyncadd.s32 $0xFFFFFC00  }
0x55: {  	[spmem:s6] =	stream.linear.scatter [tilespmem:s14], [sflag:$0x7], $0x4000, $0x38;
	[tilespmem:$0x1FF00] =	vst v63  }
0x56: {  	_ =	swait.ge [sflag:s15], $0x4000  }
0x57: {  	[sflag:s15] =	ssyncset.done $0x0  }
0x58: {  	s8 =	rddreg [dreg:$0x4];
	[sflag:s15] =	ssyncadd.s32 $0xFFFFC000  }
0x59: {  	[spmem:s8] =	stream.linear.scatter [tilespmem:s14], [sflag:$0x7], $0x4000, $0x38;
	[tilespmem:$0x1FF00] =	vst v63  }
0x5a: {  	_ =	swait.ge [sflag:s15], $0x4000  }
0x5b: {  	[sflag:s15] =	ssyncset.done $0x0  }
0x5c: {  	s7 =	rddreg [dreg:$0x5];
	[sflag:s15] =	ssyncadd.s32 $0xFFFFC000  }
0x5d: {  	[spmem:s7] =	stream.linear.scatter [tilespmem:s14], [sflag:$0x7], $0x4000, $0x38;
	[tilespmem:$0x1FF00] =	vst v63  }
0x5e: {  	_ =	swait.ge [sflag:s15], $0x4000  }
0x5f: {  	[sflag:s15] =	ssyncset.done $0x0  }
0x60: {  	[sflag:s15] =	ssyncadd.s32 $0xFFFFC000  }
0x61: {  	[spmem:s9] =	stream.linear.scatter [tilespmem:s14], [sflag:$0x7], $0x4000, $0x38;
	[tilespmem:$0x1FF00] =	vst v63  }
0x62: {  	_ =	swait.ge [sflag:s15], $0x4000  }
0x63: {  	[sflag:s15] =	ssyncset.done $0x0  }
0x64: {  	[sflag:s15] =	ssyncadd.s32 $0xFFFFC000  }
0x65: {  	[spmem:s10] =	stream.linear.scatter [tilespmem:s14], [sflag:$0x7], $0x3C00, $0x38;
	[tilespmem:$0x1FF00] =	vst v63  }
0x66: {  	_ =	swait.ge [sflag:s15], $0x3C00  }
0x67: {  	[sflag:s15] =	ssyncset.done $0x0  }
0x68: {  	[sflag:s15] =	ssyncadd.s32 $0xFFFFC400  }
0x69: {  	s8 =	sadd.s32 $0x0, s13;
	[bflag:$0x0] =	sbarrier.arrive $0xFFFF  }
0x6a: {  	[tilespmem:s3], [sflag:$0x7] =	stream.linear.gather [hbm4b:s8+s3], $0x300, $0x38;
	[tilespmem:$0x1FF00] =	vst v63  }
0x6b: {  	_ =	swait.ge [sflag:s15], $0x300  }
0x6c: {  	[sflag:s15] =	ssyncset.done $0x0  }
0x6d: {  	[sflag:s15] =	ssyncadd.s32 $0xFFFFFD00  }
0x6e: {  	[tilespmem:s14], [sflag:$0x1] =	stream.indirect.gather [hbm4b:s4+s16], $0x80, s3, s16, $0xb8;
	[tilespmem:$0x1FF00] =	vst v63  }
0x6f: {  	_ = 	snop  }
0x70: {  	[tilespmem:s18], [sflag:$0x2] =	stream.indirect.gather [hbm4b:s4+s16], $0x80, s17, s16, $0xb8;
	[tilespmem:$0x1FF00] =	vst v63  }
0x71: {  	_ = 	snop  }
0x72: {  	[tilespmem:s20], [sflag:$0x3] =	stream.indirect.gather [hbm4b:s4+s16], $0x80, s19, s16, $0xb8;
	[tilespmem:$0x1FF00] =	vst v63  }
0x73: {  	_ =	swait.ge [sflag:s21], $0x4000  }
0x74: {  	[sflag:s21] =	ssyncset.done $0x0  }
0x75: {  	[sflag:s21] =	ssyncadd.s32 $0xFFFFC000  }
0x76: {  	[spmem:s2] =	stream.indirect.scatter.add.f32 [tilespmem:s14], [sflag:$0x4], $0x80, s16, s16, $0xb8;
	[tilespmem:$0x1FF00] =	vst v63  }
0x77: {  	_ =	swait.ge [sflag:s22], $0x4000  }
0x78: {  	[sflag:s22] =	ssyncset.done $0x0  }
0x79: {  	[sflag:s22] =	ssyncadd.s32 $0xFFFFC000  }
0x7a: {  	[spmem:s2] =	stream.indirect.scatter.add.f32 [tilespmem:s18], [sflag:$0x5], $0x80, s23, s16, $0xb8;
	[tilespmem:$0x1FF00] =	vst v63  }
0x7b: {  	_ =	swait.ge [sflag:s24], $0x4000  }
0x7c: {  	[sflag:s24] =	ssyncset.done $0x0  }
0x7d: {  	[sflag:s24] =	ssyncadd.s32 $0xFFFFC000  }
0x7e: {  	[spmem:s2] =	stream.indirect.scatter.add.f32 [tilespmem:s20], [sflag:$0x6], $0x80, s1, s16, $0xb8;
	[tilespmem:$0x1FF00] =	vst v63  }
0x7f: {  	_ =	swait.ge [sflag:s26], $0x4000  }
0x80: {  	[sflag:s26] =	ssyncset.done $0x0  }
0x81: {  	[sflag:s26] =	ssyncadd.s32 $0xFFFFC000  }
0x82: {  	_ =	swait.ge [sflag:s28], $0x4000  }
0x83: {  	[sflag:s28] =	ssyncset.done $0x0  }
0x84: {  	[sflag:s28] =	ssyncadd.s32 $0xFFFFC000  }
0x85: {  	_ =	swait.ge [sflag:s29], $0x4000  }
0x86: {  	s31 =	simm.s32 $0x60;
	s0 =	simm.s32 $0xC0;
	[sflag:s29] =	ssyncset.done $0x0  }
.LBB2_2:
0x87: {  	s7 =	sadd.s32 s31, s13  }
0x88: {  	[sflag:s29] =	ssyncadd.s32 $0xFFFFC000;
	s31 =	smov.u32 s0;
	s8 =	sadd.s32 $0x60, s0  }
0x89: {  	[tilespmem:s3], [sflag:$0x7] =	stream.linear.gather [hbm4b:s7+s3], $0x300, $0x38;
	[tilespmem:$0x1FF00] =	vst v63  }
0x8a: {  	p1 =	sne.s32 s0, $0x1200;
	_ =	swait.ge [sflag:s15], $0x300  }
0x8b: {  	[sflag:s15] =	ssyncset.done $0x0  }
0x8c: {  	[sflag:s15] =	ssyncadd.s32 $0xFFFFFD00  }
0x8d: {  	[tilespmem:s14], [sflag:$0x1] =	stream.indirect.gather [hbm4b:s4+s16], $0x80, s3, s16, $0xb8;
	[tilespmem:$0x1FF00] =	vst v63  }
0x8e: {  	_ = 	snop  }
0x8f: {  	[tilespmem:s18], [sflag:$0x2] =	stream.indirect.gather [hbm4b:s4+s16], $0x80, s17, s16, $0xb8;
	[tilespmem:$0x1FF00] =	vst v63  }
0x90: {  	_ = 	snop  }
0x91: {  	[tilespmem:s20], [sflag:$0x3] =	stream.indirect.gather [hbm4b:s4+s16], $0x80, s19, s16, $0xb8;
	[tilespmem:$0x1FF00] =	vst v63  }
0x92: {  	_ =	swait.ge [sflag:s21], $0x4000  }
0x93: {  	[sflag:s21] =	ssyncset.done $0x0  }
0x94: {  	[sflag:s21] =	ssyncadd.s32 $0xFFFFC000  }
0x95: {  	[spmem:s2] =	stream.indirect.scatter.add.f32 [tilespmem:s14], [sflag:$0x4], $0x80, s16, s16, $0xb8;
	[tilespmem:$0x1FF00] =	vst v63  }
0x96: {  	_ =	swait.ge [sflag:s22], $0x4000  }
0x97: {  	[sflag:s22] =	ssyncset.done $0x0  }
0x98: {  	[sflag:s22] =	ssyncadd.s32 $0xFFFFC000  }
0x99: {  	[spmem:s2] =	stream.indirect.scatter.add.f32 [tilespmem:s18], [sflag:$0x5], $0x80, s23, s16, $0xb8;
	[tilespmem:$0x1FF00] =	vst v63  }
0x9a: {  	_ =	swait.ge [sflag:s24], $0x4000  }
0x9b: {  	[sflag:s24] =	ssyncset.done $0x0  }
0x9c: {  	[sflag:s24] =	ssyncadd.s32 $0xFFFFC000  }
0x9d: {  	[spmem:s2] =	stream.indirect.scatter.add.f32 [tilespmem:s20], [sflag:$0x6], $0x80, s1, s16, $0xb8;
	[tilespmem:$0x1FF00] =	vst v63  }
0x9e: {  	_ =	swait.ge [sflag:s26], $0x4000  }
0x9f: {  	[sflag:s26] =	ssyncset.done $0x0  }
0xa0: {  	[sflag:s26] =	ssyncadd.s32 $0xFFFFC000  }
.Ltmp0:
0xa1: {  	_ =	swait.ge [sflag:s28], $0x4000;
	(pc) =	sbr.rel @p1 .LBB2_2-.Ltmp0, $4  }
0xa2: {  	[sflag:s28] =	ssyncset.done $0x0  }
0xa3: {  	[sflag:s28] =	ssyncadd.s32 $0xFFFFC000  }
0xa4: {  	_ =	swait.ge [sflag:s29], $0x4000  }
0xa5: {  	s0 =	smov.u32 s8;
	[sflag:s29] =	ssyncset.done $0x0  }
0xa6: {  	s0 =	sadd.s32 s31, s13;
	[sflag:s29] =	ssyncadd.s32 $0xFFFFC000  }
0xa7: {  	[tilespmem:s3], [sflag:$0x7] =	stream.linear.gather [hbm4b:s0+s3], $0x300, $0x38;
	[tilespmem:$0x1FF00] =	vst v63  }
0xa8: {  	_ =	swait.ge [sflag:s15], $0x300  }
0xa9: {  	[sflag:s15] =	ssyncset.done $0x0  }
0xaa: {  	[sflag:s15] =	ssyncadd.s32 $0xFFFFFD00  }
0xab: {  	[tilespmem:s14], [sflag:$0x1] =	stream.indirect.gather [hbm4b:s4+s16], $0x80, s3, s16, $0xb8;
	[tilespmem:$0x1FF00] =	vst v63  }
0xac: {  	_ = 	snop  }
0xad: {  	[tilespmem:s18], [sflag:$0x2] =	stream.indirect.gather [hbm4b:s4+s16], $0x80, s17, s16, $0xb8;
	[tilespmem:$0x1FF00] =	vst v63  }
0xae: {  	_ = 	snop  }
0xaf: {  	[tilespmem:s20], [sflag:$0x3] =	stream.indirect.gather [hbm4b:s4+s16], $0x80, s19, s16, $0xb8;
	[tilespmem:$0x1FF00] =	vst v63  }
0xb0: {  	_ =	swait.ge [sflag:s21], $0x4000  }
0xb1: {  	[sflag:s21] =	ssyncset.done $0x0  }
0xb2: {  	[sflag:s21] =	ssyncadd.s32 $0xFFFFC000  }
0xb3: {  	[spmem:s2] =	stream.indirect.scatter.add.f32 [tilespmem:s14], [sflag:$0x4], $0x80, s16, s16, $0xb8;
	[tilespmem:$0x1FF00] =	vst v63  }
0xb4: {  	_ =	swait.ge [sflag:s22], $0x4000  }
0xb5: {  	[sflag:s22] =	ssyncset.done $0x0  }
0xb6: {  	[sflag:s22] =	ssyncadd.s32 $0xFFFFC000  }
0xb7: {  	[spmem:s2] =	stream.indirect.scatter.add.f32 [tilespmem:s18], [sflag:$0x5], $0x80, s23, s16, $0xb8;
	[tilespmem:$0x1FF00] =	vst v63  }
0xb8: {  	_ =	swait.ge [sflag:s24], $0x4000  }
0xb9: {  	[sflag:s24] =	ssyncset.done $0x0  }
0xba: {  	[sflag:s24] =	ssyncadd.s32 $0xFFFFC000  }
0xbb: {  	[spmem:s2] =	stream.indirect.scatter.add.f32 [tilespmem:s20], [sflag:$0x6], $0x80, s1, s16, $0xb8;
	[tilespmem:$0x1FF00] =	vst v63  }
0xbc: {  	_ =	swait.ge [sflag:s26], $0x4000  }
0xbd: {  	[sflag:s26] =	ssyncset.done $0x0  }
0xbe: {  	[sflag:s26] =	ssyncadd.s32 $0xFFFFC000  }
0xbf: {  	_ =	swait.ge [sflag:s28], $0x4000  }
0xc0: {  	[sflag:s28] =	ssyncset.done $0x0  }
0xc1: {  	[sflag:s28] =	ssyncadd.s32 $0xFFFFC000  }
0xc2: {  	_ =	swait.ge [sflag:s29], $0x4000  }
0xc3: {  	s0 =	stileid.u32;
	[sflag:s29] =	ssyncset.done $0x0  }
0xc4: {  	s30 =	sadd.s32 $0x1, s30;
	s0 =	sshll.u32 @!p0 s0, $0x6;
	[sflag:s29] =	ssyncadd.s32 $0xFFFFC000  }
0xc5: {  	p1 =	sne.s32 s30, s12;
	s0 =	sor.u32 @!p0 $0x1C07, s0;
	[bflag:$0x0] =	sbarrier.arrive $0xFFFF  }
0xc6: {  	[hbm:s11], [sflag:s0] =	dma.local @!p0 [spmem:s25], $0x3E80  }
.Ltmp1:
0xc7: {  	_ = 	snop;
	(pc) =	sbr.rel @p1 .LBB2_1-.Ltmp1, $4  }
0xc8: {  	s0 =	simm.s32 @!p0 $0x7  }
0xc9: {  	_ =	swait.ge @!p0 [sflag:s0], $0x3E80  }
0xca: {  	[sflag:s0] =	ssyncset.done @!p0 $0x0  }
0xcb: {  	[sflag:s0] =	ssyncadd.s32 @!p0 $0xFFFFC180  }
0xcc: {  	_ =	sfence.sel $0x180000  }
0xcd: {  	[bflag:$0x0] =	sbarrier.arrive $0xFFFF  }
0xce: {  	_ =	strace $0x9000004D  }
0xcf: {  	s0 =	stileid.u32;
	[bflag:$0x2] =	sbarrier.arrive $0xFFFF  }
0xd0: {  	p0 =	sne.s32 s0, $0x0;
	s0 =	rddreg [dreg:$0x3]  }
0xd1: {  	s0 =	sadd.s32 @!p0 $0x100000, s0  }
0xd2: {  	[sflag:s0] =	ssyncadd.tile.s32 @!p0 $0x1;
	_ =	shalt  }
.Lfunc_end2:
_tile_overlayer_lowered:
.L_overlay_start_2:
0xd3: {  	(tag) =	ssettag $0x2  }
0xd4: {  	s0 =	rddreg [dreg:$0x0];
	s2 =	stileid.u32  }
0xd5: {  	s1 =	rddreg [dreg:$0x1];
	p0 =	sne.s32 s2, $0x0  }
0xd6: {  	s3 =	rddreg [dreg:$0x2];
	[bflag:$0x3] =	sbarrier.arrive $0xFFFF;
	s2 =	simm.s32 @!p0 $0x1C07  }
0xd7: {  	[timem:s3], [sflag:s2] =	dma.local @!p0 [hbm:s0], s1  }
0xd8: {  	s0 =	simm.s32 @!p0 $0x7  }
0xd9: {  	_ =	swait.ge @!p0 [sflag:s0], s1  }
0xda: {  	s1 =	ssub.s32 @!p0 $0x0, s1;
	[sflag:s0] =	ssyncset.done @!p0 $0x0  }
0xdb: {  	[sflag:s0] =	ssyncadd.s32 @!p0 s1  }
0xdc: {  	[bflag:$0x3] =	sbarrier.arrive $0xFFFF  }
0xdd: {  	_ =	shalt  }

// kernel: kernel.9.cloned.1.call-start
scs
__scs_entry_jumppad:
0x0: {  	(pc) =	sbr.rel $0x88, $3  }
0x1: {  	(tag) =	ssettag $0x0;
	lr =	simm.s32 $0x1  }
0x2: {  	[smem:$0x3F99] =	sst lr;
	_ =	strace $0xD0000000  }
0x3: {  	_ = 	snop  }
0x4: {  	_ = 	snop  }
0x5: {  	_ = 	snop  }
0x6: {  	_ = 	snop  }
0x7: {  	_ = 	snop  }
__scs_overlays_trampoline_lowered:
0x8: {  	[smem:$0x3FA8] =	sst s0  }
0x9: {  	[smem:$0x3FA9] =	sst s1  }
0xa: {  	[smem:$0x3FAA] =	sst s2  }
0xb: {  	[smem:$0x3FAB] =	sst s3  }
0xc: {  	[smem:$0x3FAC] =	sst s4  }
0xd: {  	[smem:$0x3FAD] =	sst s5  }
0xe: {  	[smem:$0x3FAE] =	sst s6  }
0xf: {  	[smem:$0x3FAF] =	sst s7  }
0x10: {  	[smem:$0x3FB0] =	sst s8  }
0x11: {  	[smem:$0x3FB1] =	sst s9;
	s0 =	simm.s32 @!p0 $0x0  }
0x12: {  	s1 =	sld [smem:$0x3F97];
	s0 =	simm.s32 @p0 $0x1  }
0x13: {  	[smem:$0x3FB2] =	sst s0;
	s0 =	simm.s32 @!p1 $0x0  }
0x14: {  	s2 =	sld [smem:$0x3F96];
	s0 =	simm.s32 @p1 $0x1  }
0x15: {  	[smem:$0x3FB3] =	sst s0;
	s0 =	simm.s32 @!p2 $0x0  }
0x16: {  	s3 =	sld [smem:$0x3FDB];
	s0 =	simm.s32 @p2 $0x1  }
0x17: {  	s4 =	simm.s32 $0x1BF5;
	[smem:$0x3FB5] =	sst s0  }
0x18: {  	s0 =	sld [smem:$0x3F98];
	_ =	swait.ge [sflag:s4], $0x0  }
0x19: {  	s7 =	sld [smem:$0x3F99]  }
0x1a: {  	s8 =	sadd.s32 $0xFFFFE003, lr  }
0x1b: {  	s9 =	sadd.s32 $0xFFFFFEF7, lr;
	s5 =	simm.s32 $0xFFFFFFFF;
	p2 =	slt.u32 s8, $0xFFFFF086  }
0x1c: {  	p1 =	slt.u32 s9, $0xF7A;
	s5 =	simm.s32 @!p2 $0x0  }
0x1d: {  	s5 =	simm.s32 @p1 $0x1;
	p0 =	seq.s32 s7, s2  }
0x1e: {  	s7 =	smul.u32 @!p0 $0xF7A, s2;
	p2 =	seq.s32 @!p0 s5, $0x0  }
0x1f: {  	s9 =	smul.u32 $0xF7A, s1;
	s8 =	simm.s32 @!p0 $0x1BF5;
	p2 =	por !p2, p0  }
0x20: {  	[sflag:s8] =	ssyncset.s32 @!p0 $0xFFFFF086;
	s6 =	sadd.s32 @!p0 s3, s7;
	s7 =	simm.s32 @!p0 $0x108  }
0x21: {  	s3 =	sadd.s32 s3, s9;
	s6 =	sadd.s32 @!p0 $0x88, s6;
	s7 =	simm.s32 @p2 $0x1082  }
0x22: {  	[simem:s7], [sflag:s8] =	dma.local @!p0 [hbm:s6], $0xF7A  }
0x23: {  	s9 =	sor.u32 $0xD0000000, s2;
	s6 =	simm.s32 $0x108;
	_ =	swait.ge @!p0 [sflag:s8], $0x0  }
0x24: {  	s3 =	sadd.s32 $0x88, s3;
	s6 =	simm.s32 @!p1 $0x1082;
	[sflag:s4] =	ssyncset.s32 $0xFFFFF086  }
0x25: {  	[simem:s6], [sflag:s4] =	dma.local [hbm:s3], $0xF7A  }
0x26: {  	[smem:$0x3F99] =	sst s1;
	(tag) =	ssettag s2;
	_ =	strace s9  }
0x27: {  	s1 =	sld [smem:$0x3FA9]  }
0x28: {  	s2 =	sld [smem:$0x3FAA]  }
0x29: {  	s4 =	sld [smem:$0x3FAC]  }
0x2a: {  	p0 =	seq.s32 s5, $0x0;
	s5 =	sld [smem:$0x3FAD]  }
0x2b: {  	s6 =	sld [smem:$0x3FAE]  }
0x2c: {  	s7 =	sld [smem:$0x3FAF]  }
0x2d: {  	s3 =	simm.s32 $0x108;
	s8 =	sld [smem:$0x3FB0]  }
0x2e: {  	s3 =	simm.s32 @!p0 $0x1082;
	s9 =	sld [smem:$0x3FB1]  }
0x2f: {  	lr =	sadd.s32 s0, s3;
	s0 =	sld [smem:$0x3FA8]  }
0x30: {  	s3 =	sld [smem:$0x3FAB]  }
0x31: {  	[smem:$0x3FB4] =	sst s10  }
0x32: {  	s10 =	sld [smem:$0x3FB2];
	_ =	sdelay $0x3  }
0x33: {  	p0 =	seq.s32 s10, $0x1;
	s10 =	sld [smem:$0x3FB4];
	_ =	sdelay $0x3  }
0x34: {  	[smem:$0x3FB4] =	sst s10  }
0x35: {  	s10 =	sld [smem:$0x3FB3];
	_ =	sdelay $0x3  }
0x36: {  	p1 =	seq.s32 s10, $0x1;
	s10 =	sld [smem:$0x3FB4];
	_ =	sdelay $0x3  }
0x37: {  	[smem:$0x3FB4] =	sst s10  }
0x38: {  	s10 =	sld [smem:$0x3FB5]  }
0x39: {  	_ = 	snop;
	(pc) =	sbr.ind lr, $3  }
0x3a: {  	_ = 	snop  }
0x3b: {  	_ = 	snop  }
0x3c: {  	p2 =	seq.s32 s10, $0x1;
	s10 =	sld [smem:$0x3FB4]  }
0x3d: {  	_ =	shalt  }
0x3e: {  	_ =	shalt  }
0x3f: {  	_ =	shalt  }
0x40: {  	_ =	shalt  }
0x41: {  	_ =	shalt  }
0x42: {  	_ =	shalt  }
0x43: {  	_ =	shalt  }
0x44: {  	_ =	shalt  }
0x45: {  	_ =	shalt  }
0x46: {  	_ =	shalt  }
0x47: {  	_ =	shalt  }
0x48: {  	_ =	shalt  }
0x49: {  	_ =	shalt  }
0x4a: {  	_ =	shalt  }
0x4b: {  	_ =	shalt  }
0x4c: {  	_ =	shalt  }
0x4d: {  	_ =	shalt  }
0x4e: {  	_ =	shalt  }
0x4f: {  	_ =	shalt  }
0x50: {  	_ =	shalt  }
0x51: {  	_ =	shalt  }
0x52: {  	_ =	shalt  }
0x53: {  	_ =	shalt  }
0x54: {  	_ =	shalt  }
0x55: {  	_ =	shalt  }
0x56: {  	_ =	shalt  }
0x57: {  	_ =	shalt  }
0x58: {  	_ =	shalt  }
0x59: {  	_ =	shalt  }
0x5a: {  	_ =	shalt  }
0x5b: {  	_ =	shalt  }
0x5c: {  	_ =	shalt  }
0x5d: {  	_ =	shalt  }
0x5e: {  	_ =	shalt  }
0x5f: {  	_ =	shalt  }
0x60: {  	_ =	shalt  }
0x61: {  	_ =	shalt  }
0x62: {  	_ =	shalt  }
0x63: {  	_ =	shalt  }
0x64: {  	_ =	shalt  }
0x65: {  	_ =	shalt  }
0x66: {  	_ =	shalt  }
0x67: {  	_ =	shalt  }
0x68: {  	_ =	shalt  }
0x69: {  	_ =	shalt  }
0x6a: {  	_ =	shalt  }
0x6b: {  	_ =	shalt  }
0x6c: {  	_ =	shalt  }
0x6d: {  	_ =	shalt  }
0x6e: {  	_ =	shalt  }
0x6f: {  	_ =	shalt  }
0x70: {  	_ =	shalt  }
0x71: {  	_ =	shalt  }
0x72: {  	_ =	shalt  }
0x73: {  	_ =	shalt  }
0x74: {  	_ =	shalt  }
0x75: {  	_ =	shalt  }
0x76: {  	_ =	shalt  }
0x77: {  	_ =	shalt  }
0x78: {  	_ =	shalt  }
0x79: {  	_ =	shalt  }
0x7a: {  	_ =	shalt  }
0x7b: {  	_ =	shalt  }
0x7c: {  	_ =	shalt  }
0x7d: {  	_ =	shalt  }
0x7e: {  	_ =	shalt  }
0x7f: {  	_ =	shalt  }
0x80: {  	_ =	shalt  }
0x81: {  	_ =	shalt  }
0x82: {  	_ =	shalt  }
0x83: {  	_ =	shalt  }
0x84: {  	_ =	shalt  }
0x85: {  	_ =	shalt  }
0x86: {  	_ =	shalt  }
0x87: {  	_ =	shalt  }
.Lfunc_end0:
.L_simem_size_0:
called_computation_lowered:
.L_overlay_start_0:
0x88: {  	s2 =	sld [smem:$0x3FD9]  }
0x89: {  	s3 =	sld [smem:$0x3FFE];
	_ =	sdelay $0x1  }
0x8a: {  	s1 =	srdreg.scid  }
0x8b: {  	s0 =	sand.u32 $0x1, s1  }
0x8c: {  	s17 =	sshll.u32 s0, $0xA;
	s2 =	sadd.s32 s3, s2  }
0x8d: {  	s2 =	sadd.s32 s2, s17  }
0x8e: {  	[smem:$0x3FC0] =	sst s2  }
0x8f: {  	_ = 	snop  }
0x90: {  	s2 =	sld [smem:$0x3FD0];
	(tm) =	ssettm $0x1  }
0x91: {  	s18 =	sld [smem:$0x3FFB];
	_ =	sdelay $0x3  }
0x92: {  	_ =	strace s18  }
0x93: {  	s3 =	sld [smem:$0x3FFC];
	_ =	sdelay $0x3  }
0x94: {  	_ =	strace s3  }
0x95: {  	s3 =	sld [smem:$0x3FFD];
	_ =	sdelay $0x3  }
0x96: {  	_ =	strace s3  }
0x97: {  	_ =	strace $0x8FFFFFFF  }
0x98: {  	s19 =	sld [smem:$0x3FDB];
	_ =	sdelay $0x1  }
0x99: {  	s4 =	simm.s32 $_scs_section_size  }
0x9a: {  	s5 =	simm.s32 $_size__tile_overlayer_lowered;
	s6 =	simm.s32 $_tile_overlayer_lowered  }
0x9b: {  	s22 =	simm.s32 $0x1BFF;
	s21 =	sshll.u32 s6, $0x1;
	s3 =	sadd.s32 s4, s19  }
0x9c: {  	s7 =	simm.s32 $0x0;
	s20 =	sshll.u32 s5, $0x1;
	s5 =	sadd.s32 s21, s3  }
0x9d: {  	[timem:s7], [sflag:s22] =	dma.local [hbm:s5], s20  }
0x9e: {  	_ =	swait.ge [sflag:s22], s20  }
0x9f: {  	s4 =	ssub.s32 $0x0, s20;
	[sflag:s22] =	ssyncset.done $0x0  }
0xa0: {  	[sflag:s22] =	ssyncadd.s32 s4;
	_ =	sdelay $0x1  }
0xa1: {  	s23 =	simm.s32 $0x1B8B  }
0xa2: {  	_ =	swait.ge [sflag:s23], $0x1  }
0xa3: {  	[sflag:s23] =	ssyncset.done $0x0  }
0xa4: {  	s25 =	simm.s32 $0x1B8E;
	s24 =	sld [smem:$0x3FFE];
	[sflag:s23] =	ssyncadd.s32 $0xFFFFFFFF  }
0xa5: {  	s26 =	simm.s32 $execute0_lowered;
	[smem:$0x3FD2] =	sst s25  }
0xa6: {  	s5 =	sshll.u32 s26, $0x1;
	_ =	strace $0x80000046;
	[dreg:$0x1] =	wrdreg $0xFFFFFFFF  }
0xa7: {  	s28 =	simm.s32 $_size_execute0_lowered;
	s3 =	sadd.s32 s3, s5;
	[dreg:$0x0] =	wrdreg $0x0  }
0xa8: {  	s5 =	sshll.u32 s28, $0x1;
	[dreg:$0x2] =	wrdreg s3  }
0xa9: {  	[dreg:$0x3] =	wrdreg s5  }
0xaa: {  	[dreg:$0x4] =	wrdreg $0xC0  }
0xab: {  	_ =	task [dreg:s7], $0x5FFFF  }
0xac: {  	[dreg:$0x1] =	wrdreg $0xFFFFFFFF  }
0xad: {  	[dreg:$0x0] =	wrdreg $0x60  }
0xae: {  	[dreg:$0x2] =	wrdreg s2  }
0xaf: {  	[dreg:$0x3] =	wrdreg s24  }
0xb0: {  	[dreg:$0x4] =	wrdreg $0x43000  }
0xb1: {  	[dreg:$0x5] =	wrdreg $0x9  }
0xb2: {  	_ =	task.clear_ibuf [dreg:s7], $0x6FFFF;
	_ =	strace $0x90000046  }
0xb3: {  	s29 =	simm.s32 $0x9;
	_ =	strace $0x80000048  }
0xb4: {  	_ =	swait.ge [sflag:s29], $0x1  }
0xb5: {  	[sflag:s29] =	ssyncadd.s32 $0xFFFFFFFF  }
0xb6: {  	_ =	strace $0x90000048  }
0xb7: {  	_ =	sfence  }
0xb8: {  	s30 =	sld [smem:$0x0];
	_ =	sdelay $0x2  }
0xb9: {  	s31 =	sshll.u32 s1, $0xD;
	s1 =	sshrl.u32 s1, $0x2  }
0xba: {  	s3 =	sand.u32 $0x4000, s31;
	s1 =	sadd.s32 s1, s30  }
0xbb: {  	s0 =	sor.u32 s3, s0;
	s1 =	sshll.u32 s1, $0x11  }
0xbc: {  	s0 =	sor.u32 s1, s0  }
0xbd: {  	s0 =	sadd.s32 $0x8F2B, s0  }
0xbe: {  	[sflag:s0] =	ssyncadd.remote.s32 $0x1  }
0xbf: {  	_ =	sfence.sel $0xFFFF  }
0xc0: {  	[dreg:$0x0] =	wrdreg $0xFFFFFFFF;
	(pc) =	sbr.abs _section_cstart, $3  }
0xc1: {  	[dreg:$0x1] =	wrdreg $0xFFFFFFFF  }
0xc2: {  	_ =	task.clear_ibuf [dreg:s7], $0x2FFFF;
	_ =	strace $0x9FFFFFFF  }
0xc3: {  	(tm) =	ssettm $0x7FFFFFFF  }
tec
execute0_lowered:
.L_overlay_start_1:
0x0: {  	(tag) =	ssettag $0x1  }
0x1: {  	s0 =	rddreg [dreg:$0x0];
	s1 =	srdreg.scid  }
0x2: {  	s6 =	rddreg [dreg:$0x1];
	s17 =	stileid.u32  }
0x3: {  	s2 =	rddreg [dreg:$0x2];
	s3 =	simm.s32 $0x0;
	s15 =	simm.s32 $0x1  }
0x4: {  	s23 =	stileid.u32;
	s28 =	simm.s32 $0x2F00;
	s5 =	smul.u32 $0x1F400, s17  }
0x5: {  	s29 =	simm.s32 $0x3300;
	s30 =	simm.s32 $0x3700;
	s8 =	smul.u32 $0x4F000, s17  }
0x6: {  	s31 =	simm.s32 $0x3B00;
	s18 =	simm.s32 $0x0;
	s12 =	smul.u32 $0x7D000, s17  }
0x7: {  	s1 =	sand.u32 $0x1, s1;
	[smem:$0x7FF] =	sst s3;
	s13 =	smul.u32 $0x12600, s17  }
0x8: {  	p0 =	sgt.u32 s17, $0x9;
	s17 =	simm.s32 $0x180;
	s4 =	smul.u32 $0x138800, s1  }
0x9: {  	_ =	strace $0x80000047;
	s24 =	ssub.s32 $0x2, s1;
	s1 =	smul.u32 $0x9300, s1  }
0xa: {  	s25 =	sshrl.u32 s8, $0x2;
	s26 =	sshrl.u32 s24, $0x1;
	s12 =	sshrl.u32 s12, $0x2  }
0xb: {  	s4 =	sadd.s32 s5, s4;
	s5 =	sadd.s32 $0x2A00, s6;
	s14 =	ssub.s32 s24, s26  }
0xc: {  	s1 =	sadd.s32 s1, s13;
	s16 =	sadd.s32 s12, s2;
	s24 =	simm.s32 $0x2700  }
0xd: {  	s26 =	simm.s32 $0x2B00;
	s7 =	sshrl.u32 s4, $0x3;
	s4 =	sadd.s32 $0x2800, s6  }
0xe: {  	s12 =	smax.u32 s14, $0x1;
	s1 =	sshrl.u32 s1, $0x3;
	s14 =	simm.s32 $0x300  }
0xf: {  	s11 =	sadd.s32 s7, s6;
	s6 =	sadd.s32 s25, s2;
	s13 =	sadd.s32 s1, s0  }
0x10: {  	s25 =	sshrl.u32 @!p0 s16, $0x3;
	s1 =	simm.s32 $0x3F00;
	s16 =	simm.s32 $0x80  }
0x11: {  	s0 =	simm.s32 $0x280;
	s7 =	sadd.s32 $0x4000, s6;
	s8 =	sadd.s32 $0x8000, s6  }
0x12: {  	s9 =	sadd.s32 $0xC000, s6;
	s10 =	sadd.s32 $0x10000, s6;
	s11 =	sadd.s32 $0x3200, s11  }
.LBB2_1:
0x13: {  	[tilespmem:s14], [sflag:$0x1] =	stream.linear.gather [hbm4b:s4+s3], $0x400, $0x38;
	[tilespmem:$0x17F00] =	vst v63  }
0x14: {  	_ =	swait.ge [sflag:s15], $0x400  }
0x15: {  	[sflag:s15] =	ssyncset.done $0x0  }
0x16: {  	s19 =	simm.s32 $0x700;
	[sflag:s15] =	ssyncadd.s32 $0xFFFFFC00  }
0x17: {  	[tilespmem:s19], [sflag:$0x1] =	stream.linear.gather [hbm4b:s4+s3], $0x400, $0x38;
	[tilespmem:$0x17F00] =	vst v63  }
0x18: {  	_ =	swait.ge [sflag:s15], $0x400  }
0x19: {  	[sflag:s15] =	ssyncset.done $0x0  }
0x1a: {  	s21 =	simm.s32 $0xB00;
	[sflag:s15] =	ssyncadd.s32 $0xFFFFFC00  }
0x1b: {  	[tilespmem:s21], [sflag:$0x1] =	stream.linear.gather [hbm4b:s4+s3], $0x400, $0x38;
	[tilespmem:$0x17F00] =	vst v63  }
0x1c: {  	_ =	swait.ge [sflag:s15], $0x400  }
0x1d: {  	[sflag:s15] =	ssyncset.done $0x0  }
0x1e: {  	s22 =	simm.s32 $0xF00;
	[sflag:s15] =	ssyncadd.s32 $0xFFFFFC00  }
0x1f: {  	[tilespmem:s22], [sflag:$0x1] =	stream.linear.gather [hbm4b:s4+s3], $0x400, $0x38;
	[tilespmem:$0x17F00] =	vst v63  }
0x20: {  	_ =	swait.ge [sflag:s15], $0x400  }
0x21: {  	[sflag:s15] =	ssyncset.done $0x0  }
0x22: {  	s20 =	simm.s32 $0x1300;
	[sflag:s15] =	ssyncadd.s32 $0xFFFFFC00  }
0x23: {  	[tilespmem:s20], [sflag:$0x1] =	stream.linear.gather [hbm4b:s4+s3], $0x400, $0x38;
	[tilespmem:$0x17F00] =	vst v63  }
0x24: {  	_ =	swait.ge [sflag:s15], $0x400  }
0x25: {  	[sflag:s15] =	ssyncset.done $0x0  }
0x26: {  	s21 =	simm.s32 $0x1700;
	[sflag:s15] =	ssyncadd.s32 $0xFFFFFC00  }
0x27: {  	[tilespmem:s21], [sflag:$0x1] =	stream.linear.gather [hbm4b:s4+s3], $0x400, $0x38;
	[tilespmem:$0x17F00] =	vst v63  }
0x28: {  	_ =	swait.ge [sflag:s15], $0x400  }
0x29: {  	[sflag:s15] =	ssyncset.done $0x0  }
0x2a: {  	s22 =	simm.s32 $0x1B00;
	[sflag:s15] =	ssyncadd.s32 $0xFFFFFC00  }
0x2b: {  	[tilespmem:s22], [sflag:$0x1] =	stream.linear.gather [hbm4b:s4+s3], $0x400, $0x38;
	[tilespmem:$0x17F00] =	vst v63  }
0x2c: {  	_ =	swait.ge [sflag:s15], $0x400  }
0x2d: {  	[sflag:s15] =	ssyncset.done $0x0  }
0x2e: {  	s20 =	simm.s32 $0x1F00;
	[sflag:s15] =	ssyncadd.s32 $0xFFFFFC00  }
0x2f: {  	[tilespmem:s20], [sflag:$0x1] =	stream.linear.gather [hbm4b:s4+s3], $0x400, $0x38;
	[tilespmem:$0x17F00] =	vst v63  }
0x30: {  	_ =	swait.ge [sflag:s15], $0x400  }
0x31: {  	[sflag:s15] =	ssyncset.done $0x0  }
0x32: {  	s21 =	simm.s32 $0x2300;
	[sflag:s15] =	ssyncadd.s32 $0xFFFFFC00  }
0x33: {  	[tilespmem:s21], [sflag:$0x1] =	stream.linear.gather [hbm4b:s4+s3], $0x400, $0x38;
	[tilespmem:$0x17F00] =	vst v63  }
0x34: {  	_ =	swait.ge [sflag:s15], $0x400  }
0x35: {  	[sflag:s15] =	ssyncset.done $0x0  }
0x36: {  	[sflag:s15] =	ssyncadd.s32 $0xFFFFFC00  }
0x37: {  	[tilespmem:s24], [sflag:$0x1] =	stream.linear.gather [hbm4b:s4+s3], $0x400, $0x38;
	[tilespmem:$0x17F00] =	vst v63  }
0x38: {  	_ =	swait.ge [sflag:s15], $0x400  }
0x39: {  	[sflag:s15] =	ssyncset.done $0x0  }
0x3a: {  	[sflag:s15] =	ssyncadd.s32 $0xFFFFFC00  }
0x3b: {  	[tilespmem:s26], [sflag:$0x1] =	stream.linear.gather [hbm4b:s4+s3], $0x400, $0x38;
	[tilespmem:$0x17F00] =	vst v63  }
0x3c: {  	_ =	swait.ge [sflag:s15], $0x400  }
0x3d: {  	[sflag:s15] =	ssyncset.done $0x0  }
0x3e: {  	[sflag:s15] =	ssyncadd.s32 $0xFFFFFC00  }
0x3f: {  	[tilespmem:s28], [sflag:$0x1] =	stream.linear.gather [hbm4b:s4+s3], $0x400, $0x38;
	[tilespmem:$0x17F00] =	vst v63  }
0x40: {  	_ =	swait.ge [sflag:s15], $0x400  }
0x41: {  	[sflag:s15] =	ssyncset.done $0x0  }
0x42: {  	[sflag:s15] =	ssyncadd.s32 $0xFFFFFC00  }
0x43: {  	[tilespmem:s29], [sflag:$0x1] =	stream.linear.gather [hbm4b:s4+s3], $0x400, $0x38;
	[tilespmem:$0x17F00] =	vst v63  }
0x44: {  	_ =	swait.ge [sflag:s15], $0x400  }
0x45: {  	[sflag:s15] =	ssyncset.done $0x0  }
0x46: {  	[sflag:s15] =	ssyncadd.s32 $0xFFFFFC00  }
0x47: {  	[tilespmem:s30], [sflag:$0x1] =	stream.linear.gather [hbm4b:s4+s3], $0x400, $0x38;
	[tilespmem:$0x17F00] =	vst v63  }
0x48: {  	_ =	swait.ge [sflag:s15], $0x400  }
0x49: {  	[sflag:s15] =	ssyncset.done $0x0  }
0x4a: {  	[sflag:s15] =	ssyncadd.s32 $0xFFFFFC00  }
0x4b: {  	[tilespmem:s31], [sflag:$0x1] =	stream.linear.gather [hbm4b:s4+s3], $0x400, $0x38;
	[tilespmem:$0x17F00] =	vst v63  }
0x4c: {  	_ =	swait.ge [sflag:s15], $0x400  }
0x4d: {  	[sflag:s15] =	ssyncset.done $0x0  }
0x4e: {  	[sflag:s15] =	ssyncadd.s32 $0xFFFFFC00  }
0x4f: {  	[tilespmem:s1], [sflag:$0x1] =	stream.linear.gather [hbm4b:s4+s3], $0x400, $0x38;
	[tilespmem:$0x17F00] =	vst v63  }
0x50: {  	_ =	swait.ge [sflag:s15], $0x400  }
0x51: {  	[sflag:s15] =	ssyncset.done $0x0  }
0x52: {  	[sflag:s15] =	ssyncadd.s32 $0xFFFFFC00  }
0x53: {  	[spmem:s6] =	stream.linear.scatter [tilespmem:s14], [sflag:$0x1], $0x4000, $0x38;
	[tilespmem:$0x17F00] =	vst v63  }
0x54: {  	_ =	swait.ge [sflag:s15], $0x4000  }
0x55: {  	[sflag:s15] =	ssyncset.done $0x0  }
0x56: {  	[sflag:s15] =	ssyncadd.s32 $0xFFFFC000  }
0x57: {  	[spmem:s7] =	stream.linear.scatter [tilespmem:s14], [sflag:$0x1], $0x4000, $0x38;
	[tilespmem:$0x17F00] =	vst v63  }
0x58: {  	_ =	swait.ge [sflag:s15], $0x4000  }
0x59: {  	[sflag:s15] =	ssyncset.done $0x0  }
0x5a: {  	[sflag:s15] =	ssyncadd.s32 $0xFFFFC000  }
0x5b: {  	[spmem:s8] =	stream.linear.scatter [tilespmem:s14], [sflag:$0x1], $0x4000, $0x38;
	[tilespmem:$0x17F00] =	vst v63  }
0x5c: {  	_ =	swait.ge [sflag:s15], $0x4000  }
0x5d: {  	[sflag:s15] =	ssyncset.done $0x0  }
0x5e: {  	[sflag:s15] =	ssyncadd.s32 $0xFFFFC000  }
0x5f: {  	[spmem:s9] =	stream.linear.scatter [tilespmem:s14], [sflag:$0x1], $0x4000, $0x38;
	[tilespmem:$0x17F00] =	vst v63  }
0x60: {  	_ =	swait.ge [sflag:s15], $0x4000  }
0x61: {  	[sflag:s15] =	ssyncset.done $0x0  }
0x62: {  	[sflag:s15] =	ssyncadd.s32 $0xFFFFC000  }
0x63: {  	[spmem:s10] =	stream.linear.scatter [tilespmem:s14], [sflag:$0x1], $0x3C00, $0x38;
	[tilespmem:$0x17F00] =	vst v63  }
0x64: {  	_ =	swait.ge [sflag:s15], $0x3C00  }
0x65: {  	[sflag:s15] =	ssyncset.done $0x0  }
0x66: {  	[sflag:s15] =	ssyncadd.s32 $0xFFFFC400  }
0x67: {  	[tilespmem:s14], [sflag:$0x1] =	stream.linear.gather [hbm4b:s5+s3], $0x4000, $0x38;
	[tilespmem:$0x17F00] =	vst v63  }
0x68: {  	_ =	swait.ge [sflag:s15], $0x4000  }
0x69: {  	[sflag:s15] =	ssyncset.done $0x0  }
0x6a: {  	[sflag:s15] =	ssyncadd.s32 $0xFFFFC000  }
0x6b: {  	s22 =	sadd.s32 $0x0, s13;
	[bflag:$0x0] =	sbarrier.arrive $0xFFFF  }
0x6c: {  	[tilespmem:s3], [sflag:$0x1] =	stream.linear.gather [hbm4b:s22+s3], $0x300, $0x38;
	[tilespmem:$0x17F00] =	vst v63  }
0x6d: {  	_ =	swait.ge [sflag:s15], $0x300  }
0x6e: {  	[sflag:s15] =	ssyncset.done $0x0  }
0x6f: {  	[sflag:s15] =	ssyncadd.s32 $0xFFFFFD00  }
0x70: {  	[spmem:s2] =	stream.indirect.scatter.add.f32 [tilespmem:s14], [sflag:$0x1], $0x80, s16, s16, $0xb8;
	[tilespmem:$0x17F00] =	vst v63  }
0x71: {  	_ =	swait.ge [sflag:s15], $0x4000  }
0x72: {  	[sflag:s15] =	ssyncset.done $0x0  }
0x73: {  	[sflag:s15] =	ssyncadd.s32 $0xFFFFC000  }
0x74: {  	[spmem:s2] =	stream.indirect.scatter.add.f32 [tilespmem:s14], [sflag:$0x1], $0x80, s17, s16, $0xb8;
	[tilespmem:$0x17F00] =	vst v63  }
0x75: {  	_ =	swait.ge [sflag:s15], $0x4000  }
0x76: {  	[sflag:s15] =	ssyncset.done $0x0  }
0x77: {  	[sflag:s15] =	ssyncadd.s32 $0xFFFFC000  }
0x78: {  	[spmem:s2] =	stream.indirect.scatter.add.f32 [tilespmem:s14], [sflag:$0x1], $0x80, s0, s16, $0xb8;
	[tilespmem:$0x17F00] =	vst v63  }
0x79: {  	_ =	swait.ge [sflag:s15], $0x4000  }
0x7a: {  	s19 =	simm.s32 $0x60;
	s20 =	simm.s32 $0xC0;
	[sflag:s15] =	ssyncset.done $0x0  }
.LBB2_2:
0x7b: {  	s21 =	sadd.s32 s19, s13  }
0x7c: {  	[sflag:s15] =	ssyncadd.s32 $0xFFFFC000;
	s19 =	smov.u32 s20;
	s22 =	sadd.s32 $0x60, s20  }
0x7d: {  	[tilespmem:s3], [sflag:$0x1] =	stream.linear.gather [hbm4b:s21+s3], $0x300, $0x38;
	[tilespmem:$0x17F00] =	vst v63  }
0x7e: {  	p1 =	sne.s32 s20, $0x1200;
	_ =	swait.ge [sflag:s15], $0x300  }
0x7f: {  	[sflag:s15] =	ssyncset.done $0x0  }
0x80: {  	[sflag:s15] =	ssyncadd.s32 $0xFFFFFD00  }
0x81: {  	[spmem:s2] =	stream.indirect.scatter.add.f32 [tilespmem:s14], [sflag:$0x1], $0x80, s16, s16, $0xb8;
	[tilespmem:$0x17F00] =	vst v63  }
0x82: {  	_ =	swait.ge [sflag:s15], $0x4000  }
0x83: {  	[sflag:s15] =	ssyncset.done $0x0  }
0x84: {  	[sflag:s15] =	ssyncadd.s32 $0xFFFFC000  }
0x85: {  	[spmem:s2] =	stream.indirect.scatter.add.f32 [tilespmem:s14], [sflag:$0x1], $0x80, s17, s16, $0xb8;
	[tilespmem:$0x17F00] =	vst v63  }
0x86: {  	_ =	swait.ge [sflag:s15], $0x4000  }
.Ltmp0:
0x87: {  	[sflag:s15] =	ssyncset.done $0x0;
	(pc) =	sbr.rel @p1 .LBB2_2-.Ltmp0, $4  }
0x88: {  	[sflag:s15] =	ssyncadd.s32 $0xFFFFC000  }
0x89: {  	[spmem:s2] =	stream.indirect.scatter.add.f32 [tilespmem:s14], [sflag:$0x1], $0x80, s0, s16, $0xb8;
	[tilespmem:$0x17F00] =	vst v63  }
0x8a: {  	_ =	swait.ge [sflag:s15], $0x4000  }
0x8b: {  	s20 =	smov.u32 s22;
	[sflag:s15] =	ssyncset.done $0x0  }
0x8c: {  	s19 =	sadd.s32 s19, s13;
	[sflag:s15] =	ssyncadd.s32 $0xFFFFC000  }
0x8d: {  	[tilespmem:s3], [sflag:$0x1] =	stream.linear.gather [hbm4b:s19+s3], $0x300, $0x38;
	[tilespmem:$0x17F00] =	vst v63  }
0x8e: {  	_ =	swait.ge [sflag:s15], $0x300  }
0x8f: {  	[sflag:s15] =	ssyncset.done $0x0  }
0x90: {  	[sflag:s15] =	ssyncadd.s32 $0xFFFFFD00  }
0x91: {  	[spmem:s2] =	stream.indirect.scatter.add.f32 [tilespmem:s14], [sflag:$0x1], $0x80, s16, s16, $0xb8;
	[tilespmem:$0x17F00] =	vst v63  }
0x92: {  	_ =	swait.ge [sflag:s15], $0x4000  }
0x93: {  	[sflag:s15] =	ssyncset.done $0x0  }
0x94: {  	[sflag:s15] =	ssyncadd.s32 $0xFFFFC000  }
0x95: {  	[spmem:s2] =	stream.indirect.scatter.add.f32 [tilespmem:s14], [sflag:$0x1], $0x80, s17, s16, $0xb8;
	[tilespmem:$0x17F00] =	vst v63  }
0x96: {  	_ =	swait.ge [sflag:s15], $0x4000  }
0x97: {  	[sflag:s15] =	ssyncset.done $0x0  }
0x98: {  	[sflag:s15] =	ssyncadd.s32 $0xFFFFC000  }
0x99: {  	[spmem:s2] =	stream.indirect.scatter.add.f32 [tilespmem:s14], [sflag:$0x1], $0x80, s0, s16, $0xb8;
	[tilespmem:$0x17F00] =	vst v63  }
0x9a: {  	_ =	swait.ge [sflag:s15], $0x4000  }
0x9b: {  	[sflag:s15] =	ssyncset.done $0x0  }
0x9c: {  	s18 =	sadd.s32 $0x1, s18;
	s19 =	sshll.u32 @!p0 s23, $0x6;
	[sflag:s15] =	ssyncadd.s32 $0xFFFFC000  }
0x9d: {  	p1 =	sne.s32 s18, s12;
	s19 =	sor.u32 @!p0 $0x1C01, s19;
	[bflag:$0x0] =	sbarrier.arrive $0xFFFF  }
0x9e: {  	[hbm:s11], [sflag:s19] =	dma.local @!p0 [spmem:s25], $0x3E80  }
.Ltmp1:
0x9f: {  	_ = 	snop;
	(pc) =	sbr.rel @p1 .LBB2_1-.Ltmp1, $4  }
0xa0: {  	s19 =	simm.s32 @!p0 $0x1  }
0xa1: {  	_ =	swait.ge @!p0 [sflag:s19], $0x3E80  }
0xa2: {  	[sflag:s19] =	ssyncset.done @!p0 $0x0  }
0xa3: {  	[sflag:s19] =	ssyncadd.s32 @!p0 $0xFFFFC180  }
0xa4: {  	_ =	sfence.sel $0x180000  }
0xa5: {  	[bflag:$0x0] =	sbarrier.arrive $0xFFFF  }
0xa6: {  	_ =	strace $0x90000047  }
0xa7: {  	[bflag:$0x2] =	sbarrier.arrive $0xFFFF  }
0xa8: {  	p0 =	sne.s32 s23, $0x0;
	s0 =	rddreg [dreg:$0x3]  }
0xa9: {  	s0 =	sadd.s32 @!p0 $0x100000, s0  }
0xaa: {  	[sflag:s0] =	ssyncadd.tile.s32 @!p0 $0x1;
	_ =	shalt  }
.Lfunc_end2:
_tile_overlayer_lowered:
.L_overlay_start_2:
0xab: {  	(tag) =	ssettag $0x2  }
0xac: {  	s0 =	rddreg [dreg:$0x0];
	s2 =	stileid.u32  }
0xad: {  	s1 =	rddreg [dreg:$0x1];
	p0 =	sne.s32 s2, $0x0  }
0xae: {  	s3 =	rddreg [dreg:$0x2];
	[bflag:$0x3] =	sbarrier.arrive $0xFFFF;
	s2 =	simm.s32 @!p0 $0x1C01  }
0xaf: {  	[timem:s3], [sflag:s2] =	dma.local @!p0 [hbm:s0], s1  }
0xb0: {  	s0 =	simm.s32 @!p0 $0x1  }
0xb1: {  	_ =	swait.ge @!p0 [sflag:s0], s1  }
0xb2: {  	s1 =	ssub.s32 @!p0 $0x0, s1;
	[sflag:s0] =	ssyncset.done @!p0 $0x0  }
0xb3: {  	[sflag:s0] =	ssyncadd.s32 @!p0 s1  }
0xb4: {  	[bflag:$0x3] =	sbarrier.arrive $0xFFFF  }
0xb5: {  	_ =	shalt  }

</sc_bundles>
